<compile_context>
chip_gen: v7x
topology: tpu7x:2x2x1
jax: 0.10.2.dev20260603
libtpu: 0.0.44.dev20260713+nightly
codegen_flags: <defaults>
</compile_context>

<pallas_src>
import functools

import jax
import jax.numpy as jnp
from jax import lax
from jax.experimental import pallas as pl
from jax.experimental.pallas import tpu as pltpu
from jax.experimental.pallas import tpu_sc as plsc

B = 64
N = 196
NP = 208
K = 49
D = 768
NBLK = NP // 16
_MESH = plsc.VectorSubcoreMesh(core_axis_name="c", subcore_axis_name="s")


@functools.partial(
    pl.kernel,
    out_type=[
        jax.ShapeDtypeStruct(((K + 1) * B, D), jnp.float32),
        jax.ShapeDtypeStruct((B * N,), jnp.int32),
        jax.ShapeDtypeStruct((B * N,), jnp.int32),
    ],
    mesh=_MESH,
    compiler_params=pltpu.CompilerParams(needs_layout_passes=False),
    scratch_types=[
        pltpu.VMEM((2 * N,), jnp.float32),
        pltpu.VMEM((NP,), jnp.float32),
        pltpu.VMEM((NP,), jnp.int32),
        pltpu.VMEM((NP,), jnp.int32),
        pltpu.VMEM((2 * N,), jnp.int32),
        pltpu.VMEM((2 * N,), jnp.int32),
        pltpu.VMEM((K + 1,), jnp.int32),
        pltpu.VMEM((K + 1,), jnp.int32),
        pltpu.VMEM((K + 1,), jnp.int32),
        pltpu.VMEM((K + 1,), jnp.int32),
        pltpu.VMEM((K + 1, D), jnp.float32),
        pltpu.VMEM((K + 1, D), jnp.float32),
        pltpu.SemaphoreType.DMA,
        pltpu.SemaphoreType.DMA,
        pltpu.SemaphoreType.DMA,
        pltpu.SemaphoreType.DMA,
    ],
)
def _sc_kernel(x_hbm, noise_hbm, out_hbm, shuf_hbm, rank_hbm,
               noise_v, nf_v, nk_v, occ_v, shuf_v, rank_v,
               idx0_v, oidx0_v, idx1_v, oidx1_v, rows0_v, rows1_v,
               gsem0, gsem1, ssem0, ssem1):
    cid = lax.axis_index("c")
    sid = lax.axis_index("s")
    wid = sid * 2 + cid
    lane = lax.iota(jnp.int32, 16)
    zeros16 = jnp.zeros((16,), jnp.int32)
    ones16 = jnp.ones((16,), jnp.int32)

    pltpu.sync_copy(noise_hbm.at[pl.ds(wid * 2 * N, 2 * N)], noise_v)

    idx_bufs = ((idx0_v, oidx0_v, rows0_v, gsem0, ssem0),
                (idx1_v, oidx1_v, rows1_v, gsem1, ssem1))
    gathers = []

    for r in range(2):
        b = wid * 2 + r
        roff = r * N
        idx_v, oidx_v, rows_v, gsem, ssem = idx_bufs[r]

        for k in range(NBLK):
            src = jnp.minimum(lane + (roff + 16 * k), 2 * N - 1)
            v = plsc.load_gather(noise_v, [src])
            if k == NBLK - 1:
                v = jnp.where(lane < 4, v, 1.0)
            nf_v[pl.ds(16 * k, 16)] = v
            nk_v[pl.ds(16 * k, 16)] = plsc.bitcast(v, jnp.int32)

        nk = [nk_v[pl.ds(16 * k, 16)] for k in range(NBLK)]
        iv = [lane + 16 * k for k in range(NBLK)]

        def step(j, cnt):
            bj = plsc.load_gather(nk_v, [jnp.full((16,), j, jnp.int32)])
            return tuple(cnt[k] - ((bj - nk[k]) >> 31) for k in range(NBLK))

        rank = lax.fori_loop(0, N, step,
                             tuple(zeros16 for _ in range(NBLK)))

        for k in range(NBLK):
            occ_v[pl.ds(16 * k, 16)] = zeros16
        for k in range(NBLK):
            plsc.addupdate_scatter(occ_v, [rank[k]], ones16,
                                   mask=iv[k] < N)
        mx = zeros16
        for k in range(NBLK):
            mx = jnp.maximum(mx, occ_v[pl.ds(16 * k, 16)])
        has_tie = jnp.max(mx, axis=0) > 1

        for k in range(NBLK):
            plsc.store_scatter(rank_v, [iv[k] + roff], rank[k],
                               mask=iv[k] < N)
            plsc.store_scatter(shuf_v, [rank[k] + roff], iv[k],
                               mask=rank[k] < N)

        @pl.when(has_tie)
        def _fixup():
            nf = [nf_v[pl.ds(16 * k, 16)] for k in range(NBLK)]

            def step2(j, cnt):
                jv = jnp.full((16,), j, jnp.int32)
                nj = plsc.load_gather(nf_v, [jv])
                new = []
                for k in range(NBLK):
                    hit = (nj < nf[k]) | ((nj == nf[k]) & (jv < iv[k]))
                    new.append(cnt[k] + hit.astype(jnp.int32))
                return tuple(new)

            rank2 = lax.fori_loop(0, N, step2,
                                  tuple(zeros16 for _ in range(NBLK)))
            for k in range(NBLK):
                plsc.store_scatter(rank_v, [iv[k] + roff], rank2[k],
                                   mask=iv[k] < N)
                plsc.store_scatter(shuf_v, [rank2[k] + roff], iv[k],
                                   mask=rank2[k] < N)

        for c in range(4):
            src = jnp.maximum(lane + (16 * c - 1), 0) + roff
            s = plsc.load_gather(shuf_v, [src])
            g = (s + 1) * B + b
            if c == 0:
                g = jnp.where(lane == 0, b, g)
            pos = lane + 16 * c
            m = pos < (K + 1)
            plsc.store_scatter(idx_v, [pos], g, mask=m)
            plsc.store_scatter(oidx_v, [pos], pos * B + b, mask=m)

        gathers.append(pltpu.async_copy(x_hbm.at[idx_v], rows_v, gsem))

    scatters = []
    for r in range(2):
        idx_v, oidx_v, rows_v, gsem, ssem = idx_bufs[r]
        gathers[r].wait()
        scatters.append(pltpu.async_copy(rows_v, out_hbm.at[oidx_v], ssem))

    pltpu.sync_copy(shuf_v, shuf_hbm.at[pl.ds(wid * 2 * N, 2 * N)])
    pltpu.sync_copy(rank_v, rank_hbm.at[pl.ds(wid * 2 * N, 2 * N)])
    for s in scatters:
        s.wait()


@jax.jit
def kernel(x, noise):
    x_t = jnp.transpose(x, (1, 0, 2)).reshape(197 * B, D)
    noise_flat = noise.reshape(B * N)
    out_t, shuf, rank = _sc_kernel(x_t, noise_flat)
    out = jnp.transpose(out_t.reshape(K + 1, B, D), (1, 0, 2))
    shuf = shuf.reshape(B, N)
    rank = rank.reshape(B, N)
    remain_idx = shuf[:, :K]
    masked_idx = shuf[:, K:]
    remain_padding_mask = jnp.ones((B, K + 1), dtype=jnp.float32)
    revert_padding_mask = jnp.ones((B, N + 1), dtype=jnp.float32)
    return (out, remain_idx, masked_idx, rank,
            remain_padding_mask, revert_padding_mask)

# --- scband reference (transcript-rebuilt; emitter-appended) ---
"""Pipeline reference for scband-img-remain-4715874091599 (READ-ONLY COPY).

The authoritative reference and input builder live on the scoring server;
editing this copy changes nothing except your own understanding.
"""

import jax, jax.numpy as jnp
import numpy as np

REMAIN_RTO = 0.25

def setup_inputs(seed: int = 0) -> dict:
    key = jax.random.key(seed)
    k1, k2 = jax.random.split(key)
    x = jax.random.normal(k1, (64, 197, 768), dtype=jnp.float32)
    noise = jax.random.uniform(k2, (64, 196), dtype=jnp.float32)
    return {"x": x, "noise": noise}

def reference(x, noise):
    # Faithful translation of ImgRemain.forward for a single img col.
    # The torch module draws noise internally via torch.rand; here noise is
    # passed in explicitly for determinism (same distribution, same math).
    global_token = x[:, :1, :]
    val = x[:, 1:, :]
    num_remain = int(val.shape[1] * REMAIN_RTO)
    shuffle_idx = jnp.argsort(noise, axis=1)
    remain_idx = shuffle_idx[:, :num_remain]
    masked_idx = shuffle_idx[:, num_remain:]
    revert_idx = jnp.argsort(shuffle_idx, axis=1)
    remain_padding_mask = jnp.ones((remain_idx.shape[0], remain_idx.shape[1] + 1), dtype=jnp.float32)
    revert_padding_mask = jnp.ones((revert_idx.shape[0], revert_idx.shape[1] + 1), dtype=jnp.float32)
    gathered = jnp.take_along_axis(val, remain_idx[:, :, None], axis=1)
    out = jnp.concatenate([global_token, gathered], axis=1)
    return (out, remain_idx, masked_idx, revert_idx, remain_padding_mask, revert_padding_mask)

if __name__ == "__main__":
    import jax
    _d = setup_inputs()
    print(jax.jit(kernel)(*tuple(_d.values())))

</pallas_src>

<mosaic_0001>
#map = affine_map<(d0, d1) -> (0, 0)>
#map1 = affine_map<(d0, d1) -> (0)>
module attributes {stable_mosaic.version = 14 : i64} {
  func.func @_sc_kernel(%arg0: i32, %arg1: i32, %arg2: memref<12608x768xf32, #tpu.memory_space<hbm>>, %arg3: memref<12544xf32, #tpu.memory_space<hbm>>, %arg4: memref<3200x768xf32, #tpu.memory_space<hbm>>, %arg5: memref<12544xi32, #tpu.memory_space<hbm>>, %arg6: memref<12544xi32, #tpu.memory_space<hbm>>, %arg7: memref<392xf32, #tpu.memory_space<vmem>>, %arg8: memref<208xf32, #tpu.memory_space<vmem>>, %arg9: memref<208xi32, #tpu.memory_space<vmem>>, %arg10: memref<208xi32, #tpu.memory_space<vmem>>, %arg11: memref<392xi32, #tpu.memory_space<vmem>>, %arg12: memref<392xi32, #tpu.memory_space<vmem>>, %arg13: memref<50xi32, #tpu.memory_space<vmem>>, %arg14: memref<50xi32, #tpu.memory_space<vmem>>, %arg15: memref<50xi32, #tpu.memory_space<vmem>>, %arg16: memref<50xi32, #tpu.memory_space<vmem>>, %arg17: memref<50x768xf32, #tpu.memory_space<vmem>>, %arg18: memref<50x768xf32, #tpu.memory_space<vmem>>, %arg19: memref<!tpu.dma_semaphore, #tpu.memory_space<semaphore_mem>>, %arg20: memref<!tpu.dma_semaphore, #tpu.memory_space<semaphore_mem>>, %arg21: memref<!tpu.dma_semaphore, #tpu.memory_space<semaphore_mem>>, %arg22: memref<!tpu.dma_semaphore, #tpu.memory_space<semaphore_mem>>) attributes {dimension_semantics = [#tpu.dimension_semantics<core_parallel>, #tpu.dimension_semantics<subcore_parallel>], iteration_bounds = array<i64: 2, 16>, scalar_prefetch = 0 : i64, scratch_operands = 16 : i64, tpu.core_type = #tpu.core_type<sc_vector_subcore>, window_params = [{transform_indices = #map}, {transform_indices = #map1}, {transform_indices = #map}, {transform_indices = #map1}, {transform_indices = #map1}]} {
    %mul3A = arith.constant 2 : i32
    %mul3A_0 = arith.muli %arg1, %mul3A : i32
    %add3A = arith.addi %mul3A_0, %arg0 : i32
    %iota3A = tpu.iota {dimensions = array<i32: 0>} : vector<16xi32>
    %broadcast_in_dim3A = arith.constant 0 : i32
    %broadcast_in_dim3A_1 = vector.broadcast %broadcast_in_dim3A : i32 to vector<16xi32>
    %broadcast_in_dim3A_2 = arith.constant 1 : i32
    %broadcast_in_dim3A_3 = vector.broadcast %broadcast_in_dim3A_2 : i32 to vector<16xi32>
    %mul3A_4 = arith.constant 2 : i32
    %mul3A_5 = arith.muli %add3A, %mul3A_4 : i32
    %mul3A_6 = arith.constant 196 : i32
    %mul3A_7 = arith.muli %mul3A_5, %mul3A_6 : i32
    "tpu.region"() ({
      %run_scoped3A = tpu.sem_alloc : memref<!tpu.dma_semaphore, #tpu.memory_space<semaphore_mem>>
      %dma_start3A_1285 = tpu.memref_slice %arg3[%mul3A_7] : memref<12544xf32, #tpu.memory_space<hbm>> -> memref<392xf32, #tpu.memory_space<hbm>>
      %dma_start3A_1286 = tpu.memref_slice %arg3[%mul3A_7] : memref<12544xf32, #tpu.memory_space<hbm>> -> memref<392xf32, #tpu.memory_space<hbm>>
      tpu.enqueue_dma source(%dma_start3A_1286 : memref<392xf32, #tpu.memory_space<hbm>>) target(%arg7 : memref<392xf32, #tpu.memory_space<vmem>>) target_semaphore(%run_scoped3A : memref<!tpu.dma_semaphore, #tpu.memory_space<semaphore_mem>>)
      %dma_wait3A_1287 = tpu.memref_slice %arg3[%mul3A_7] : memref<12544xf32, #tpu.memory_space<hbm>> -> memref<392xf32, #tpu.memory_space<hbm>>
      %dma_wait3A_1288 = tpu.memref_slice %arg3[%mul3A_7] : memref<12544xf32, #tpu.memory_space<hbm>> -> memref<392xf32, #tpu.memory_space<hbm>>
      tpu.wait_dma2 semaphore(%run_scoped3A : memref<!tpu.dma_semaphore, #tpu.memory_space<semaphore_mem>>) src(%dma_wait3A_1288 : memref<392xf32, #tpu.memory_space<hbm>>) dst(%arg7 : memref<392xf32, #tpu.memory_space<vmem>>)
      tpu.yield
    }) : () -> ()
    %mul3A_8 = arith.constant 2 : i32
    %mul3A_9 = arith.muli %add3A, %mul3A_8 : i32
    %add3A_10 = arith.constant 0 : i32
    %add3A_11 = arith.addi %mul3A_9, %add3A_10 : i32
    %add3A_12 = arith.constant 0 : i32
    %add3A_13 = vector.broadcast %add3A_12 : i32 to vector<16xi32>
    %add3A_14 = arith.addi %iota3A, %add3A_13 : vector<16xi32>
    %min3A = arith.constant 391 : i32
    %min3A_15 = vector.broadcast %min3A : i32 to vector<16xi32>
    %min3A_16 = arith.minsi %add3A_14, %min3A_15 : vector<16xi32>
    %gather3A = tpu.vector_load_idx %arg7[%min3A_16] : memref<392xf32, #tpu.memory_space<vmem>>[vector<16xi32>], vector<16xf32>,
    %swap3A = arith.constant 0 : index
    %swap3A_17 = tpu.vector_load %arg8[%swap3A] {strides = array<i32>} : memref<208xf32, #tpu.memory_space<vmem>>, vector<16xf32>,
    tpu.vector_store %arg8[%swap3A], %gather3A {strides = array<i32>} : memref<208xf32, #tpu.memory_space<vmem>>, vector<16xf32>,
    %bitcast3A = vector.bitcast %gather3A : vector<16xf32> to vector<16xi32>
    %swap3A_18 = arith.constant 0 : index
    %swap3A_19 = tpu.vector_load %arg9[%swap3A_18] {strides = array<i32>} : memref<208xi32, #tpu.memory_space<vmem>>, vector<16xi32>,
    tpu.vector_store %arg9[%swap3A_18], %bitcast3A {strides = array<i32>} : memref<208xi32, #tpu.memory_space<vmem>>, vector<16xi32>,
    %add3A_20 = arith.constant 16 : i32
    %add3A_21 = vector.broadcast %add3A_20 : i32 to vector<16xi32>
    %add3A_22 = arith.addi %iota3A, %add3A_21 : vector<16xi32>
    %min3A_23 = arith.constant 391 : i32
    %min3A_24 = vector.broadcast %min3A_23 : i32 to vector<16xi32>
    %min3A_25 = arith.minsi %add3A_22, %min3A_24 : vector<16xi32>
    %gather3A_26 = tpu.vector_load_idx %arg7[%min3A_25] : memref<392xf32, #tpu.memory_space<vmem>>[vector<16xi32>], vector<16xf32>,
    %swap3A_27 = arith.constant 16 : index
    %swap3A_28 = tpu.vector_load %arg8[%swap3A_27] {strides = array<i32>} : memref<208xf32, #tpu.memory_space<vmem>>, vector<16xf32>,
    tpu.vector_store %arg8[%swap3A_27], %gather3A_26 {strides = array<i32>} : memref<208xf32, #tpu.memory_space<vmem>>, vector<16xf32>,
    %bitcast3A_29 = vector.bitcast %gather3A_26 : vector<16xf32> to vector<16xi32>
    %swap3A_30 = arith.constant 16 : index
    %swap3A_31 = tpu.vector_load %arg9[%swap3A_30] {strides = array<i32>} : memref<208xi32, #tpu.memory_space<vmem>>, vector<16xi32>,
    tpu.vector_store %arg9[%swap3A_30], %bitcast3A_29 {strides = array<i32>} : memref<208xi32, #tpu.memory_space<vmem>>, vector<16xi32>,
    %add3A_32 = arith.constant 32 : i32
    %add3A_33 = vector.broadcast %add3A_32 : i32 to vector<16xi32>
    %add3A_34 = arith.addi %iota3A, %add3A_33 : vector<16xi32>
    %min3A_35 = arith.constant 391 : i32
    %min3A_36 = vector.broadcast %min3A_35 : i32 to vector<16xi32>
    %min3A_37 = arith.minsi %add3A_34, %min3A_36 : vector<16xi32>
    %gather3A_38 = tpu.vector_load_idx %arg7[%min3A_37] : memref<392xf32, #tpu.memory_space<vmem>>[vector<16xi32>], vector<16xf32>,
    %swap3A_39 = arith.constant 32 : index
    %swap3A_40 = tpu.vector_load %arg8[%swap3A_39] {strides = array<i32>} : memref<208xf32, #tpu.memory_space<vmem>>, vector<16xf32>,
    tpu.vector_store %arg8[%swap3A_39], %gather3A_38 {strides = array<i32>} : memref<208xf32, #tpu.memory_space<vmem>>, vector<16xf32>,
    %bitcast3A_41 = vector.bitcast %gather3A_38 : vector<16xf32> to vector<16xi32>
    %swap3A_42 = arith.constant 32 : index
    %swap3A_43 = tpu.vector_load %arg9[%swap3A_42] {strides = array<i32>} : memref<208xi32, #tpu.memory_space<vmem>>, vector<16xi32>,
    tpu.vector_store %arg9[%swap3A_42], %bitcast3A_41 {strides = array<i32>} : memref<208xi32, #tpu.memory_space<vmem>>, vector<16xi32>,
    %add3A_44 = arith.constant 48 : i32
    %add3A_45 = vector.broadcast %add3A_44 : i32 to vector<16xi32>
    %add3A_46 = arith.addi %iota3A, %add3A_45 : vector<16xi32>
    %min3A_47 = arith.constant 391 : i32
    %min3A_48 = vector.broadcast %min3A_47 : i32 to vector<16xi32>
    %min3A_49 = arith.minsi %add3A_46, %min3A_48 : vector<16xi32>
    %gather3A_50 = tpu.vector_load_idx %arg7[%min3A_49] : memref<392xf32, #tpu.memory_space<vmem>>[vector<16xi32>], vector<16xf32>,
    %swap3A_51 = arith.constant 48 : index
    %swap3A_52 = tpu.vector_load %arg8[%swap3A_51] {strides = array<i32>} : memref<208xf32, #tpu.memory_space<vmem>>, vector<16xf32>,
    tpu.vector_store %arg8[%swap3A_51], %gather3A_50 {strides = array<i32>} : memref<208xf32, #tpu.memory_space<vmem>>, vector<16xf32>,
    %bitcast3A_53 = vector.bitcast %gather3A_50 : vector<16xf32> to vector<16xi32>
    %swap3A_54 = arith.constant 48 : index
    %swap3A_55 = tpu.vector_load %arg9[%swap3A_54] {strides = array<i32>} : memref<208xi32, #tpu.memory_space<vmem>>, vector<16xi32>,
    tpu.vector_store %arg9[%swap3A_54], %bitcast3A_53 {strides = array<i32>} : memref<208xi32, #tpu.memory_space<vmem>>, vector<16xi32>,
    %add3A_56 = arith.constant 64 : i32
    %add3A_57 = vector.broadcast %add3A_56 : i32 to vector<16xi32>
    %add3A_58 = arith.addi %iota3A, %add3A_57 : vector<16xi32>
    %min3A_59 = arith.constant 391 : i32
    %min3A_60 = vector.broadcast %min3A_59 : i32 to vector<16xi32>
    %min3A_61 = arith.minsi %add3A_58, %min3A_60 : vector<16xi32>
    %gather3A_62 = tpu.vector_load_idx %arg7[%min3A_61] : memref<392xf32, #tpu.memory_space<vmem>>[vector<16xi32>], vector<16xf32>,
    %swap3A_63 = arith.constant 64 : index
    %swap3A_64 = tpu.vector_load %arg8[%swap3A_63] {strides = array<i32>} : memref<208xf32, #tpu.memory_space<vmem>>, vector<16xf32>,
    tpu.vector_store %arg8[%swap3A_63], %gather3A_62 {strides = array<i32>} : memref<208xf32, #tpu.memory_space<vmem>>, vector<16xf32>,
    %bitcast3A_65 = vector.bitcast %gather3A_62 : vector<16xf32> to vector<16xi32>
    %swap3A_66 = arith.constant 64 : index
    %swap3A_67 = tpu.vector_load %arg9[%swap3A_66] {strides = array<i32>} : memref<208xi32, #tpu.memory_space<vmem>>, vector<16xi32>,
    tpu.vector_store %arg9[%swap3A_66], %bitcast3A_65 {strides = array<i32>} : memref<208xi32, #tpu.memory_space<vmem>>, vector<16xi32>,
    %add3A_68 = arith.constant 80 : i32
    %add3A_69 = vector.broadcast %add3A_68 : i32 to vector<16xi32>
    %add3A_70 = arith.addi %iota3A, %add3A_69 : vector<16xi32>
    %min3A_71 = arith.constant 391 : i32
    %min3A_72 = vector.broadcast %min3A_71 : i32 to vector<16xi32>
    %min3A_73 = arith.minsi %add3A_70, %min3A_72 : vector<16xi32>
    %gather3A_74 = tpu.vector_load_idx %arg7[%min3A_73] : memref<392xf32, #tpu.memory_space<vmem>>[vector<16xi32>], vector<16xf32>,
    %swap3A_75 = arith.constant 80 : index
    %swap3A_76 = tpu.vector_load %arg8[%swap3A_75] {strides = array<i32>} : memref<208xf32, #tpu.memory_space<vmem>>, vector<16xf32>,
    tpu.vector_store %arg8[%swap3A_75], %gather3A_74 {strides = array<i32>} : memref<208xf32, #tpu.memory_space<vmem>>, vector<16xf32>,
    %bitcast3A_77 = vector.bitcast %gather3A_74 : vector<16xf32> to vector<16xi32>
    %swap3A_78 = arith.constant 80 : index
    %swap3A_79 = tpu.vector_load %arg9[%swap3A_78] {strides = array<i32>} : memref<208xi32, #tpu.memory_space<vmem>>, vector<16xi32>,
    tpu.vector_store %arg9[%swap3A_78], %bitcast3A_77 {strides = array<i32>} : memref<208xi32, #tpu.memory_space<vmem>>, vector<16xi32>,
    %add3A_80 = arith.constant 96 : i32
    %add3A_81 = vector.broadcast %add3A_80 : i32 to vector<16xi32>
    %add3A_82 = arith.addi %iota3A, %add3A_81 : vector<16xi32>
    %min3A_83 = arith.constant 391 : i32
    %min3A_84 = vector.broadcast %min3A_83 : i32 to vector<16xi32>
    %min3A_85 = arith.minsi %add3A_82, %min3A_84 : vector<16xi32>
    %gather3A_86 = tpu.vector_load_idx %arg7[%min3A_85] : memref<392xf32, #tpu.memory_space<vmem>>[vector<16xi32>], vector<16xf32>,
    %swap3A_87 = arith.constant 96 : index
    %swap3A_88 = tpu.vector_load %arg8[%swap3A_87] {strides = array<i32>} : memref<208xf32, #tpu.memory_space<vmem>>, vector<16xf32>,
    tpu.vector_store %arg8[%swap3A_87], %gather3A_86 {strides = array<i32>} : memref<208xf32, #tpu.memory_space<vmem>>, vector<16xf32>,
    %bitcast3A_89 = vector.bitcast %gather3A_86 : vector<16xf32> to vector<16xi32>
    %swap3A_90 = arith.constant 96 : index
    %swap3A_91 = tpu.vector_load %arg9[%swap3A_90] {strides = array<i32>} : memref<208xi32, #tpu.memory_space<vmem>>, vector<16xi32>,
    tpu.vector_store %arg9[%swap3A_90], %bitcast3A_89 {strides = array<i32>} : memref<208xi32, #tpu.memory_space<vmem>>, vector<16xi32>,
    %add3A_92 = arith.constant 112 : i32
    %add3A_93 = vector.broadcast %add3A_92 : i32 to vector<16xi32>
    %add3A_94 = arith.addi %iota3A, %add3A_93 : vector<16xi32>
    %min3A_95 = arith.constant 391 : i32
    %min3A_96 = vector.broadcast %min3A_95 : i32 to vector<16xi32>
    %min3A_97 = arith.minsi %add3A_94, %min3A_96 : vector<16xi32>
    %gather3A_98 = tpu.vector_load_idx %arg7[%min3A_97] : memref<392xf32, #tpu.memory_space<vmem>>[vector<16xi32>], vector<16xf32>,
    %swap3A_99 = arith.constant 112 : index
    %swap3A_100 = tpu.vector_load %arg8[%swap3A_99] {strides = array<i32>} : memref<208xf32, #tpu.memory_space<vmem>>, vector<16xf32>,
    tpu.vector_store %arg8[%swap3A_99], %gather3A_98 {strides = array<i32>} : memref<208xf32, #tpu.memory_space<vmem>>, vector<16xf32>,
    %bitcast3A_101 = vector.bitcast %gather3A_98 : vector<16xf32> to vector<16xi32>
    %swap3A_102 = arith.constant 112 : index
    %swap3A_103 = tpu.vector_load %arg9[%swap3A_102] {strides = array<i32>} : memref<208xi32, #tpu.memory_space<vmem>>, vector<16xi32>,
    tpu.vector_store %arg9[%swap3A_102], %bitcast3A_101 {strides = array<i32>} : memref<208xi32, #tpu.memory_space<vmem>>, vector<16xi32>,
    %add3A_104 = arith.constant 128 : i32
    %add3A_105 = vector.broadcast %add3A_104 : i32 to vector<16xi32>
    %add3A_106 = arith.addi %iota3A, %add3A_105 : vector<16xi32>
    %min3A_107 = arith.constant 391 : i32
    %min3A_108 = vector.broadcast %min3A_107 : i32 to vector<16xi32>
    %min3A_109 = arith.minsi %add3A_106, %min3A_108 : vector<16xi32>
    %gather3A_110 = tpu.vector_load_idx %arg7[%min3A_109] : memref<392xf32, #tpu.memory_space<vmem>>[vector<16xi32>], vector<16xf32>,
    %swap3A_111 = arith.constant 128 : index
    %swap3A_112 = tpu.vector_load %arg8[%swap3A_111] {strides = array<i32>} : memref<208xf32, #tpu.memory_space<vmem>>, vector<16xf32>,
    tpu.vector_store %arg8[%swap3A_111], %gather3A_110 {strides = array<i32>} : memref<208xf32, #tpu.memory_space<vmem>>, vector<16xf32>,
    %bitcast3A_113 = vector.bitcast %gather3A_110 : vector<16xf32> to vector<16xi32>
    %swap3A_114 = arith.constant 128 : index
    %swap3A_115 = tpu.vector_load %arg9[%swap3A_114] {strides = array<i32>} : memref<208xi32, #tpu.memory_space<vmem>>, vector<16xi32>,
    tpu.vector_store %arg9[%swap3A_114], %bitcast3A_113 {strides = array<i32>} : memref<208xi32, #tpu.memory_space<vmem>>, vector<16xi32>,
    %add3A_116 = arith.constant 144 : i32
    %add3A_117 = vector.broadcast %add3A_116 : i32 to vector<16xi32>
    %add3A_118 = arith.addi %iota3A, %add3A_117 : vector<16xi32>
    %min3A_119 = arith.constant 391 : i32
    %min3A_120 = vector.broadcast %min3A_119 : i32 to vector<16xi32>
    %min3A_121 = arith.minsi %add3A_118, %min3A_120 : vector<16xi32>
    %gather3A_122 = tpu.vector_load_idx %arg7[%min3A_121] : memref<392xf32, #tpu.memory_space<vmem>>[vector<16xi32>], vector<16xf32>,
    %swap3A_123 = arith.constant 144 : index
    %swap3A_124 = tpu.vector_load %arg8[%swap3A_123] {strides = array<i32>} : memref<208xf32, #tpu.memory_space<vmem>>, vector<16xf32>,
    tpu.vector_store %arg8[%swap3A_123], %gather3A_122 {strides = array<i32>} : memref<208xf32, #tpu.memory_space<vmem>>, vector<16xf32>,
    %bitcast3A_125 = vector.bitcast %gather3A_122 : vector<16xf32> to vector<16xi32>
    %swap3A_126 = arith.constant 144 : index
    %swap3A_127 = tpu.vector_load %arg9[%swap3A_126] {strides = array<i32>} : memref<208xi32, #tpu.memory_space<vmem>>, vector<16xi32>,
    tpu.vector_store %arg9[%swap3A_126], %bitcast3A_125 {strides = array<i32>} : memref<208xi32, #tpu.memory_space<vmem>>, vector<16xi32>,
    %add3A_128 = arith.constant 160 : i32
    %add3A_129 = vector.broadcast %add3A_128 : i32 to vector<16xi32>
    %add3A_130 = arith.addi %iota3A, %add3A_129 : vector<16xi32>
    %min3A_131 = arith.constant 391 : i32
    %min3A_132 = vector.broadcast %min3A_131 : i32 to vector<16xi32>
    %min3A_133 = arith.minsi %add3A_130, %min3A_132 : vector<16xi32>
    %gather3A_134 = tpu.vector_load_idx %arg7[%min3A_133] : memref<392xf32, #tpu.memory_space<vmem>>[vector<16xi32>], vector<16xf32>,
    %swap3A_135 = arith.constant 160 : index
    %swap3A_136 = tpu.vector_load %arg8[%swap3A_135] {strides = array<i32>} : memref<208xf32, #tpu.memory_space<vmem>>, vector<16xf32>,
    tpu.vector_store %arg8[%swap3A_135], %gather3A_134 {strides = array<i32>} : memref<208xf32, #tpu.memory_space<vmem>>, vector<16xf32>,
    %bitcast3A_137 = vector.bitcast %gather3A_134 : vector<16xf32> to vector<16xi32>
    %swap3A_138 = arith.constant 160 : index
    %swap3A_139 = tpu.vector_load %arg9[%swap3A_138] {strides = array<i32>} : memref<208xi32, #tpu.memory_space<vmem>>, vector<16xi32>,
    tpu.vector_store %arg9[%swap3A_138], %bitcast3A_137 {strides = array<i32>} : memref<208xi32, #tpu.memory_space<vmem>>, vector<16xi32>,
    %add3A_140 = arith.constant 176 : i32
    %add3A_141 = vector.broadcast %add3A_140 : i32 to vector<16xi32>
    %add3A_142 = arith.addi %iota3A, %add3A_141 : vector<16xi32>
    %min3A_143 = arith.constant 391 : i32
    %min3A_144 = vector.broadcast %min3A_143 : i32 to vector<16xi32>
    %min3A_145 = arith.minsi %add3A_142, %min3A_144 : vector<16xi32>
    %gather3A_146 = tpu.vector_load_idx %arg7[%min3A_145] : memref<392xf32, #tpu.memory_space<vmem>>[vector<16xi32>], vector<16xf32>,
    %swap3A_147 = arith.constant 176 : index
    %swap3A_148 = tpu.vector_load %arg8[%swap3A_147] {strides = array<i32>} : memref<208xf32, #tpu.memory_space<vmem>>, vector<16xf32>,
    tpu.vector_store %arg8[%swap3A_147], %gather3A_146 {strides = array<i32>} : memref<208xf32, #tpu.memory_space<vmem>>, vector<16xf32>,
    %bitcast3A_149 = vector.bitcast %gather3A_146 : vector<16xf32> to vector<16xi32>
    %swap3A_150 = arith.constant 176 : index
    %swap3A_151 = tpu.vector_load %arg9[%swap3A_150] {strides = array<i32>} : memref<208xi32, #tpu.memory_space<vmem>>, vector<16xi32>,
    tpu.vector_store %arg9[%swap3A_150], %bitcast3A_149 {strides = array<i32>} : memref<208xi32, #tpu.memory_space<vmem>>, vector<16xi32>,
    %add3A_152 = arith.constant 192 : i32
    %add3A_153 = vector.broadcast %add3A_152 : i32 to vector<16xi32>
    %add3A_154 = arith.addi %iota3A, %add3A_153 : vector<16xi32>
    %min3A_155 = arith.constant 391 : i32
    %min3A_156 = vector.broadcast %min3A_155 : i32 to vector<16xi32>
    %min3A_157 = arith.minsi %add3A_154, %min3A_156 : vector<16xi32>
    %gather3A_158 = tpu.vector_load_idx %arg7[%min3A_157] : memref<392xf32, #tpu.memory_space<vmem>>[vector<16xi32>], vector<16xf32>,
    %lt3A = arith.constant 4 : i32
    %lt3A_159 = vector.broadcast %lt3A : i32 to vector<16xi32>
    %lt3A_160 = arith.cmpi slt, %iota3A, %lt3A_159 : vector<16xi32>
    %jit3A = arith.constant 1.000000e+00 : f32
    %broadcast_in_dim3A_161 = vector.broadcast %jit3A : f32 to vector<16xf32>
    %select_n3A = arith.select %lt3A_160, %gather3A_158, %broadcast_in_dim3A_161 : vector<16xi1>, vector<16xf32>
    %swap3A_162 = arith.constant 192 : index
    %swap3A_163 = tpu.vector_load %arg8[%swap3A_162] {strides = array<i32>} : memref<208xf32, #tpu.memory_space<vmem>>, vector<16xf32>,
    tpu.vector_store %arg8[%swap3A_162], %select_n3A {strides = array<i32>} : memref<208xf32, #tpu.memory_space<vmem>>, vector<16xf32>,
    %bitcast3A_164 = vector.bitcast %select_n3A : vector<16xf32> to vector<16xi32>
    %swap3A_165 = arith.constant 192 : index
    %swap3A_166 = tpu.vector_load %arg9[%swap3A_165] {strides = array<i32>} : memref<208xi32, #tpu.memory_space<vmem>>, vector<16xi32>,
    tpu.vector_store %arg9[%swap3A_165], %bitcast3A_164 {strides = array<i32>} : memref<208xi32, #tpu.memory_space<vmem>>, vector<16xi32>,
    %get3A = arith.constant 0 : index
    %get3A_167 = tpu.vector_load %arg9[%get3A] {strides = array<i32>} : memref<208xi32, #tpu.memory_space<vmem>>, vector<16xi32>,
    %get3A_168 = arith.constant 16 : index
    %get3A_169 = tpu.vector_load %arg9[%get3A_168] {strides = array<i32>} : memref<208xi32, #tpu.memory_space<vmem>>, vector<16xi32>,
    %get3A_170 = arith.constant 32 : index
    %get3A_171 = tpu.vector_load %arg9[%get3A_170] {strides = array<i32>} : memref<208xi32, #tpu.memory_space<vmem>>, vector<16xi32>,
    %get3A_172 = arith.constant 48 : index
    %get3A_173 = tpu.vector_load %arg9[%get3A_172] {strides = array<i32>} : memref<208xi32, #tpu.memory_space<vmem>>, vector<16xi32>,
    %get3A_174 = arith.constant 64 : index
    %get3A_175 = tpu.vector_load %arg9[%get3A_174] {strides = array<i32>} : memref<208xi32, #tpu.memory_space<vmem>>, vector<16xi32>,
    %get3A_176 = arith.constant 80 : index
    %get3A_177 = tpu.vector_load %arg9[%get3A_176] {strides = array<i32>} : memref<208xi32, #tpu.memory_space<vmem>>, vector<16xi32>,
    %get3A_178 = arith.constant 96 : index
    %get3A_179 = tpu.vector_load %arg9[%get3A_178] {strides = array<i32>} : memref<208xi32, #tpu.memory_space<vmem>>, vector<16xi32>,
    %get3A_180 = arith.constant 112 : index
    %get3A_181 = tpu.vector_load %arg9[%get3A_180] {strides = array<i32>} : memref<208xi32, #tpu.memory_space<vmem>>, vector<16xi32>,
    %get3A_182 = arith.constant 128 : index
    %get3A_183 = tpu.vector_load %arg9[%get3A_182] {strides = array<i32>} : memref<208xi32, #tpu.memory_space<vmem>>, vector<16xi32>,
    %get3A_184 = arith.constant 144 : index
    %get3A_185 = tpu.vector_load %arg9[%get3A_184] {strides = array<i32>} : memref<208xi32, #tpu.memory_space<vmem>>, vector<16xi32>,
    %get3A_186 = arith.constant 160 : index
    %get3A_187 = tpu.vector_load %arg9[%get3A_186] {strides = array<i32>} : memref<208xi32, #tpu.memory_space<vmem>>, vector<16xi32>,
    %get3A_188 = arith.constant 176 : index
    %get3A_189 = tpu.vector_load %arg9[%get3A_188] {strides = array<i32>} : memref<208xi32, #tpu.memory_space<vmem>>, vector<16xi32>,
    %get3A_190 = arith.constant 192 : index
    %get3A_191 = tpu.vector_load %arg9[%get3A_190] {strides = array<i32>} : memref<208xi32, #tpu.memory_space<vmem>>, vector<16xi32>,
    %add3A_192 = arith.constant 0 : i32
    %add3A_193 = vector.broadcast %add3A_192 : i32 to vector<16xi32>
    %add3A_194 = arith.addi %iota3A, %add3A_193 : vector<16xi32>
    %add3A_195 = arith.constant 16 : i32
    %add3A_196 = vector.broadcast %add3A_195 : i32 to vector<16xi32>
    %add3A_197 = arith.addi %iota3A, %add3A_196 : vector<16xi32>
    %add3A_198 = arith.constant 32 : i32
    %add3A_199 = vector.broadcast %add3A_198 : i32 to vector<16xi32>
    %add3A_200 = arith.addi %iota3A, %add3A_199 : vector<16xi32>
    %add3A_201 = arith.constant 48 : i32
    %add3A_202 = vector.broadcast %add3A_201 : i32 to vector<16xi32>
    %add3A_203 = arith.addi %iota3A, %add3A_202 : vector<16xi32>
    %add3A_204 = arith.constant 64 : i32
    %add3A_205 = vector.broadcast %add3A_204 : i32 to vector<16xi32>
    %add3A_206 = arith.addi %iota3A, %add3A_205 : vector<16xi32>
    %add3A_207 = arith.constant 80 : i32
    %add3A_208 = vector.broadcast %add3A_207 : i32 to vector<16xi32>
    %add3A_209 = arith.addi %iota3A, %add3A_208 : vector<16xi32>
    %add3A_210 = arith.constant 96 : i32
    %add3A_211 = vector.broadcast %add3A_210 : i32 to vector<16xi32>
    %add3A_212 = arith.addi %iota3A, %add3A_211 : vector<16xi32>
    %add3A_213 = arith.constant 112 : i32
    %add3A_214 = vector.broadcast %add3A_213 : i32 to vector<16xi32>
    %add3A_215 = arith.addi %iota3A, %add3A_214 : vector<16xi32>
    %add3A_216 = arith.constant 128 : i32
    %add3A_217 = vector.broadcast %add3A_216 : i32 to vector<16xi32>
    %add3A_218 = arith.addi %iota3A, %add3A_217 : vector<16xi32>
    %add3A_219 = arith.constant 144 : i32
    %add3A_220 = vector.broadcast %add3A_219 : i32 to vector<16xi32>
    %add3A_221 = arith.addi %iota3A, %add3A_220 : vector<16xi32>
    %add3A_222 = arith.constant 160 : i32
    %add3A_223 = vector.broadcast %add3A_222 : i32 to vector<16xi32>
    %add3A_224 = arith.addi %iota3A, %add3A_223 : vector<16xi32>
    %add3A_225 = arith.constant 176 : i32
    %add3A_226 = vector.broadcast %add3A_225 : i32 to vector<16xi32>
    %add3A_227 = arith.addi %iota3A, %add3A_226 : vector<16xi32>
    %add3A_228 = arith.constant 192 : i32
    %add3A_229 = vector.broadcast %add3A_228 : i32 to vector<16xi32>
    %add3A_230 = arith.addi %iota3A, %add3A_229 : vector<16xi32>
    %scan3A = arith.constant 0 : i32
    %scan3A_231 = arith.constant 196 : i32
    %scan3A_232 = arith.addi %scan3A, %scan3A_231 : i32
    %scan3A_233 = arith.constant 1 : i32
    %scan3A_234:13 = scf.for %scan3A_1285 = %scan3A to %scan3A_232 step %scan3A_233 iter_args(%scan3A_1286 = %broadcast_in_dim3A_1, %scan3A_1287 = %broadcast_in_dim3A_1, %scan3A_1288 = %broadcast_in_dim3A_1, %scan3A_1289 = %broadcast_in_dim3A_1, %scan3A_1290 = %broadcast_in_dim3A_1, %scan3A_1291 = %broadcast_in_dim3A_1, %scan3A_1292 = %broadcast_in_dim3A_1, %scan3A_1293 = %broadcast_in_dim3A_1, %scan3A_1294 = %broadcast_in_dim3A_1, %scan3A_1295 = %broadcast_in_dim3A_1, %scan3A_1296 = %broadcast_in_dim3A_1, %scan3A_1297 = %broadcast_in_dim3A_1, %scan3A_1298 = %broadcast_in_dim3A_1) -> (vector<16xi32>, vector<16xi32>, vector<16xi32>, vector<16xi32>, vector<16xi32>, vector<16xi32>, vector<16xi32>, vector<16xi32>, vector<16xi32>, vector<16xi32>, vector<16xi32>, vector<16xi32>, vector<16xi32>)  : i32 {
      %broadcast_in_dim3A_1299 = vector.broadcast %scan3A_1285 : i32 to vector<16xi32>
      %gather3A_1300 = tpu.vector_load_idx %arg9[%broadcast_in_dim3A_1299] : memref<208xi32, #tpu.memory_space<vmem>>[vector<16xi32>], vector<16xi32>,
      %sub3A = arith.subi %gather3A_1300, %get3A_167 : vector<16xi32>
      %shift_right_arithmetic3A = arith.constant 31 : i32
      %shift_right_arithmetic3A_1301 = vector.broadcast %shift_right_arithmetic3A : i32 to vector<16xi32>
      %shift_right_arithmetic3A_1302 = arith.shrsi %sub3A, %shift_right_arithmetic3A_1301 : vector<16xi32>
      %sub3A_1303 = arith.subi %scan3A_1286, %shift_right_arithmetic3A_1302 : vector<16xi32>
      %sub3A_1304 = arith.subi %gather3A_1300, %get3A_169 : vector<16xi32>
      %shift_right_arithmetic3A_1305 = arith.constant 31 : i32
      %shift_right_arithmetic3A_1306 = vector.broadcast %shift_right_arithmetic3A_1305 : i32 to vector<16xi32>
      %shift_right_arithmetic3A_1307 = arith.shrsi %sub3A_1304, %shift_right_arithmetic3A_1306 : vector<16xi32>
      %sub3A_1308 = arith.subi %scan3A_1287, %shift_right_arithmetic3A_1307 : vector<16xi32>
      %sub3A_1309 = arith.subi %gather3A_1300, %get3A_171 : vector<16xi32>
      %shift_right_arithmetic3A_1310 = arith.constant 31 : i32
      %shift_right_arithmetic3A_1311 = vector.broadcast %shift_right_arithmetic3A_1310 : i32 to vector<16xi32>
      %shift_right_arithmetic3A_1312 = arith.shrsi %sub3A_1309, %shift_right_arithmetic3A_1311 : vector<16xi32>
      %sub3A_1313 = arith.subi %scan3A_1288, %shift_right_arithmetic3A_1312 : vector<16xi32>
      %sub3A_1314 = arith.subi %gather3A_1300, %get3A_173 : vector<16xi32>
      %shift_right_arithmetic3A_1315 = arith.constant 31 : i32
      %shift_right_arithmetic3A_1316 = vector.broadcast %shift_right_arithmetic3A_1315 : i32 to vector<16xi32>
      %shift_right_arithmetic3A_1317 = arith.shrsi %sub3A_1314, %shift_right_arithmetic3A_1316 : vector<16xi32>
      %sub3A_1318 = arith.subi %scan3A_1289, %shift_right_arithmetic3A_1317 : vector<16xi32>
      %sub3A_1319 = arith.subi %gather3A_1300, %get3A_175 : vector<16xi32>
      %shift_right_arithmetic3A_1320 = arith.constant 31 : i32
      %shift_right_arithmetic3A_1321 = vector.broadcast %shift_right_arithmetic3A_1320 : i32 to vector<16xi32>
      %shift_right_arithmetic3A_1322 = arith.shrsi %sub3A_1319, %shift_right_arithmetic3A_1321 : vector<16xi32>
      %sub3A_1323 = arith.subi %scan3A_1290, %shift_right_arithmetic3A_1322 : vector<16xi32>
      %sub3A_1324 = arith.subi %gather3A_1300, %get3A_177 : vector<16xi32>
      %shift_right_arithmetic3A_1325 = arith.constant 31 : i32
      %shift_right_arithmetic3A_1326 = vector.broadcast %shift_right_arithmetic3A_1325 : i32 to vector<16xi32>
      %shift_right_arithmetic3A_1327 = arith.shrsi %sub3A_1324, %shift_right_arithmetic3A_1326 : vector<16xi32>
      %sub3A_1328 = arith.subi %scan3A_1291, %shift_right_arithmetic3A_1327 : vector<16xi32>
      %sub3A_1329 = arith.subi %gather3A_1300, %get3A_179 : vector<16xi32>
      %shift_right_arithmetic3A_1330 = arith.constant 31 : i32
      %shift_right_arithmetic3A_1331 = vector.broadcast %shift_right_arithmetic3A_1330 : i32 to vector<16xi32>
      %shift_right_arithmetic3A_1332 = arith.shrsi %sub3A_1329, %shift_right_arithmetic3A_1331 : vector<16xi32>
      %sub3A_1333 = arith.subi %scan3A_1292, %shift_right_arithmetic3A_1332 : vector<16xi32>
      %sub3A_1334 = arith.subi %gather3A_1300, %get3A_181 : vector<16xi32>
      %shift_right_arithmetic3A_1335 = arith.constant 31 : i32
      %shift_right_arithmetic3A_1336 = vector.broadcast %shift_right_arithmetic3A_1335 : i32 to vector<16xi32>
      %shift_right_arithmetic3A_1337 = arith.shrsi %sub3A_1334, %shift_right_arithmetic3A_1336 : vector<16xi32>
      %sub3A_1338 = arith.subi %scan3A_1293, %shift_right_arithmetic3A_1337 : vector<16xi32>
      %sub3A_1339 = arith.subi %gather3A_1300, %get3A_183 : vector<16xi32>
      %shift_right_arithmetic3A_1340 = arith.constant 31 : i32
      %shift_right_arithmetic3A_1341 = vector.broadcast %shift_right_arithmetic3A_1340 : i32 to vector<16xi32>
      %shift_right_arithmetic3A_1342 = arith.shrsi %sub3A_1339, %shift_right_arithmetic3A_1341 : vector<16xi32>
      %sub3A_1343 = arith.subi %scan3A_1294, %shift_right_arithmetic3A_1342 : vector<16xi32>
      %sub3A_1344 = arith.subi %gather3A_1300, %get3A_185 : vector<16xi32>
      %shift_right_arithmetic3A_1345 = arith.constant 31 : i32
      %shift_right_arithmetic3A_1346 = vector.broadcast %shift_right_arithmetic3A_1345 : i32 to vector<16xi32>
      %shift_right_arithmetic3A_1347 = arith.shrsi %sub3A_1344, %shift_right_arithmetic3A_1346 : vector<16xi32>
      %sub3A_1348 = arith.subi %scan3A_1295, %shift_right_arithmetic3A_1347 : vector<16xi32>
      %sub3A_1349 = arith.subi %gather3A_1300, %get3A_187 : vector<16xi32>
      %shift_right_arithmetic3A_1350 = arith.constant 31 : i32
      %shift_right_arithmetic3A_1351 = vector.broadcast %shift_right_arithmetic3A_1350 : i32 to vector<16xi32>
      %shift_right_arithmetic3A_1352 = arith.shrsi %sub3A_1349, %shift_right_arithmetic3A_1351 : vector<16xi32>
      %sub3A_1353 = arith.subi %scan3A_1296, %shift_right_arithmetic3A_1352 : vector<16xi32>
      %sub3A_1354 = arith.subi %gather3A_1300, %get3A_189 : vector<16xi32>
      %shift_right_arithmetic3A_1355 = arith.constant 31 : i32
      %shift_right_arithmetic3A_1356 = vector.broadcast %shift_right_arithmetic3A_1355 : i32 to vector<16xi32>
      %shift_right_arithmetic3A_1357 = arith.shrsi %sub3A_1354, %shift_right_arithmetic3A_1356 : vector<16xi32>
      %sub3A_1358 = arith.subi %scan3A_1297, %shift_right_arithmetic3A_1357 : vector<16xi32>
      %sub3A_1359 = arith.subi %gather3A_1300, %get3A_191 : vector<16xi32>
      %shift_right_arithmetic3A_1360 = arith.constant 31 : i32
      %shift_right_arithmetic3A_1361 = vector.broadcast %shift_right_arithmetic3A_1360 : i32 to vector<16xi32>
      %shift_right_arithmetic3A_1362 = arith.shrsi %sub3A_1359, %shift_right_arithmetic3A_1361 : vector<16xi32>
      %sub3A_1363 = arith.subi %scan3A_1298, %shift_right_arithmetic3A_1362 : vector<16xi32>
      scf.yield %sub3A_1303, %sub3A_1308, %sub3A_1313, %sub3A_1318, %sub3A_1323, %sub3A_1328, %sub3A_1333, %sub3A_1338, %sub3A_1343, %sub3A_1348, %sub3A_1353, %sub3A_1358, %sub3A_1363 : vector<16xi32>, vector<16xi32>, vector<16xi32>, vector<16xi32>, vector<16xi32>, vector<16xi32>, vector<16xi32>, vector<16xi32>, vector<16xi32>, vector<16xi32>, vector<16xi32>, vector<16xi32>, vector<16xi32>
    }
    %scan3A_235 = arith.constant 196 : i32
    %swap3A_236 = arith.constant 0 : index
    %swap3A_237 = tpu.vector_load %arg10[%swap3A_236] {strides = array<i32>} : memref<208xi32, #tpu.memory_space<vmem>>, vector<16xi32>,
    tpu.vector_store %arg10[%swap3A_236], %broadcast_in_dim3A_1 {strides = array<i32>} : memref<208xi32, #tpu.memory_space<vmem>>, vector<16xi32>,
    %swap3A_238 = arith.constant 16 : index
    %swap3A_239 = tpu.vector_load %arg10[%swap3A_238] {strides = array<i32>} : memref<208xi32, #tpu.memory_space<vmem>>, vector<16xi32>,
    tpu.vector_store %arg10[%swap3A_238], %broadcast_in_dim3A_1 {strides = array<i32>} : memref<208xi32, #tpu.memory_space<vmem>>, vector<16xi32>,
    %swap3A_240 = arith.constant 32 : index
    %swap3A_241 = tpu.vector_load %arg10[%swap3A_240] {strides = array<i32>} : memref<208xi32, #tpu.memory_space<vmem>>, vector<16xi32>,
    tpu.vector_store %arg10[%swap3A_240], %broadcast_in_dim3A_1 {strides = array<i32>} : memref<208xi32, #tpu.memory_space<vmem>>, vector<16xi32>,
    %swap3A_242 = arith.constant 48 : index
    %swap3A_243 = tpu.vector_load %arg10[%swap3A_242] {strides = array<i32>} : memref<208xi32, #tpu.memory_space<vmem>>, vector<16xi32>,
    tpu.vector_store %arg10[%swap3A_242], %broadcast_in_dim3A_1 {strides = array<i32>} : memref<208xi32, #tpu.memory_space<vmem>>, vector<16xi32>,
    %swap3A_244 = arith.constant 64 : index
    %swap3A_245 = tpu.vector_load %arg10[%swap3A_244] {strides = array<i32>} : memref<208xi32, #tpu.memory_space<vmem>>, vector<16xi32>,
    tpu.vector_store %arg10[%swap3A_244], %broadcast_in_dim3A_1 {strides = array<i32>} : memref<208xi32, #tpu.memory_space<vmem>>, vector<16xi32>,
    %swap3A_246 = arith.constant 80 : index
    %swap3A_247 = tpu.vector_load %arg10[%swap3A_246] {strides = array<i32>} : memref<208xi32, #tpu.memory_space<vmem>>, vector<16xi32>,
    tpu.vector_store %arg10[%swap3A_246], %broadcast_in_dim3A_1 {strides = array<i32>} : memref<208xi32, #tpu.memory_space<vmem>>, vector<16xi32>,
    %swap3A_248 = arith.constant 96 : index
    %swap3A_249 = tpu.vector_load %arg10[%swap3A_248] {strides = array<i32>} : memref<208xi32, #tpu.memory_space<vmem>>, vector<16xi32>,
    tpu.vector_store %arg10[%swap3A_248], %broadcast_in_dim3A_1 {strides = array<i32>} : memref<208xi32, #tpu.memory_space<vmem>>, vector<16xi32>,
    %swap3A_250 = arith.constant 112 : index
    %swap3A_251 = tpu.vector_load %arg10[%swap3A_250] {strides = array<i32>} : memref<208xi32, #tpu.memory_space<vmem>>, vector<16xi32>,
    tpu.vector_store %arg10[%swap3A_250], %broadcast_in_dim3A_1 {strides = array<i32>} : memref<208xi32, #tpu.memory_space<vmem>>, vector<16xi32>,
    %swap3A_252 = arith.constant 128 : index
    %swap3A_253 = tpu.vector_load %arg10[%swap3A_252] {strides = array<i32>} : memref<208xi32, #tpu.memory_space<vmem>>, vector<16xi32>,
    tpu.vector_store %arg10[%swap3A_252], %broadcast_in_dim3A_1 {strides = array<i32>} : memref<208xi32, #tpu.memory_space<vmem>>, vector<16xi32>,
    %swap3A_254 = arith.constant 144 : index
    %swap3A_255 = tpu.vector_load %arg10[%swap3A_254] {strides = array<i32>} : memref<208xi32, #tpu.memory_space<vmem>>, vector<16xi32>,
    tpu.vector_store %arg10[%swap3A_254], %broadcast_in_dim3A_1 {strides = array<i32>} : memref<208xi32, #tpu.memory_space<vmem>>, vector<16xi32>,
    %swap3A_256 = arith.constant 160 : index
    %swap3A_257 = tpu.vector_load %arg10[%swap3A_256] {strides = array<i32>} : memref<208xi32, #tpu.memory_space<vmem>>, vector<16xi32>,
    tpu.vector_store %arg10[%swap3A_256], %broadcast_in_dim3A_1 {strides = array<i32>} : memref<208xi32, #tpu.memory_space<vmem>>, vector<16xi32>,
    %swap3A_258 = arith.constant 176 : index
    %swap3A_259 = tpu.vector_load %arg10[%swap3A_258] {strides = array<i32>} : memref<208xi32, #tpu.memory_space<vmem>>, vector<16xi32>,
    tpu.vector_store %arg10[%swap3A_258], %broadcast_in_dim3A_1 {strides = array<i32>} : memref<208xi32, #tpu.memory_space<vmem>>, vector<16xi32>,
    %swap3A_260 = arith.constant 192 : index
    %swap3A_261 = tpu.vector_load %arg10[%swap3A_260] {strides = array<i32>} : memref<208xi32, #tpu.memory_space<vmem>>, vector<16xi32>,
    tpu.vector_store %arg10[%swap3A_260], %broadcast_in_dim3A_1 {strides = array<i32>} : memref<208xi32, #tpu.memory_space<vmem>>, vector<16xi32>,
    %lt3A_262 = arith.constant 196 : i32
    %lt3A_263 = vector.broadcast %lt3A_262 : i32 to vector<16xi32>
    %lt3A_264 = arith.cmpi slt, %add3A_194, %lt3A_263 : vector<16xi32>
    tpu.vector_store_idx %arg10[%scan3A_234#0], %broadcast_in_dim3A_3 masked %lt3A_264 {add = true} : memref<208xi32, #tpu.memory_space<vmem>>[vector<16xi32>], vector<16xi32>, vector<16xi1>
    %lt3A_265 = arith.constant 196 : i32
    %lt3A_266 = vector.broadcast %lt3A_265 : i32 to vector<16xi32>
    %lt3A_267 = arith.cmpi slt, %add3A_197, %lt3A_266 : vector<16xi32>
    tpu.vector_store_idx %arg10[%scan3A_234#1], %broadcast_in_dim3A_3 masked %lt3A_267 {add = true} : memref<208xi32, #tpu.memory_space<vmem>>[vector<16xi32>], vector<16xi32>, vector<16xi1>
    %lt3A_268 = arith.constant 196 : i32
    %lt3A_269 = vector.broadcast %lt3A_268 : i32 to vector<16xi32>
    %lt3A_270 = arith.cmpi slt, %add3A_200, %lt3A_269 : vector<16xi32>
    tpu.vector_store_idx %arg10[%scan3A_234#2], %broadcast_in_dim3A_3 masked %lt3A_270 {add = true} : memref<208xi32, #tpu.memory_space<vmem>>[vector<16xi32>], vector<16xi32>, vector<16xi1>
    %lt3A_271 = arith.constant 196 : i32
    %lt3A_272 = vector.broadcast %lt3A_271 : i32 to vector<16xi32>
    %lt3A_273 = arith.cmpi slt, %add3A_203, %lt3A_272 : vector<16xi32>
    tpu.vector_store_idx %arg10[%scan3A_234#3], %broadcast_in_dim3A_3 masked %lt3A_273 {add = true} : memref<208xi32, #tpu.memory_space<vmem>>[vector<16xi32>], vector<16xi32>, vector<16xi1>
    %lt3A_274 = arith.constant 196 : i32
    %lt3A_275 = vector.broadcast %lt3A_274 : i32 to vector<16xi32>
    %lt3A_276 = arith.cmpi slt, %add3A_206, %lt3A_275 : vector<16xi32>
    tpu.vector_store_idx %arg10[%scan3A_234#4], %broadcast_in_dim3A_3 masked %lt3A_276 {add = true} : memref<208xi32, #tpu.memory_space<vmem>>[vector<16xi32>], vector<16xi32>, vector<16xi1>
    %lt3A_277 = arith.constant 196 : i32
    %lt3A_278 = vector.broadcast %lt3A_277 : i32 to vector<16xi32>
    %lt3A_279 = arith.cmpi slt, %add3A_209, %lt3A_278 : vector<16xi32>
    tpu.vector_store_idx %arg10[%scan3A_234#5], %broadcast_in_dim3A_3 masked %lt3A_279 {add = true} : memref<208xi32, #tpu.memory_space<vmem>>[vector<16xi32>], vector<16xi32>, vector<16xi1>
    %lt3A_280 = arith.constant 196 : i32
    %lt3A_281 = vector.broadcast %lt3A_280 : i32 to vector<16xi32>
    %lt3A_282 = arith.cmpi slt, %add3A_212, %lt3A_281 : vector<16xi32>
    tpu.vector_store_idx %arg10[%scan3A_234#6], %broadcast_in_dim3A_3 masked %lt3A_282 {add = true} : memref<208xi32, #tpu.memory_space<vmem>>[vector<16xi32>], vector<16xi32>, vector<16xi1>
    %lt3A_283 = arith.constant 196 : i32
    %lt3A_284 = vector.broadcast %lt3A_283 : i32 to vector<16xi32>
    %lt3A_285 = arith.cmpi slt, %add3A_215, %lt3A_284 : vector<16xi32>
    tpu.vector_store_idx %arg10[%scan3A_234#7], %broadcast_in_dim3A_3 masked %lt3A_285 {add = true} : memref<208xi32, #tpu.memory_space<vmem>>[vector<16xi32>], vector<16xi32>, vector<16xi1>
    %lt3A_286 = arith.constant 196 : i32
    %lt3A_287 = vector.broadcast %lt3A_286 : i32 to vector<16xi32>
    %lt3A_288 = arith.cmpi slt, %add3A_218, %lt3A_287 : vector<16xi32>
    tpu.vector_store_idx %arg10[%scan3A_234#8], %broadcast_in_dim3A_3 masked %lt3A_288 {add = true} : memref<208xi32, #tpu.memory_space<vmem>>[vector<16xi32>], vector<16xi32>, vector<16xi1>
    %lt3A_289 = arith.constant 196 : i32
    %lt3A_290 = vector.broadcast %lt3A_289 : i32 to vector<16xi32>
    %lt3A_291 = arith.cmpi slt, %add3A_221, %lt3A_290 : vector<16xi32>
    tpu.vector_store_idx %arg10[%scan3A_234#9], %broadcast_in_dim3A_3 masked %lt3A_291 {add = true} : memref<208xi32, #tpu.memory_space<vmem>>[vector<16xi32>], vector<16xi32>, vector<16xi1>
    %lt3A_292 = arith.constant 196 : i32
    %lt3A_293 = vector.broadcast %lt3A_292 : i32 to vector<16xi32>
    %lt3A_294 = arith.cmpi slt, %add3A_224, %lt3A_293 : vector<16xi32>
    tpu.vector_store_idx %arg10[%scan3A_234#10], %broadcast_in_dim3A_3 masked %lt3A_294 {add = true} : memref<208xi32, #tpu.memory_space<vmem>>[vector<16xi32>], vector<16xi32>, vector<16xi1>
    %lt3A_295 = arith.constant 196 : i32
    %lt3A_296 = vector.broadcast %lt3A_295 : i32 to vector<16xi32>
    %lt3A_297 = arith.cmpi slt, %add3A_227, %lt3A_296 : vector<16xi32>
    tpu.vector_store_idx %arg10[%scan3A_234#11], %broadcast_in_dim3A_3 masked %lt3A_297 {add = true} : memref<208xi32, #tpu.memory_space<vmem>>[vector<16xi32>], vector<16xi32>, vector<16xi1>
    %lt3A_298 = arith.constant 196 : i32
    %lt3A_299 = vector.broadcast %lt3A_298 : i32 to vector<16xi32>
    %lt3A_300 = arith.cmpi slt, %add3A_230, %lt3A_299 : vector<16xi32>
    tpu.vector_store_idx %arg10[%scan3A_234#12], %broadcast_in_dim3A_3 masked %lt3A_300 {add = true} : memref<208xi32, #tpu.memory_space<vmem>>[vector<16xi32>], vector<16xi32>, vector<16xi1>
    %get3A_301 = arith.constant 0 : index
    %get3A_302 = tpu.vector_load %arg10[%get3A_301] {strides = array<i32>} : memref<208xi32, #tpu.memory_space<vmem>>, vector<16xi32>,
    %max3A = arith.maxsi %broadcast_in_dim3A_1, %get3A_302 : vector<16xi32>
    %get3A_303 = arith.constant 16 : index
    %get3A_304 = tpu.vector_load %arg10[%get3A_303] {strides = array<i32>} : memref<208xi32, #tpu.memory_space<vmem>>, vector<16xi32>,
    %max3A_305 = arith.maxsi %max3A, %get3A_304 : vector<16xi32>
    %get3A_306 = arith.constant 32 : index
    %get3A_307 = tpu.vector_load %arg10[%get3A_306] {strides = array<i32>} : memref<208xi32, #tpu.memory_space<vmem>>, vector<16xi32>,
    %max3A_308 = arith.maxsi %max3A_305, %get3A_307 : vector<16xi32>
    %get3A_309 = arith.constant 48 : index
    %get3A_310 = tpu.vector_load %arg10[%get3A_309] {strides = array<i32>} : memref<208xi32, #tpu.memory_space<vmem>>, vector<16xi32>,
    %max3A_311 = arith.maxsi %max3A_308, %get3A_310 : vector<16xi32>
    %get3A_312 = arith.constant 64 : index
    %get3A_313 = tpu.vector_load %arg10[%get3A_312] {strides = array<i32>} : memref<208xi32, #tpu.memory_space<vmem>>, vector<16xi32>,
    %max3A_314 = arith.maxsi %max3A_311, %get3A_313 : vector<16xi32>
    %get3A_315 = arith.constant 80 : index
    %get3A_316 = tpu.vector_load %arg10[%get3A_315] {strides = array<i32>} : memref<208xi32, #tpu.memory_space<vmem>>, vector<16xi32>,
    %max3A_317 = arith.maxsi %max3A_314, %get3A_316 : vector<16xi32>
    %get3A_318 = arith.constant 96 : index
    %get3A_319 = tpu.vector_load %arg10[%get3A_318] {strides = array<i32>} : memref<208xi32, #tpu.memory_space<vmem>>, vector<16xi32>,
    %max3A_320 = arith.maxsi %max3A_317, %get3A_319 : vector<16xi32>
    %get3A_321 = arith.constant 112 : index
    %get3A_322 = tpu.vector_load %arg10[%get3A_321] {strides = array<i32>} : memref<208xi32, #tpu.memory_space<vmem>>, vector<16xi32>,
    %max3A_323 = arith.maxsi %max3A_320, %get3A_322 : vector<16xi32>
    %get3A_324 = arith.constant 128 : index
    %get3A_325 = tpu.vector_load %arg10[%get3A_324] {strides = array<i32>} : memref<208xi32, #tpu.memory_space<vmem>>, vector<16xi32>,
    %max3A_326 = arith.maxsi %max3A_323, %get3A_325 : vector<16xi32>
    %get3A_327 = arith.constant 144 : index
    %get3A_328 = tpu.vector_load %arg10[%get3A_327] {strides = array<i32>} : memref<208xi32, #tpu.memory_space<vmem>>, vector<16xi32>,
    %max3A_329 = arith.maxsi %max3A_326, %get3A_328 : vector<16xi32>
    %get3A_330 = arith.constant 160 : index
    %get3A_331 = tpu.vector_load %arg10[%get3A_330] {strides = array<i32>} : memref<208xi32, #tpu.memory_space<vmem>>, vector<16xi32>,
    %max3A_332 = arith.maxsi %max3A_329, %get3A_331 : vector<16xi32>
    %get3A_333 = arith.constant 176 : index
    %get3A_334 = tpu.vector_load %arg10[%get3A_333] {strides = array<i32>} : memref<208xi32, #tpu.memory_space<vmem>>, vector<16xi32>,
    %max3A_335 = arith.maxsi %max3A_332, %get3A_334 : vector<16xi32>
    %get3A_336 = arith.constant 192 : index
    %get3A_337 = tpu.vector_load %arg10[%get3A_336] {strides = array<i32>} : memref<208xi32, #tpu.memory_space<vmem>>, vector<16xi32>,
    %max3A_338 = arith.maxsi %max3A_335, %get3A_337 : vector<16xi32>
    %reduce_max3A = arith.constant true
    %reduce_max3A_339 = vector.broadcast %reduce_max3A : i1 to vector<16xi1>
    %reduce_max3A_340 = arith.constant -2147483648 : i32
    %reduce_max3A_341 = vector.broadcast %reduce_max3A_340 : i32 to vector<16xi32>
    %reduce_max3A_342 = arith.xori %max3A_338, %reduce_max3A_341 : vector<16xi32>
    %reduce_max3A_343 = tpu.scan <max>, %reduce_max3A_342 masked %reduce_max3A_339 : vector<16xi32>, vector<16xi1> -> vector<16xi32>
    %reduce_max3A_344 = arith.xori %reduce_max3A_343, %reduce_max3A_341 : vector<16xi32>
    %reduce_max3A_345 = vector.extract %reduce_max3A_344[15] : i32 from vector<16xi32>
    %gt3A = arith.constant 1 : i32
    %gt3A_346 = arith.cmpi sgt, %reduce_max3A_345, %gt3A : i32
    %add3A_347 = arith.constant 0 : i32
    %add3A_348 = vector.broadcast %add3A_347 : i32 to vector<16xi32>
    %add3A_349 = arith.addi %add3A_194, %add3A_348 : vector<16xi32>
    %lt3A_350 = arith.constant 196 : i32
    %lt3A_351 = vector.broadcast %lt3A_350 : i32 to vector<16xi32>
    %lt3A_352 = arith.cmpi slt, %add3A_194, %lt3A_351 : vector<16xi32>
    tpu.vector_store_idx %arg12[%add3A_349], %scan3A_234#0 masked %lt3A_352 : memref<392xi32, #tpu.memory_space<vmem>>[vector<16xi32>], vector<16xi32>, vector<16xi1>
    %add3A_353 = arith.constant 0 : i32
    %add3A_354 = vector.broadcast %add3A_353 : i32 to vector<16xi32>
    %add3A_355 = arith.addi %scan3A_234#0, %add3A_354 : vector<16xi32>
    %lt3A_356 = arith.constant 196 : i32
    %lt3A_357 = vector.broadcast %lt3A_356 : i32 to vector<16xi32>
    %lt3A_358 = arith.cmpi slt, %scan3A_234#0, %lt3A_357 : vector<16xi32>
    tpu.vector_store_idx %arg11[%add3A_355], %add3A_194 masked %lt3A_358 : memref<392xi32, #tpu.memory_space<vmem>>[vector<16xi32>], vector<16xi32>, vector<16xi1>
    %add3A_359 = arith.constant 0 : i32
    %add3A_360 = vector.broadcast %add3A_359 : i32 to vector<16xi32>
    %add3A_361 = arith.addi %add3A_197, %add3A_360 : vector<16xi32>
    %lt3A_362 = arith.constant 196 : i32
    %lt3A_363 = vector.broadcast %lt3A_362 : i32 to vector<16xi32>
    %lt3A_364 = arith.cmpi slt, %add3A_197, %lt3A_363 : vector<16xi32>
    tpu.vector_store_idx %arg12[%add3A_361], %scan3A_234#1 masked %lt3A_364 : memref<392xi32, #tpu.memory_space<vmem>>[vector<16xi32>], vector<16xi32>, vector<16xi1>
    %add3A_365 = arith.constant 0 : i32
    %add3A_366 = vector.broadcast %add3A_365 : i32 to vector<16xi32>
    %add3A_367 = arith.addi %scan3A_234#1, %add3A_366 : vector<16xi32>
    %lt3A_368 = arith.constant 196 : i32
    %lt3A_369 = vector.broadcast %lt3A_368 : i32 to vector<16xi32>
    %lt3A_370 = arith.cmpi slt, %scan3A_234#1, %lt3A_369 : vector<16xi32>
    tpu.vector_store_idx %arg11[%add3A_367], %add3A_197 masked %lt3A_370 : memref<392xi32, #tpu.memory_space<vmem>>[vector<16xi32>], vector<16xi32>, vector<16xi1>
    %add3A_371 = arith.constant 0 : i32
    %add3A_372 = vector.broadcast %add3A_371 : i32 to vector<16xi32>
    %add3A_373 = arith.addi %add3A_200, %add3A_372 : vector<16xi32>
    %lt3A_374 = arith.constant 196 : i32
    %lt3A_375 = vector.broadcast %lt3A_374 : i32 to vector<16xi32>
    %lt3A_376 = arith.cmpi slt, %add3A_200, %lt3A_375 : vector<16xi32>
    tpu.vector_store_idx %arg12[%add3A_373], %scan3A_234#2 masked %lt3A_376 : memref<392xi32, #tpu.memory_space<vmem>>[vector<16xi32>], vector<16xi32>, vector<16xi1>
    %add3A_377 = arith.constant 0 : i32
    %add3A_378 = vector.broadcast %add3A_377 : i32 to vector<16xi32>
    %add3A_379 = arith.addi %scan3A_234#2, %add3A_378 : vector<16xi32>
    %lt3A_380 = arith.constant 196 : i32
    %lt3A_381 = vector.broadcast %lt3A_380 : i32 to vector<16xi32>
    %lt3A_382 = arith.cmpi slt, %scan3A_234#2, %lt3A_381 : vector<16xi32>
    tpu.vector_store_idx %arg11[%add3A_379], %add3A_200 masked %lt3A_382 : memref<392xi32, #tpu.memory_space<vmem>>[vector<16xi32>], vector<16xi32>, vector<16xi1>
    %add3A_383 = arith.constant 0 : i32
    %add3A_384 = vector.broadcast %add3A_383 : i32 to vector<16xi32>
    %add3A_385 = arith.addi %add3A_203, %add3A_384 : vector<16xi32>
    %lt3A_386 = arith.constant 196 : i32
    %lt3A_387 = vector.broadcast %lt3A_386 : i32 to vector<16xi32>
    %lt3A_388 = arith.cmpi slt, %add3A_203, %lt3A_387 : vector<16xi32>
    tpu.vector_store_idx %arg12[%add3A_385], %scan3A_234#3 masked %lt3A_388 : memref<392xi32, #tpu.memory_space<vmem>>[vector<16xi32>], vector<16xi32>, vector<16xi1>
    %add3A_389 = arith.constant 0 : i32
    %add3A_390 = vector.broadcast %add3A_389 : i32 to vector<16xi32>
    %add3A_391 = arith.addi %scan3A_234#3, %add3A_390 : vector<16xi32>
    %lt3A_392 = arith.constant 196 : i32
    %lt3A_393 = vector.broadcast %lt3A_392 : i32 to vector<16xi32>
    %lt3A_394 = arith.cmpi slt, %scan3A_234#3, %lt3A_393 : vector<16xi32>
    tpu.vector_store_idx %arg11[%add3A_391], %add3A_203 masked %lt3A_394 : memref<392xi32, #tpu.memory_space<vmem>>[vector<16xi32>], vector<16xi32>, vector<16xi1>
    %add3A_395 = arith.constant 0 : i32
    %add3A_396 = vector.broadcast %add3A_395 : i32 to vector<16xi32>
    %add3A_397 = arith.addi %add3A_206, %add3A_396 : vector<16xi32>
    %lt3A_398 = arith.constant 196 : i32
    %lt3A_399 = vector.broadcast %lt3A_398 : i32 to vector<16xi32>
    %lt3A_400 = arith.cmpi slt, %add3A_206, %lt3A_399 : vector<16xi32>
    tpu.vector_store_idx %arg12[%add3A_397], %scan3A_234#4 masked %lt3A_400 : memref<392xi32, #tpu.memory_space<vmem>>[vector<16xi32>], vector<16xi32>, vector<16xi1>
    %add3A_401 = arith.constant 0 : i32
    %add3A_402 = vector.broadcast %add3A_401 : i32 to vector<16xi32>
    %add3A_403 = arith.addi %scan3A_234#4, %add3A_402 : vector<16xi32>
    %lt3A_404 = arith.constant 196 : i32
    %lt3A_405 = vector.broadcast %lt3A_404 : i32 to vector<16xi32>
    %lt3A_406 = arith.cmpi slt, %scan3A_234#4, %lt3A_405 : vector<16xi32>
    tpu.vector_store_idx %arg11[%add3A_403], %add3A_206 masked %lt3A_406 : memref<392xi32, #tpu.memory_space<vmem>>[vector<16xi32>], vector<16xi32>, vector<16xi1>
    %add3A_407 = arith.constant 0 : i32
    %add3A_408 = vector.broadcast %add3A_407 : i32 to vector<16xi32>
    %add3A_409 = arith.addi %add3A_209, %add3A_408 : vector<16xi32>
    %lt3A_410 = arith.constant 196 : i32
    %lt3A_411 = vector.broadcast %lt3A_410 : i32 to vector<16xi32>
    %lt3A_412 = arith.cmpi slt, %add3A_209, %lt3A_411 : vector<16xi32>
    tpu.vector_store_idx %arg12[%add3A_409], %scan3A_234#5 masked %lt3A_412 : memref<392xi32, #tpu.memory_space<vmem>>[vector<16xi32>], vector<16xi32>, vector<16xi1>
    %add3A_413 = arith.constant 0 : i32
    %add3A_414 = vector.broadcast %add3A_413 : i32 to vector<16xi32>
    %add3A_415 = arith.addi %scan3A_234#5, %add3A_414 : vector<16xi32>
    %lt3A_416 = arith.constant 196 : i32
    %lt3A_417 = vector.broadcast %lt3A_416 : i32 to vector<16xi32>
    %lt3A_418 = arith.cmpi slt, %scan3A_234#5, %lt3A_417 : vector<16xi32>
    tpu.vector_store_idx %arg11[%add3A_415], %add3A_209 masked %lt3A_418 : memref<392xi32, #tpu.memory_space<vmem>>[vector<16xi32>], vector<16xi32>, vector<16xi1>
    %add3A_419 = arith.constant 0 : i32
    %add3A_420 = vector.broadcast %add3A_419 : i32 to vector<16xi32>
    %add3A_421 = arith.addi %add3A_212, %add3A_420 : vector<16xi32>
    %lt3A_422 = arith.constant 196 : i32
    %lt3A_423 = vector.broadcast %lt3A_422 : i32 to vector<16xi32>
    %lt3A_424 = arith.cmpi slt, %add3A_212, %lt3A_423 : vector<16xi32>
    tpu.vector_store_idx %arg12[%add3A_421], %scan3A_234#6 masked %lt3A_424 : memref<392xi32, #tpu.memory_space<vmem>>[vector<16xi32>], vector<16xi32>, vector<16xi1>
    %add3A_425 = arith.constant 0 : i32
    %add3A_426 = vector.broadcast %add3A_425 : i32 to vector<16xi32>
    %add3A_427 = arith.addi %scan3A_234#6, %add3A_426 : vector<16xi32>
    %lt3A_428 = arith.constant 196 : i32
    %lt3A_429 = vector.broadcast %lt3A_428 : i32 to vector<16xi32>
    %lt3A_430 = arith.cmpi slt, %scan3A_234#6, %lt3A_429 : vector<16xi32>
    tpu.vector_store_idx %arg11[%add3A_427], %add3A_212 masked %lt3A_430 : memref<392xi32, #tpu.memory_space<vmem>>[vector<16xi32>], vector<16xi32>, vector<16xi1>
    %add3A_431 = arith.constant 0 : i32
    %add3A_432 = vector.broadcast %add3A_431 : i32 to vector<16xi32>
    %add3A_433 = arith.addi %add3A_215, %add3A_432 : vector<16xi32>
    %lt3A_434 = arith.constant 196 : i32
    %lt3A_435 = vector.broadcast %lt3A_434 : i32 to vector<16xi32>
    %lt3A_436 = arith.cmpi slt, %add3A_215, %lt3A_435 : vector<16xi32>
    tpu.vector_store_idx %arg12[%add3A_433], %scan3A_234#7 masked %lt3A_436 : memref<392xi32, #tpu.memory_space<vmem>>[vector<16xi32>], vector<16xi32>, vector<16xi1>
    %add3A_437 = arith.constant 0 : i32
    %add3A_438 = vector.broadcast %add3A_437 : i32 to vector<16xi32>
    %add3A_439 = arith.addi %scan3A_234#7, %add3A_438 : vector<16xi32>
    %lt3A_440 = arith.constant 196 : i32
    %lt3A_441 = vector.broadcast %lt3A_440 : i32 to vector<16xi32>
    %lt3A_442 = arith.cmpi slt, %scan3A_234#7, %lt3A_441 : vector<16xi32>
    tpu.vector_store_idx %arg11[%add3A_439], %add3A_215 masked %lt3A_442 : memref<392xi32, #tpu.memory_space<vmem>>[vector<16xi32>], vector<16xi32>, vector<16xi1>
    %add3A_443 = arith.constant 0 : i32
    %add3A_444 = vector.broadcast %add3A_443 : i32 to vector<16xi32>
    %add3A_445 = arith.addi %add3A_218, %add3A_444 : vector<16xi32>
    %lt3A_446 = arith.constant 196 : i32
    %lt3A_447 = vector.broadcast %lt3A_446 : i32 to vector<16xi32>
    %lt3A_448 = arith.cmpi slt, %add3A_218, %lt3A_447 : vector<16xi32>
    tpu.vector_store_idx %arg12[%add3A_445], %scan3A_234#8 masked %lt3A_448 : memref<392xi32, #tpu.memory_space<vmem>>[vector<16xi32>], vector<16xi32>, vector<16xi1>
    %add3A_449 = arith.constant 0 : i32
    %add3A_450 = vector.broadcast %add3A_449 : i32 to vector<16xi32>
    %add3A_451 = arith.addi %scan3A_234#8, %add3A_450 : vector<16xi32>
    %lt3A_452 = arith.constant 196 : i32
    %lt3A_453 = vector.broadcast %lt3A_452 : i32 to vector<16xi32>
    %lt3A_454 = arith.cmpi slt, %scan3A_234#8, %lt3A_453 : vector<16xi32>
    tpu.vector_store_idx %arg11[%add3A_451], %add3A_218 masked %lt3A_454 : memref<392xi32, #tpu.memory_space<vmem>>[vector<16xi32>], vector<16xi32>, vector<16xi1>
    %add3A_455 = arith.constant 0 : i32
    %add3A_456 = vector.broadcast %add3A_455 : i32 to vector<16xi32>
    %add3A_457 = arith.addi %add3A_221, %add3A_456 : vector<16xi32>
    %lt3A_458 = arith.constant 196 : i32
    %lt3A_459 = vector.broadcast %lt3A_458 : i32 to vector<16xi32>
    %lt3A_460 = arith.cmpi slt, %add3A_221, %lt3A_459 : vector<16xi32>
    tpu.vector_store_idx %arg12[%add3A_457], %scan3A_234#9 masked %lt3A_460 : memref<392xi32, #tpu.memory_space<vmem>>[vector<16xi32>], vector<16xi32>, vector<16xi1>
    %add3A_461 = arith.constant 0 : i32
    %add3A_462 = vector.broadcast %add3A_461 : i32 to vector<16xi32>
    %add3A_463 = arith.addi %scan3A_234#9, %add3A_462 : vector<16xi32>
    %lt3A_464 = arith.constant 196 : i32
    %lt3A_465 = vector.broadcast %lt3A_464 : i32 to vector<16xi32>
    %lt3A_466 = arith.cmpi slt, %scan3A_234#9, %lt3A_465 : vector<16xi32>
    tpu.vector_store_idx %arg11[%add3A_463], %add3A_221 masked %lt3A_466 : memref<392xi32, #tpu.memory_space<vmem>>[vector<16xi32>], vector<16xi32>, vector<16xi1>
    %add3A_467 = arith.constant 0 : i32
    %add3A_468 = vector.broadcast %add3A_467 : i32 to vector<16xi32>
    %add3A_469 = arith.addi %add3A_224, %add3A_468 : vector<16xi32>
    %lt3A_470 = arith.constant 196 : i32
    %lt3A_471 = vector.broadcast %lt3A_470 : i32 to vector<16xi32>
    %lt3A_472 = arith.cmpi slt, %add3A_224, %lt3A_471 : vector<16xi32>
    tpu.vector_store_idx %arg12[%add3A_469], %scan3A_234#10 masked %lt3A_472 : memref<392xi32, #tpu.memory_space<vmem>>[vector<16xi32>], vector<16xi32>, vector<16xi1>
    %add3A_473 = arith.constant 0 : i32
    %add3A_474 = vector.broadcast %add3A_473 : i32 to vector<16xi32>
    %add3A_475 = arith.addi %scan3A_234#10, %add3A_474 : vector<16xi32>
    %lt3A_476 = arith.constant 196 : i32
    %lt3A_477 = vector.broadcast %lt3A_476 : i32 to vector<16xi32>
    %lt3A_478 = arith.cmpi slt, %scan3A_234#10, %lt3A_477 : vector<16xi32>
    tpu.vector_store_idx %arg11[%add3A_475], %add3A_224 masked %lt3A_478 : memref<392xi32, #tpu.memory_space<vmem>>[vector<16xi32>], vector<16xi32>, vector<16xi1>
    %add3A_479 = arith.constant 0 : i32
    %add3A_480 = vector.broadcast %add3A_479 : i32 to vector<16xi32>
    %add3A_481 = arith.addi %add3A_227, %add3A_480 : vector<16xi32>
    %lt3A_482 = arith.constant 196 : i32
    %lt3A_483 = vector.broadcast %lt3A_482 : i32 to vector<16xi32>
    %lt3A_484 = arith.cmpi slt, %add3A_227, %lt3A_483 : vector<16xi32>
    tpu.vector_store_idx %arg12[%add3A_481], %scan3A_234#11 masked %lt3A_484 : memref<392xi32, #tpu.memory_space<vmem>>[vector<16xi32>], vector<16xi32>, vector<16xi1>
    %add3A_485 = arith.constant 0 : i32
    %add3A_486 = vector.broadcast %add3A_485 : i32 to vector<16xi32>
    %add3A_487 = arith.addi %scan3A_234#11, %add3A_486 : vector<16xi32>
    %lt3A_488 = arith.constant 196 : i32
    %lt3A_489 = vector.broadcast %lt3A_488 : i32 to vector<16xi32>
    %lt3A_490 = arith.cmpi slt, %scan3A_234#11, %lt3A_489 : vector<16xi32>
    tpu.vector_store_idx %arg11[%add3A_487], %add3A_227 masked %lt3A_490 : memref<392xi32, #tpu.memory_space<vmem>>[vector<16xi32>], vector<16xi32>, vector<16xi1>
    %add3A_491 = arith.constant 0 : i32
    %add3A_492 = vector.broadcast %add3A_491 : i32 to vector<16xi32>
    %add3A_493 = arith.addi %add3A_230, %add3A_492 : vector<16xi32>
    %lt3A_494 = arith.constant 196 : i32
    %lt3A_495 = vector.broadcast %lt3A_494 : i32 to vector<16xi32>
    %lt3A_496 = arith.cmpi slt, %add3A_230, %lt3A_495 : vector<16xi32>
    tpu.vector_store_idx %arg12[%add3A_493], %scan3A_234#12 masked %lt3A_496 : memref<392xi32, #tpu.memory_space<vmem>>[vector<16xi32>], vector<16xi32>, vector<16xi1>
    %add3A_497 = arith.constant 0 : i32
    %add3A_498 = vector.broadcast %add3A_497 : i32 to vector<16xi32>
    %add3A_499 = arith.addi %scan3A_234#12, %add3A_498 : vector<16xi32>
    %lt3A_500 = arith.constant 196 : i32
    %lt3A_501 = vector.broadcast %lt3A_500 : i32 to vector<16xi32>
    %lt3A_502 = arith.cmpi slt, %scan3A_234#12, %lt3A_501 : vector<16xi32>
    tpu.vector_store_idx %arg11[%add3A_499], %add3A_230 masked %lt3A_502 : memref<392xi32, #tpu.memory_space<vmem>>[vector<16xi32>], vector<16xi32>, vector<16xi1>
    %convert_element_type3A = arith.extui %gt3A_346 : i1 to i32
    %cond3A = arith.constant 0 : i32
    %cond3A_503 = arith.cmpi ne, %convert_element_type3A, %cond3A : i32
    scf.if %cond3A_503 {
      %get3A_1285 = arith.constant 0 : index
      %get3A_1286 = tpu.vector_load %arg8[%get3A_1285] {strides = array<i32>} : memref<208xf32, #tpu.memory_space<vmem>>, vector<16xf32>,
      %get3A_1287 = arith.constant 16 : index
      %get3A_1288 = tpu.vector_load %arg8[%get3A_1287] {strides = array<i32>} : memref<208xf32, #tpu.memory_space<vmem>>, vector<16xf32>,
      %get3A_1289 = arith.constant 32 : index
      %get3A_1290 = tpu.vector_load %arg8[%get3A_1289] {strides = array<i32>} : memref<208xf32, #tpu.memory_space<vmem>>, vector<16xf32>,
      %get3A_1291 = arith.constant 48 : index
      %get3A_1292 = tpu.vector_load %arg8[%get3A_1291] {strides = array<i32>} : memref<208xf32, #tpu.memory_space<vmem>>, vector<16xf32>,
      %get3A_1293 = arith.constant 64 : index
      %get3A_1294 = tpu.vector_load %arg8[%get3A_1293] {strides = array<i32>} : memref<208xf32, #tpu.memory_space<vmem>>, vector<16xf32>,
      %get3A_1295 = arith.constant 80 : index
      %get3A_1296 = tpu.vector_load %arg8[%get3A_1295] {strides = array<i32>} : memref<208xf32, #tpu.memory_space<vmem>>, vector<16xf32>,
      %get3A_1297 = arith.constant 96 : index
      %get3A_1298 = tpu.vector_load %arg8[%get3A_1297] {strides = array<i32>} : memref<208xf32, #tpu.memory_space<vmem>>, vector<16xf32>,
      %get3A_1299 = arith.constant 112 : index
      %get3A_1300 = tpu.vector_load %arg8[%get3A_1299] {strides = array<i32>} : memref<208xf32, #tpu.memory_space<vmem>>, vector<16xf32>,
      %get3A_1301 = arith.constant 128 : index
      %get3A_1302 = tpu.vector_load %arg8[%get3A_1301] {strides = array<i32>} : memref<208xf32, #tpu.memory_space<vmem>>, vector<16xf32>,
      %get3A_1303 = arith.constant 144 : index
      %get3A_1304 = tpu.vector_load %arg8[%get3A_1303] {strides = array<i32>} : memref<208xf32, #tpu.memory_space<vmem>>, vector<16xf32>,
      %get3A_1305 = arith.constant 160 : index
      %get3A_1306 = tpu.vector_load %arg8[%get3A_1305] {strides = array<i32>} : memref<208xf32, #tpu.memory_space<vmem>>, vector<16xf32>,
      %get3A_1307 = arith.constant 176 : index
      %get3A_1308 = tpu.vector_load %arg8[%get3A_1307] {strides = array<i32>} : memref<208xf32, #tpu.memory_space<vmem>>, vector<16xf32>,
      %get3A_1309 = arith.constant 192 : index
      %get3A_1310 = tpu.vector_load %arg8[%get3A_1309] {strides = array<i32>} : memref<208xf32, #tpu.memory_space<vmem>>, vector<16xf32>,
      %scan3A_1311 = arith.constant 0 : i32
      %scan3A_1312 = arith.constant 196 : i32
      %scan3A_1313 = arith.addi %scan3A_1311, %scan3A_1312 : i32
      %scan3A_1314 = arith.constant 1 : i32
      %scan3A_1315:13 = scf.for %scan3A_1473 = %scan3A_1311 to %scan3A_1313 step %scan3A_1314 iter_args(%scan3A_1474 = %broadcast_in_dim3A_1, %scan3A_1475 = %broadcast_in_dim3A_1, %scan3A_1476 = %broadcast_in_dim3A_1, %scan3A_1477 = %broadcast_in_dim3A_1, %scan3A_1478 = %broadcast_in_dim3A_1, %scan3A_1479 = %broadcast_in_dim3A_1, %scan3A_1480 = %broadcast_in_dim3A_1, %scan3A_1481 = %broadcast_in_dim3A_1, %scan3A_1482 = %broadcast_in_dim3A_1, %scan3A_1483 = %broadcast_in_dim3A_1, %scan3A_1484 = %broadcast_in_dim3A_1, %scan3A_1485 = %broadcast_in_dim3A_1, %scan3A_1486 = %broadcast_in_dim3A_1) -> (vector<16xi32>, vector<16xi32>, vector<16xi32>, vector<16xi32>, vector<16xi32>, vector<16xi32>, vector<16xi32>, vector<16xi32>, vector<16xi32>, vector<16xi32>, vector<16xi32>, vector<16xi32>, vector<16xi32>)  : i32 {
        %broadcast_in_dim3A_1487 = vector.broadcast %scan3A_1473 : i32 to vector<16xi32>
        %gather3A_1488 = tpu.vector_load_idx %arg8[%broadcast_in_dim3A_1487] : memref<208xf32, #tpu.memory_space<vmem>>[vector<16xi32>], vector<16xf32>,
        %lt3A_1489 = arith.cmpf olt, %gather3A_1488, %get3A_1286 : vector<16xf32>
        %eq3A_1490 = arith.cmpf oeq, %gather3A_1488, %get3A_1286 : vector<16xf32>
        %lt3A_1491 = arith.cmpi slt, %broadcast_in_dim3A_1487, %add3A_194 : vector<16xi32>
        %and3A = arith.andi %eq3A_1490, %lt3A_1491 : vector<16xi1>
        %or3A = arith.ori %lt3A_1489, %and3A : vector<16xi1>
        %convert_element_type3A_1492 = arith.extui %or3A : vector<16xi1> to vector<16xi32>
        %add3A_1493 = arith.addi %scan3A_1474, %convert_element_type3A_1492 : vector<16xi32>
        %lt3A_1494 = arith.cmpf olt, %gather3A_1488, %get3A_1288 : vector<16xf32>
        %eq3A_1495 = arith.cmpf oeq, %gather3A_1488, %get3A_1288 : vector<16xf32>
        %lt3A_1496 = arith.cmpi slt, %broadcast_in_dim3A_1487, %add3A_197 : vector<16xi32>
        %and3A_1497 = arith.andi %eq3A_1495, %lt3A_1496 : vector<16xi1>
        %or3A_1498 = arith.ori %lt3A_1494, %and3A_1497 : vector<16xi1>
        %convert_element_type3A_1499 = arith.extui %or3A_1498 : vector<16xi1> to vector<16xi32>
        %add3A_1500 = arith.addi %scan3A_1475, %convert_element_type3A_1499 : vector<16xi32>
        %lt3A_1501 = arith.cmpf olt, %gather3A_1488, %get3A_1290 : vector<16xf32>
        %eq3A_1502 = arith.cmpf oeq, %gather3A_1488, %get3A_1290 : vector<16xf32>
        %lt3A_1503 = arith.cmpi slt, %broadcast_in_dim3A_1487, %add3A_200 : vector<16xi32>
        %and3A_1504 = arith.andi %eq3A_1502, %lt3A_1503 : vector<16xi1>
        %or3A_1505 = arith.ori %lt3A_1501, %and3A_1504 : vector<16xi1>
        %convert_element_type3A_1506 = arith.extui %or3A_1505 : vector<16xi1> to vector<16xi32>
        %add3A_1507 = arith.addi %scan3A_1476, %convert_element_type3A_1506 : vector<16xi32>
        %lt3A_1508 = arith.cmpf olt, %gather3A_1488, %get3A_1292 : vector<16xf32>
        %eq3A_1509 = arith.cmpf oeq, %gather3A_1488, %get3A_1292 : vector<16xf32>
        %lt3A_1510 = arith.cmpi slt, %broadcast_in_dim3A_1487, %add3A_203 : vector<16xi32>
        %and3A_1511 = arith.andi %eq3A_1509, %lt3A_1510 : vector<16xi1>
        %or3A_1512 = arith.ori %lt3A_1508, %and3A_1511 : vector<16xi1>
        %convert_element_type3A_1513 = arith.extui %or3A_1512 : vector<16xi1> to vector<16xi32>
        %add3A_1514 = arith.addi %scan3A_1477, %convert_element_type3A_1513 : vector<16xi32>
        %lt3A_1515 = arith.cmpf olt, %gather3A_1488, %get3A_1294 : vector<16xf32>
        %eq3A_1516 = arith.cmpf oeq, %gather3A_1488, %get3A_1294 : vector<16xf32>
        %lt3A_1517 = arith.cmpi slt, %broadcast_in_dim3A_1487, %add3A_206 : vector<16xi32>
        %and3A_1518 = arith.andi %eq3A_1516, %lt3A_1517 : vector<16xi1>
        %or3A_1519 = arith.ori %lt3A_1515, %and3A_1518 : vector<16xi1>
        %convert_element_type3A_1520 = arith.extui %or3A_1519 : vector<16xi1> to vector<16xi32>
        %add3A_1521 = arith.addi %scan3A_1478, %convert_element_type3A_1520 : vector<16xi32>
        %lt3A_1522 = arith.cmpf olt, %gather3A_1488, %get3A_1296 : vector<16xf32>
        %eq3A_1523 = arith.cmpf oeq, %gather3A_1488, %get3A_1296 : vector<16xf32>
        %lt3A_1524 = arith.cmpi slt, %broadcast_in_dim3A_1487, %add3A_209 : vector<16xi32>
        %and3A_1525 = arith.andi %eq3A_1523, %lt3A_1524 : vector<16xi1>
        %or3A_1526 = arith.ori %lt3A_1522, %and3A_1525 : vector<16xi1>
        %convert_element_type3A_1527 = arith.extui %or3A_1526 : vector<16xi1> to vector<16xi32>
        %add3A_1528 = arith.addi %scan3A_1479, %convert_element_type3A_1527 : vector<16xi32>
        %lt3A_1529 = arith.cmpf olt, %gather3A_1488, %get3A_1298 : vector<16xf32>
        %eq3A_1530 = arith.cmpf oeq, %gather3A_1488, %get3A_1298 : vector<16xf32>
        %lt3A_1531 = arith.cmpi slt, %broadcast_in_dim3A_1487, %add3A_212 : vector<16xi32>
        %and3A_1532 = arith.andi %eq3A_1530, %lt3A_1531 : vector<16xi1>
        %or3A_1533 = arith.ori %lt3A_1529, %and3A_1532 : vector<16xi1>
        %convert_element_type3A_1534 = arith.extui %or3A_1533 : vector<16xi1> to vector<16xi32>
        %add3A_1535 = arith.addi %scan3A_1480, %convert_element_type3A_1534 : vector<16xi32>
        %lt3A_1536 = arith.cmpf olt, %gather3A_1488, %get3A_1300 : vector<16xf32>
        %eq3A_1537 = arith.cmpf oeq, %gather3A_1488, %get3A_1300 : vector<16xf32>
        %lt3A_1538 = arith.cmpi slt, %broadcast_in_dim3A_1487, %add3A_215 : vector<16xi32>
        %and3A_1539 = arith.andi %eq3A_1537, %lt3A_1538 : vector<16xi1>
        %or3A_1540 = arith.ori %lt3A_1536, %and3A_1539 : vector<16xi1>
        %convert_element_type3A_1541 = arith.extui %or3A_1540 : vector<16xi1> to vector<16xi32>
        %add3A_1542 = arith.addi %scan3A_1481, %convert_element_type3A_1541 : vector<16xi32>
        %lt3A_1543 = arith.cmpf olt, %gather3A_1488, %get3A_1302 : vector<16xf32>
        %eq3A_1544 = arith.cmpf oeq, %gather3A_1488, %get3A_1302 : vector<16xf32>
        %lt3A_1545 = arith.cmpi slt, %broadcast_in_dim3A_1487, %add3A_218 : vector<16xi32>
        %and3A_1546 = arith.andi %eq3A_1544, %lt3A_1545 : vector<16xi1>
        %or3A_1547 = arith.ori %lt3A_1543, %and3A_1546 : vector<16xi1>
        %convert_element_type3A_1548 = arith.extui %or3A_1547 : vector<16xi1> to vector<16xi32>
        %add3A_1549 = arith.addi %scan3A_1482, %convert_element_type3A_1548 : vector<16xi32>
        %lt3A_1550 = arith.cmpf olt, %gather3A_1488, %get3A_1304 : vector<16xf32>
        %eq3A_1551 = arith.cmpf oeq, %gather3A_1488, %get3A_1304 : vector<16xf32>
        %lt3A_1552 = arith.cmpi slt, %broadcast_in_dim3A_1487, %add3A_221 : vector<16xi32>
        %and3A_1553 = arith.andi %eq3A_1551, %lt3A_1552 : vector<16xi1>
        %or3A_1554 = arith.ori %lt3A_1550, %and3A_1553 : vector<16xi1>
        %convert_element_type3A_1555 = arith.extui %or3A_1554 : vector<16xi1> to vector<16xi32>
        %add3A_1556 = arith.addi %scan3A_1483, %convert_element_type3A_1555 : vector<16xi32>
        %lt3A_1557 = arith.cmpf olt, %gather3A_1488, %get3A_1306 : vector<16xf32>
        %eq3A_1558 = arith.cmpf oeq, %gather3A_1488, %get3A_1306 : vector<16xf32>
        %lt3A_1559 = arith.cmpi slt, %broadcast_in_dim3A_1487, %add3A_224 : vector<16xi32>
        %and3A_1560 = arith.andi %eq3A_1558, %lt3A_1559 : vector<16xi1>
        %or3A_1561 = arith.ori %lt3A_1557, %and3A_1560 : vector<16xi1>
        %convert_element_type3A_1562 = arith.extui %or3A_1561 : vector<16xi1> to vector<16xi32>
        %add3A_1563 = arith.addi %scan3A_1484, %convert_element_type3A_1562 : vector<16xi32>
        %lt3A_1564 = arith.cmpf olt, %gather3A_1488, %get3A_1308 : vector<16xf32>
        %eq3A_1565 = arith.cmpf oeq, %gather3A_1488, %get3A_1308 : vector<16xf32>
        %lt3A_1566 = arith.cmpi slt, %broadcast_in_dim3A_1487, %add3A_227 : vector<16xi32>
        %and3A_1567 = arith.andi %eq3A_1565, %lt3A_1566 : vector<16xi1>
        %or3A_1568 = arith.ori %lt3A_1564, %and3A_1567 : vector<16xi1>
        %convert_element_type3A_1569 = arith.extui %or3A_1568 : vector<16xi1> to vector<16xi32>
        %add3A_1570 = arith.addi %scan3A_1485, %convert_element_type3A_1569 : vector<16xi32>
        %lt3A_1571 = arith.cmpf olt, %gather3A_1488, %get3A_1310 : vector<16xf32>
        %eq3A_1572 = arith.cmpf oeq, %gather3A_1488, %get3A_1310 : vector<16xf32>
        %lt3A_1573 = arith.cmpi slt, %broadcast_in_dim3A_1487, %add3A_230 : vector<16xi32>
        %and3A_1574 = arith.andi %eq3A_1572, %lt3A_1573 : vector<16xi1>
        %or3A_1575 = arith.ori %lt3A_1571, %and3A_1574 : vector<16xi1>
        %convert_element_type3A_1576 = arith.extui %or3A_1575 : vector<16xi1> to vector<16xi32>
        %add3A_1577 = arith.addi %scan3A_1486, %convert_element_type3A_1576 : vector<16xi32>
        scf.yield %add3A_1493, %add3A_1500, %add3A_1507, %add3A_1514, %add3A_1521, %add3A_1528, %add3A_1535, %add3A_1542, %add3A_1549, %add3A_1556, %add3A_1563, %add3A_1570, %add3A_1577 : vector<16xi32>, vector<16xi32>, vector<16xi32>, vector<16xi32>, vector<16xi32>, vector<16xi32>, vector<16xi32>, vector<16xi32>, vector<16xi32>, vector<16xi32>, vector<16xi32>, vector<16xi32>, vector<16xi32>
      }
      %scan3A_1316 = arith.constant 196 : i32
      %add3A_1317 = arith.constant 0 : i32
      %add3A_1318 = vector.broadcast %add3A_1317 : i32 to vector<16xi32>
      %add3A_1319 = arith.addi %add3A_194, %add3A_1318 : vector<16xi32>
      %lt3A_1320 = arith.constant 196 : i32
      %lt3A_1321 = vector.broadcast %lt3A_1320 : i32 to vector<16xi32>
      %lt3A_1322 = arith.cmpi slt, %add3A_194, %lt3A_1321 : vector<16xi32>
      tpu.vector_store_idx %arg12[%add3A_1319], %scan3A_1315#0 masked %lt3A_1322 : memref<392xi32, #tpu.memory_space<vmem>>[vector<16xi32>], vector<16xi32>, vector<16xi1>
      %add3A_1323 = arith.constant 0 : i32
      %add3A_1324 = vector.broadcast %add3A_1323 : i32 to vector<16xi32>
      %add3A_1325 = arith.addi %scan3A_1315#0, %add3A_1324 : vector<16xi32>
      %lt3A_1326 = arith.constant 196 : i32
      %lt3A_1327 = vector.broadcast %lt3A_1326 : i32 to vector<16xi32>
      %lt3A_1328 = arith.cmpi slt, %scan3A_1315#0, %lt3A_1327 : vector<16xi32>
      tpu.vector_store_idx %arg11[%add3A_1325], %add3A_194 masked %lt3A_1328 : memref<392xi32, #tpu.memory_space<vmem>>[vector<16xi32>], vector<16xi32>, vector<16xi1>
      %add3A_1329 = arith.constant 0 : i32
      %add3A_1330 = vector.broadcast %add3A_1329 : i32 to vector<16xi32>
      %add3A_1331 = arith.addi %add3A_197, %add3A_1330 : vector<16xi32>
      %lt3A_1332 = arith.constant 196 : i32
      %lt3A_1333 = vector.broadcast %lt3A_1332 : i32 to vector<16xi32>
      %lt3A_1334 = arith.cmpi slt, %add3A_197, %lt3A_1333 : vector<16xi32>
      tpu.vector_store_idx %arg12[%add3A_1331], %scan3A_1315#1 masked %lt3A_1334 : memref<392xi32, #tpu.memory_space<vmem>>[vector<16xi32>], vector<16xi32>, vector<16xi1>
      %add3A_1335 = arith.constant 0 : i32
      %add3A_1336 = vector.broadcast %add3A_1335 : i32 to vector<16xi32>
      %add3A_1337 = arith.addi %scan3A_1315#1, %add3A_1336 : vector<16xi32>
      %lt3A_1338 = arith.constant 196 : i32
      %lt3A_1339 = vector.broadcast %lt3A_1338 : i32 to vector<16xi32>
      %lt3A_1340 = arith.cmpi slt, %scan3A_1315#1, %lt3A_1339 : vector<16xi32>
      tpu.vector_store_idx %arg11[%add3A_1337], %add3A_197 masked %lt3A_1340 : memref<392xi32, #tpu.memory_space<vmem>>[vector<16xi32>], vector<16xi32>, vector<16xi1>
      %add3A_1341 = arith.constant 0 : i32
      %add3A_1342 = vector.broadcast %add3A_1341 : i32 to vector<16xi32>
      %add3A_1343 = arith.addi %add3A_200, %add3A_1342 : vector<16xi32>
      %lt3A_1344 = arith.constant 196 : i32
      %lt3A_1345 = vector.broadcast %lt3A_1344 : i32 to vector<16xi32>
      %lt3A_1346 = arith.cmpi slt, %add3A_200, %lt3A_1345 : vector<16xi32>
      tpu.vector_store_idx %arg12[%add3A_1343], %scan3A_1315#2 masked %lt3A_1346 : memref<392xi32, #tpu.memory_space<vmem>>[vector<16xi32>], vector<16xi32>, vector<16xi1>
      %add3A_1347 = arith.constant 0 : i32
      %add3A_1348 = vector.broadcast %add3A_1347 : i32 to vector<16xi32>
      %add3A_1349 = arith.addi %scan3A_1315#2, %add3A_1348 : vector<16xi32>
      %lt3A_1350 = arith.constant 196 : i32
      %lt3A_1351 = vector.broadcast %lt3A_1350 : i32 to vector<16xi32>
      %lt3A_1352 = arith.cmpi slt, %scan3A_1315#2, %lt3A_1351 : vector<16xi32>
      tpu.vector_store_idx %arg11[%add3A_1349], %add3A_200 masked %lt3A_1352 : memref<392xi32, #tpu.memory_space<vmem>>[vector<16xi32>], vector<16xi32>, vector<16xi1>
      %add3A_1353 = arith.constant 0 : i32
      %add3A_1354 = vector.broadcast %add3A_1353 : i32 to vector<16xi32>
      %add3A_1355 = arith.addi %add3A_203, %add3A_1354 : vector<16xi32>
      %lt3A_1356 = arith.constant 196 : i32
      %lt3A_1357 = vector.broadcast %lt3A_1356 : i32 to vector<16xi32>
      %lt3A_1358 = arith.cmpi slt, %add3A_203, %lt3A_1357 : vector<16xi32>
      tpu.vector_store_idx %arg12[%add3A_1355], %scan3A_1315#3 masked %lt3A_1358 : memref<392xi32, #tpu.memory_space<vmem>>[vector<16xi32>], vector<16xi32>, vector<16xi1>
      %add3A_1359 = arith.constant 0 : i32
      %add3A_1360 = vector.broadcast %add3A_1359 : i32 to vector<16xi32>
      %add3A_1361 = arith.addi %scan3A_1315#3, %add3A_1360 : vector<16xi32>
      %lt3A_1362 = arith.constant 196 : i32
      %lt3A_1363 = vector.broadcast %lt3A_1362 : i32 to vector<16xi32>
      %lt3A_1364 = arith.cmpi slt, %scan3A_1315#3, %lt3A_1363 : vector<16xi32>
      tpu.vector_store_idx %arg11[%add3A_1361], %add3A_203 masked %lt3A_1364 : memref<392xi32, #tpu.memory_space<vmem>>[vector<16xi32>], vector<16xi32>, vector<16xi1>
      %add3A_1365 = arith.constant 0 : i32
      %add3A_1366 = vector.broadcast %add3A_1365 : i32 to vector<16xi32>
      %add3A_1367 = arith.addi %add3A_206, %add3A_1366 : vector<16xi32>
      %lt3A_1368 = arith.constant 196 : i32
      %lt3A_1369 = vector.broadcast %lt3A_1368 : i32 to vector<16xi32>
      %lt3A_1370 = arith.cmpi slt, %add3A_206, %lt3A_1369 : vector<16xi32>
      tpu.vector_store_idx %arg12[%add3A_1367], %scan3A_1315#4 masked %lt3A_1370 : memref<392xi32, #tpu.memory_space<vmem>>[vector<16xi32>], vector<16xi32>, vector<16xi1>
      %add3A_1371 = arith.constant 0 : i32
      %add3A_1372 = vector.broadcast %add3A_1371 : i32 to vector<16xi32>
      %add3A_1373 = arith.addi %scan3A_1315#4, %add3A_1372 : vector<16xi32>
      %lt3A_1374 = arith.constant 196 : i32
      %lt3A_1375 = vector.broadcast %lt3A_1374 : i32 to vector<16xi32>
      %lt3A_1376 = arith.cmpi slt, %scan3A_1315#4, %lt3A_1375 : vector<16xi32>
      tpu.vector_store_idx %arg11[%add3A_1373], %add3A_206 masked %lt3A_1376 : memref<392xi32, #tpu.memory_space<vmem>>[vector<16xi32>], vector<16xi32>, vector<16xi1>
      %add3A_1377 = arith.constant 0 : i32
      %add3A_1378 = vector.broadcast %add3A_1377 : i32 to vector<16xi32>
      %add3A_1379 = arith.addi %add3A_209, %add3A_1378 : vector<16xi32>
      %lt3A_1380 = arith.constant 196 : i32
      %lt3A_1381 = vector.broadcast %lt3A_1380 : i32 to vector<16xi32>
      %lt3A_1382 = arith.cmpi slt, %add3A_209, %lt3A_1381 : vector<16xi32>
      tpu.vector_store_idx %arg12[%add3A_1379], %scan3A_1315#5 masked %lt3A_1382 : memref<392xi32, #tpu.memory_space<vmem>>[vector<16xi32>], vector<16xi32>, vector<16xi1>
      %add3A_1383 = arith.constant 0 : i32
      %add3A_1384 = vector.broadcast %add3A_1383 : i32 to vector<16xi32>
      %add3A_1385 = arith.addi %scan3A_1315#5, %add3A_1384 : vector<16xi32>
      %lt3A_1386 = arith.constant 196 : i32
      %lt3A_1387 = vector.broadcast %lt3A_1386 : i32 to vector<16xi32>
      %lt3A_1388 = arith.cmpi slt, %scan3A_1315#5, %lt3A_1387 : vector<16xi32>
      tpu.vector_store_idx %arg11[%add3A_1385], %add3A_209 masked %lt3A_1388 : memref<392xi32, #tpu.memory_space<vmem>>[vector<16xi32>], vector<16xi32>, vector<16xi1>
      %add3A_1389 = arith.constant 0 : i32
      %add3A_1390 = vector.broadcast %add3A_1389 : i32 to vector<16xi32>
      %add3A_1391 = arith.addi %add3A_212, %add3A_1390 : vector<16xi32>
      %lt3A_1392 = arith.constant 196 : i32
      %lt3A_1393 = vector.broadcast %lt3A_1392 : i32 to vector<16xi32>
      %lt3A_1394 = arith.cmpi slt, %add3A_212, %lt3A_1393 : vector<16xi32>
      tpu.vector_store_idx %arg12[%add3A_1391], %scan3A_1315#6 masked %lt3A_1394 : memref<392xi32, #tpu.memory_space<vmem>>[vector<16xi32>], vector<16xi32>, vector<16xi1>
      %add3A_1395 = arith.constant 0 : i32
      %add3A_1396 = vector.broadcast %add3A_1395 : i32 to vector<16xi32>
      %add3A_1397 = arith.addi %scan3A_1315#6, %add3A_1396 : vector<16xi32>
      %lt3A_1398 = arith.constant 196 : i32
      %lt3A_1399 = vector.broadcast %lt3A_1398 : i32 to vector<16xi32>
      %lt3A_1400 = arith.cmpi slt, %scan3A_1315#6, %lt3A_1399 : vector<16xi32>
      tpu.vector_store_idx %arg11[%add3A_1397], %add3A_212 masked %lt3A_1400 : memref<392xi32, #tpu.memory_space<vmem>>[vector<16xi32>], vector<16xi32>, vector<16xi1>
      %add3A_1401 = arith.constant 0 : i32
      %add3A_1402 = vector.broadcast %add3A_1401 : i32 to vector<16xi32>
      %add3A_1403 = arith.addi %add3A_215, %add3A_1402 : vector<16xi32>
      %lt3A_1404 = arith.constant 196 : i32
      %lt3A_1405 = vector.broadcast %lt3A_1404 : i32 to vector<16xi32>
      %lt3A_1406 = arith.cmpi slt, %add3A_215, %lt3A_1405 : vector<16xi32>
      tpu.vector_store_idx %arg12[%add3A_1403], %scan3A_1315#7 masked %lt3A_1406 : memref<392xi32, #tpu.memory_space<vmem>>[vector<16xi32>], vector<16xi32>, vector<16xi1>
      %add3A_1407 = arith.constant 0 : i32
      %add3A_1408 = vector.broadcast %add3A_1407 : i32 to vector<16xi32>
      %add3A_1409 = arith.addi %scan3A_1315#7, %add3A_1408 : vector<16xi32>
      %lt3A_1410 = arith.constant 196 : i32
      %lt3A_1411 = vector.broadcast %lt3A_1410 : i32 to vector<16xi32>
      %lt3A_1412 = arith.cmpi slt, %scan3A_1315#7, %lt3A_1411 : vector<16xi32>
      tpu.vector_store_idx %arg11[%add3A_1409], %add3A_215 masked %lt3A_1412 : memref<392xi32, #tpu.memory_space<vmem>>[vector<16xi32>], vector<16xi32>, vector<16xi1>
      %add3A_1413 = arith.constant 0 : i32
      %add3A_1414 = vector.broadcast %add3A_1413 : i32 to vector<16xi32>
      %add3A_1415 = arith.addi %add3A_218, %add3A_1414 : vector<16xi32>
      %lt3A_1416 = arith.constant 196 : i32
      %lt3A_1417 = vector.broadcast %lt3A_1416 : i32 to vector<16xi32>
      %lt3A_1418 = arith.cmpi slt, %add3A_218, %lt3A_1417 : vector<16xi32>
      tpu.vector_store_idx %arg12[%add3A_1415], %scan3A_1315#8 masked %lt3A_1418 : memref<392xi32, #tpu.memory_space<vmem>>[vector<16xi32>], vector<16xi32>, vector<16xi1>
      %add3A_1419 = arith.constant 0 : i32
      %add3A_1420 = vector.broadcast %add3A_1419 : i32 to vector<16xi32>
      %add3A_1421 = arith.addi %scan3A_1315#8, %add3A_1420 : vector<16xi32>
      %lt3A_1422 = arith.constant 196 : i32
      %lt3A_1423 = vector.broadcast %lt3A_1422 : i32 to vector<16xi32>
      %lt3A_1424 = arith.cmpi slt, %scan3A_1315#8, %lt3A_1423 : vector<16xi32>
      tpu.vector_store_idx %arg11[%add3A_1421], %add3A_218 masked %lt3A_1424 : memref<392xi32, #tpu.memory_space<vmem>>[vector<16xi32>], vector<16xi32>, vector<16xi1>
      %add3A_1425 = arith.constant 0 : i32
      %add3A_1426 = vector.broadcast %add3A_1425 : i32 to vector<16xi32>
      %add3A_1427 = arith.addi %add3A_221, %add3A_1426 : vector<16xi32>
      %lt3A_1428 = arith.constant 196 : i32
      %lt3A_1429 = vector.broadcast %lt3A_1428 : i32 to vector<16xi32>
      %lt3A_1430 = arith.cmpi slt, %add3A_221, %lt3A_1429 : vector<16xi32>
      tpu.vector_store_idx %arg12[%add3A_1427], %scan3A_1315#9 masked %lt3A_1430 : memref<392xi32, #tpu.memory_space<vmem>>[vector<16xi32>], vector<16xi32>, vector<16xi1>
      %add3A_1431 = arith.constant 0 : i32
      %add3A_1432 = vector.broadcast %add3A_1431 : i32 to vector<16xi32>
      %add3A_1433 = arith.addi %scan3A_1315#9, %add3A_1432 : vector<16xi32>
      %lt3A_1434 = arith.constant 196 : i32
      %lt3A_1435 = vector.broadcast %lt3A_1434 : i32 to vector<16xi32>
      %lt3A_1436 = arith.cmpi slt, %scan3A_1315#9, %lt3A_1435 : vector<16xi32>
      tpu.vector_store_idx %arg11[%add3A_1433], %add3A_221 masked %lt3A_1436 : memref<392xi32, #tpu.memory_space<vmem>>[vector<16xi32>], vector<16xi32>, vector<16xi1>
      %add3A_1437 = arith.constant 0 : i32
      %add3A_1438 = vector.broadcast %add3A_1437 : i32 to vector<16xi32>
      %add3A_1439 = arith.addi %add3A_224, %add3A_1438 : vector<16xi32>
      %lt3A_1440 = arith.constant 196 : i32
      %lt3A_1441 = vector.broadcast %lt3A_1440 : i32 to vector<16xi32>
      %lt3A_1442 = arith.cmpi slt, %add3A_224, %lt3A_1441 : vector<16xi32>
      tpu.vector_store_idx %arg12[%add3A_1439], %scan3A_1315#10 masked %lt3A_1442 : memref<392xi32, #tpu.memory_space<vmem>>[vector<16xi32>], vector<16xi32>, vector<16xi1>
      %add3A_1443 = arith.constant 0 : i32
      %add3A_1444 = vector.broadcast %add3A_1443 : i32 to vector<16xi32>
      %add3A_1445 = arith.addi %scan3A_1315#10, %add3A_1444 : vector<16xi32>
      %lt3A_1446 = arith.constant 196 : i32
      %lt3A_1447 = vector.broadcast %lt3A_1446 : i32 to vector<16xi32>
      %lt3A_1448 = arith.cmpi slt, %scan3A_1315#10, %lt3A_1447 : vector<16xi32>
      tpu.vector_store_idx %arg11[%add3A_1445], %add3A_224 masked %lt3A_1448 : memref<392xi32, #tpu.memory_space<vmem>>[vector<16xi32>], vector<16xi32>, vector<16xi1>
      %add3A_1449 = arith.constant 0 : i32
      %add3A_1450 = vector.broadcast %add3A_1449 : i32 to vector<16xi32>
      %add3A_1451 = arith.addi %add3A_227, %add3A_1450 : vector<16xi32>
      %lt3A_1452 = arith.constant 196 : i32
      %lt3A_1453 = vector.broadcast %lt3A_1452 : i32 to vector<16xi32>
      %lt3A_1454 = arith.cmpi slt, %add3A_227, %lt3A_1453 : vector<16xi32>
      tpu.vector_store_idx %arg12[%add3A_1451], %scan3A_1315#11 masked %lt3A_1454 : memref<392xi32, #tpu.memory_space<vmem>>[vector<16xi32>], vector<16xi32>, vector<16xi1>
      %add3A_1455 = arith.constant 0 : i32
      %add3A_1456 = vector.broadcast %add3A_1455 : i32 to vector<16xi32>
      %add3A_1457 = arith.addi %scan3A_1315#11, %add3A_1456 : vector<16xi32>
      %lt3A_1458 = arith.constant 196 : i32
      %lt3A_1459 = vector.broadcast %lt3A_1458 : i32 to vector<16xi32>
      %lt3A_1460 = arith.cmpi slt, %scan3A_1315#11, %lt3A_1459 : vector<16xi32>
      tpu.vector_store_idx %arg11[%add3A_1457], %add3A_227 masked %lt3A_1460 : memref<392xi32, #tpu.memory_space<vmem>>[vector<16xi32>], vector<16xi32>, vector<16xi1>
      %add3A_1461 = arith.constant 0 : i32
      %add3A_1462 = vector.broadcast %add3A_1461 : i32 to vector<16xi32>
      %add3A_1463 = arith.addi %add3A_230, %add3A_1462 : vector<16xi32>
      %lt3A_1464 = arith.constant 196 : i32
      %lt3A_1465 = vector.broadcast %lt3A_1464 : i32 to vector<16xi32>
      %lt3A_1466 = arith.cmpi slt, %add3A_230, %lt3A_1465 : vector<16xi32>
      tpu.vector_store_idx %arg12[%add3A_1463], %scan3A_1315#12 masked %lt3A_1466 : memref<392xi32, #tpu.memory_space<vmem>>[vector<16xi32>], vector<16xi32>, vector<16xi1>
      %add3A_1467 = arith.constant 0 : i32
      %add3A_1468 = vector.broadcast %add3A_1467 : i32 to vector<16xi32>
      %add3A_1469 = arith.addi %scan3A_1315#12, %add3A_1468 : vector<16xi32>
      %lt3A_1470 = arith.constant 196 : i32
      %lt3A_1471 = vector.broadcast %lt3A_1470 : i32 to vector<16xi32>
      %lt3A_1472 = arith.cmpi slt, %scan3A_1315#12, %lt3A_1471 : vector<16xi32>
      tpu.vector_store_idx %arg11[%add3A_1469], %add3A_230 masked %lt3A_1472 : memref<392xi32, #tpu.memory_space<vmem>>[vector<16xi32>], vector<16xi32>, vector<16xi1>
    } else {
    }
    %add3A_504 = arith.constant -1 : i32
    %add3A_505 = vector.broadcast %add3A_504 : i32 to vector<16xi32>
    %add3A_506 = arith.addi %iota3A, %add3A_505 : vector<16xi32>
    %max3A_507 = arith.constant 0 : i32
    %max3A_508 = vector.broadcast %max3A_507 : i32 to vector<16xi32>
    %max3A_509 = arith.maxsi %add3A_506, %max3A_508 : vector<16xi32>
    %add3A_510 = arith.constant 0 : i32
    %add3A_511 = vector.broadcast %add3A_510 : i32 to vector<16xi32>
    %add3A_512 = arith.addi %max3A_509, %add3A_511 : vector<16xi32>
    %gather3A_513 = tpu.vector_load_idx %arg11[%add3A_512] : memref<392xi32, #tpu.memory_space<vmem>>[vector<16xi32>], vector<16xi32>,
    %add3A_514 = arith.constant 1 : i32
    %add3A_515 = vector.broadcast %add3A_514 : i32 to vector<16xi32>
    %add3A_516 = arith.addi %gather3A_513, %add3A_515 : vector<16xi32>
    %mul3A_517 = arith.constant 64 : i32
    %mul3A_518 = vector.broadcast %mul3A_517 : i32 to vector<16xi32>
    %mul3A_519 = arith.muli %add3A_516, %mul3A_518 : vector<16xi32>
    %add3A_520 = vector.broadcast %add3A_11 : i32 to vector<16xi32>
    %add3A_521 = arith.addi %mul3A_519, %add3A_520 : vector<16xi32>
    %eq3A = arith.constant 0 : i32
    %eq3A_522 = vector.broadcast %eq3A : i32 to vector<16xi32>
    %eq3A_523 = arith.cmpi eq, %iota3A, %eq3A_522 : vector<16xi32>
    %broadcast_in_dim3A_524 = vector.broadcast %add3A_11 : i32 to vector<16xi32>
    %select_n3A_525 = arith.select %eq3A_523, %broadcast_in_dim3A_524, %add3A_521 : vector<16xi1>, vector<16xi32>
    %add3A_526 = arith.constant 0 : i32
    %add3A_527 = vector.broadcast %add3A_526 : i32 to vector<16xi32>
    %add3A_528 = arith.addi %iota3A, %add3A_527 : vector<16xi32>
    %lt3A_529 = arith.constant 50 : i32
    %lt3A_530 = vector.broadcast %lt3A_529 : i32 to vector<16xi32>
    %lt3A_531 = arith.cmpi slt, %add3A_528, %lt3A_530 : vector<16xi32>
    tpu.vector_store_idx %arg13[%add3A_528], %select_n3A_525 masked %lt3A_531 : memref<50xi32, #tpu.memory_space<vmem>>[vector<16xi32>], vector<16xi32>, vector<16xi1>
    %mul3A_532 = arith.constant 64 : i32
    %mul3A_533 = vector.broadcast %mul3A_532 : i32 to vector<16xi32>
    %mul3A_534 = arith.muli %add3A_528, %mul3A_533 : vector<16xi32>
    %add3A_535 = vector.broadcast %add3A_11 : i32 to vector<16xi32>
    %add3A_536 = arith.addi %mul3A_534, %add3A_535 : vector<16xi32>
    tpu.vector_store_idx %arg14[%add3A_528], %add3A_536 masked %lt3A_531 : memref<50xi32, #tpu.memory_space<vmem>>[vector<16xi32>], vector<16xi32>, vector<16xi1>
    %add3A_537 = arith.constant 15 : i32
    %add3A_538 = vector.broadcast %add3A_537 : i32 to vector<16xi32>
    %add3A_539 = arith.addi %iota3A, %add3A_538 : vector<16xi32>
    %max3A_540 = arith.constant 0 : i32
    %max3A_541 = vector.broadcast %max3A_540 : i32 to vector<16xi32>
    %max3A_542 = arith.maxsi %add3A_539, %max3A_541 : vector<16xi32>
    %add3A_543 = arith.constant 0 : i32
    %add3A_544 = vector.broadcast %add3A_543 : i32 to vector<16xi32>
    %add3A_545 = arith.addi %max3A_542, %add3A_544 : vector<16xi32>
    %gather3A_546 = tpu.vector_load_idx %arg11[%add3A_545] : memref<392xi32, #tpu.memory_space<vmem>>[vector<16xi32>], vector<16xi32>,
    %add3A_547 = arith.constant 1 : i32
    %add3A_548 = vector.broadcast %add3A_547 : i32 to vector<16xi32>
    %add3A_549 = arith.addi %gather3A_546, %add3A_548 : vector<16xi32>
    %mul3A_550 = arith.constant 64 : i32
    %mul3A_551 = vector.broadcast %mul3A_550 : i32 to vector<16xi32>
    %mul3A_552 = arith.muli %add3A_549, %mul3A_551 : vector<16xi32>
    %add3A_553 = vector.broadcast %add3A_11 : i32 to vector<16xi32>
    %add3A_554 = arith.addi %mul3A_552, %add3A_553 : vector<16xi32>
    %add3A_555 = arith.constant 16 : i32
    %add3A_556 = vector.broadcast %add3A_555 : i32 to vector<16xi32>
    %add3A_557 = arith.addi %iota3A, %add3A_556 : vector<16xi32>
    %lt3A_558 = arith.constant 50 : i32
    %lt3A_559 = vector.broadcast %lt3A_558 : i32 to vector<16xi32>
    %lt3A_560 = arith.cmpi slt, %add3A_557, %lt3A_559 : vector<16xi32>
    tpu.vector_store_idx %arg13[%add3A_557], %add3A_554 masked %lt3A_560 : memref<50xi32, #tpu.memory_space<vmem>>[vector<16xi32>], vector<16xi32>, vector<16xi1>
    %mul3A_561 = arith.constant 64 : i32
    %mul3A_562 = vector.broadcast %mul3A_561 : i32 to vector<16xi32>
    %mul3A_563 = arith.muli %add3A_557, %mul3A_562 : vector<16xi32>
    %add3A_564 = vector.broadcast %add3A_11 : i32 to vector<16xi32>
    %add3A_565 = arith.addi %mul3A_563, %add3A_564 : vector<16xi32>
    tpu.vector_store_idx %arg14[%add3A_557], %add3A_565 masked %lt3A_560 : memref<50xi32, #tpu.memory_space<vmem>>[vector<16xi32>], vector<16xi32>, vector<16xi1>
    %add3A_566 = arith.constant 31 : i32
    %add3A_567 = vector.broadcast %add3A_566 : i32 to vector<16xi32>
    %add3A_568 = arith.addi %iota3A, %add3A_567 : vector<16xi32>
    %max3A_569 = arith.constant 0 : i32
    %max3A_570 = vector.broadcast %max3A_569 : i32 to vector<16xi32>
    %max3A_571 = arith.maxsi %add3A_568, %max3A_570 : vector<16xi32>
    %add3A_572 = arith.constant 0 : i32
    %add3A_573 = vector.broadcast %add3A_572 : i32 to vector<16xi32>
    %add3A_574 = arith.addi %max3A_571, %add3A_573 : vector<16xi32>
    %gather3A_575 = tpu.vector_load_idx %arg11[%add3A_574] : memref<392xi32, #tpu.memory_space<vmem>>[vector<16xi32>], vector<16xi32>,
    %add3A_576 = arith.constant 1 : i32
    %add3A_577 = vector.broadcast %add3A_576 : i32 to vector<16xi32>
    %add3A_578 = arith.addi %gather3A_575, %add3A_577 : vector<16xi32>
    %mul3A_579 = arith.constant 64 : i32
    %mul3A_580 = vector.broadcast %mul3A_579 : i32 to vector<16xi32>
    %mul3A_581 = arith.muli %add3A_578, %mul3A_580 : vector<16xi32>
    %add3A_582 = vector.broadcast %add3A_11 : i32 to vector<16xi32>
    %add3A_583 = arith.addi %mul3A_581, %add3A_582 : vector<16xi32>
    %add3A_584 = arith.constant 32 : i32
    %add3A_585 = vector.broadcast %add3A_584 : i32 to vector<16xi32>
    %add3A_586 = arith.addi %iota3A, %add3A_585 : vector<16xi32>
    %lt3A_587 = arith.constant 50 : i32
    %lt3A_588 = vector.broadcast %lt3A_587 : i32 to vector<16xi32>
    %lt3A_589 = arith.cmpi slt, %add3A_586, %lt3A_588 : vector<16xi32>
    tpu.vector_store_idx %arg13[%add3A_586], %add3A_583 masked %lt3A_589 : memref<50xi32, #tpu.memory_space<vmem>>[vector<16xi32>], vector<16xi32>, vector<16xi1>
    %mul3A_590 = arith.constant 64 : i32
    %mul3A_591 = vector.broadcast %mul3A_590 : i32 to vector<16xi32>
    %mul3A_592 = arith.muli %add3A_586, %mul3A_591 : vector<16xi32>
    %add3A_593 = vector.broadcast %add3A_11 : i32 to vector<16xi32>
    %add3A_594 = arith.addi %mul3A_592, %add3A_593 : vector<16xi32>
    tpu.vector_store_idx %arg14[%add3A_586], %add3A_594 masked %lt3A_589 : memref<50xi32, #tpu.memory_space<vmem>>[vector<16xi32>], vector<16xi32>, vector<16xi1>
    %add3A_595 = arith.constant 47 : i32
    %add3A_596 = vector.broadcast %add3A_595 : i32 to vector<16xi32>
    %add3A_597 = arith.addi %iota3A, %add3A_596 : vector<16xi32>
    %max3A_598 = arith.constant 0 : i32
    %max3A_599 = vector.broadcast %max3A_598 : i32 to vector<16xi32>
    %max3A_600 = arith.maxsi %add3A_597, %max3A_599 : vector<16xi32>
    %add3A_601 = arith.constant 0 : i32
    %add3A_602 = vector.broadcast %add3A_601 : i32 to vector<16xi32>
    %add3A_603 = arith.addi %max3A_600, %add3A_602 : vector<16xi32>
    %gather3A_604 = tpu.vector_load_idx %arg11[%add3A_603] : memref<392xi32, #tpu.memory_space<vmem>>[vector<16xi32>], vector<16xi32>,
    %add3A_605 = arith.constant 1 : i32
    %add3A_606 = vector.broadcast %add3A_605 : i32 to vector<16xi32>
    %add3A_607 = arith.addi %gather3A_604, %add3A_606 : vector<16xi32>
    %mul3A_608 = arith.constant 64 : i32
    %mul3A_609 = vector.broadcast %mul3A_608 : i32 to vector<16xi32>
    %mul3A_610 = arith.muli %add3A_607, %mul3A_609 : vector<16xi32>
    %add3A_611 = vector.broadcast %add3A_11 : i32 to vector<16xi32>
    %add3A_612 = arith.addi %mul3A_610, %add3A_611 : vector<16xi32>
    %add3A_613 = arith.constant 48 : i32
    %add3A_614 = vector.broadcast %add3A_613 : i32 to vector<16xi32>
    %add3A_615 = arith.addi %iota3A, %add3A_614 : vector<16xi32>
    %lt3A_616 = arith.constant 50 : i32
    %lt3A_617 = vector.broadcast %lt3A_616 : i32 to vector<16xi32>
    %lt3A_618 = arith.cmpi slt, %add3A_615, %lt3A_617 : vector<16xi32>
    tpu.vector_store_idx %arg13[%add3A_615], %add3A_612 masked %lt3A_618 : memref<50xi32, #tpu.memory_space<vmem>>[vector<16xi32>], vector<16xi32>, vector<16xi1>
    %mul3A_619 = arith.constant 64 : i32
    %mul3A_620 = vector.broadcast %mul3A_619 : i32 to vector<16xi32>
    %mul3A_621 = arith.muli %add3A_615, %mul3A_620 : vector<16xi32>
    %add3A_622 = vector.broadcast %add3A_11 : i32 to vector<16xi32>
    %add3A_623 = arith.addi %mul3A_621, %add3A_622 : vector<16xi32>
    tpu.vector_store_idx %arg14[%add3A_615], %add3A_623 masked %lt3A_618 : memref<50xi32, #tpu.memory_space<vmem>>[vector<16xi32>], vector<16xi32>, vector<16xi1>
    %dma_start3A = arith.constant 0 : i32
    %dma_start3A_624 = arith.constant 0 : i32
    %dma_start3A_625 = tpu.memref_slice %arg2[%dma_start3A, %dma_start3A_624] : memref<12608x768xf32, #tpu.memory_space<hbm>> -> memref<12608x768xf32, #tpu.memory_space<hbm>>
    tpu.enqueue_indirect_dma source(%dma_start3A_625 : memref<12608x768xf32, #tpu.memory_space<hbm>>) target(%arg17 : memref<50x768xf32, #tpu.memory_space<vmem>>) offsets(%arg13 : memref<50xi32, #tpu.memory_space<vmem>>) semaphore(%arg19 : memref<!tpu.dma_semaphore, #tpu.memory_space<semaphore_mem>>)
    %mul3A_626 = arith.constant 2 : i32
    %mul3A_627 = arith.muli %add3A, %mul3A_626 : i32
    %add3A_628 = arith.constant 1 : i32
    %add3A_629 = arith.addi %mul3A_627, %add3A_628 : i32
    %add3A_630 = arith.constant 196 : i32
    %add3A_631 = vector.broadcast %add3A_630 : i32 to vector<16xi32>
    %add3A_632 = arith.addi %iota3A, %add3A_631 : vector<16xi32>
    %min3A_633 = arith.constant 391 : i32
    %min3A_634 = vector.broadcast %min3A_633 : i32 to vector<16xi32>
    %min3A_635 = arith.minsi %add3A_632, %min3A_634 : vector<16xi32>
    %gather3A_636 = tpu.vector_load_idx %arg7[%min3A_635] : memref<392xf32, #tpu.memory_space<vmem>>[vector<16xi32>], vector<16xf32>,
    %swap3A_637 = arith.constant 0 : index
    %swap3A_638 = tpu.vector_load %arg8[%swap3A_637] {strides = array<i32>} : memref<208xf32, #tpu.memory_space<vmem>>, vector<16xf32>,
    tpu.vector_store %arg8[%swap3A_637], %gather3A_636 {strides = array<i32>} : memref<208xf32, #tpu.memory_space<vmem>>, vector<16xf32>,
    %bitcast3A_639 = vector.bitcast %gather3A_636 : vector<16xf32> to vector<16xi32>
    %swap3A_640 = arith.constant 0 : index
    %swap3A_641 = tpu.vector_load %arg9[%swap3A_640] {strides = array<i32>} : memref<208xi32, #tpu.memory_space<vmem>>, vector<16xi32>,
    tpu.vector_store %arg9[%swap3A_640], %bitcast3A_639 {strides = array<i32>} : memref<208xi32, #tpu.memory_space<vmem>>, vector<16xi32>,
    %add3A_642 = arith.constant 212 : i32
    %add3A_643 = vector.broadcast %add3A_642 : i32 to vector<16xi32>
    %add3A_644 = arith.addi %iota3A, %add3A_643 : vector<16xi32>
    %min3A_645 = arith.constant 391 : i32
    %min3A_646 = vector.broadcast %min3A_645 : i32 to vector<16xi32>
    %min3A_647 = arith.minsi %add3A_644, %min3A_646 : vector<16xi32>
    %gather3A_648 = tpu.vector_load_idx %arg7[%min3A_647] : memref<392xf32, #tpu.memory_space<vmem>>[vector<16xi32>], vector<16xf32>,
    %swap3A_649 = arith.constant 16 : index
    %swap3A_650 = tpu.vector_load %arg8[%swap3A_649] {strides = array<i32>} : memref<208xf32, #tpu.memory_space<vmem>>, vector<16xf32>,
    tpu.vector_store %arg8[%swap3A_649], %gather3A_648 {strides = array<i32>} : memref<208xf32, #tpu.memory_space<vmem>>, vector<16xf32>,
    %bitcast3A_651 = vector.bitcast %gather3A_648 : vector<16xf32> to vector<16xi32>
    %swap3A_652 = arith.constant 16 : index
    %swap3A_653 = tpu.vector_load %arg9[%swap3A_652] {strides = array<i32>} : memref<208xi32, #tpu.memory_space<vmem>>, vector<16xi32>,
    tpu.vector_store %arg9[%swap3A_652], %bitcast3A_651 {strides = array<i32>} : memref<208xi32, #tpu.memory_space<vmem>>, vector<16xi32>,
    %add3A_654 = arith.constant 228 : i32
    %add3A_655 = vector.broadcast %add3A_654 : i32 to vector<16xi32>
    %add3A_656 = arith.addi %iota3A, %add3A_655 : vector<16xi32>
    %min3A_657 = arith.constant 391 : i32
    %min3A_658 = vector.broadcast %min3A_657 : i32 to vector<16xi32>
    %min3A_659 = arith.minsi %add3A_656, %min3A_658 : vector<16xi32>
    %gather3A_660 = tpu.vector_load_idx %arg7[%min3A_659] : memref<392xf32, #tpu.memory_space<vmem>>[vector<16xi32>], vector<16xf32>,
    %swap3A_661 = arith.constant 32 : index
    %swap3A_662 = tpu.vector_load %arg8[%swap3A_661] {strides = array<i32>} : memref<208xf32, #tpu.memory_space<vmem>>, vector<16xf32>,
    tpu.vector_store %arg8[%swap3A_661], %gather3A_660 {strides = array<i32>} : memref<208xf32, #tpu.memory_space<vmem>>, vector<16xf32>,
    %bitcast3A_663 = vector.bitcast %gather3A_660 : vector<16xf32> to vector<16xi32>
    %swap3A_664 = arith.constant 32 : index
    %swap3A_665 = tpu.vector_load %arg9[%swap3A_664] {strides = array<i32>} : memref<208xi32, #tpu.memory_space<vmem>>, vector<16xi32>,
    tpu.vector_store %arg9[%swap3A_664], %bitcast3A_663 {strides = array<i32>} : memref<208xi32, #tpu.memory_space<vmem>>, vector<16xi32>,
    %add3A_666 = arith.constant 244 : i32
    %add3A_667 = vector.broadcast %add3A_666 : i32 to vector<16xi32>
    %add3A_668 = arith.addi %iota3A, %add3A_667 : vector<16xi32>
    %min3A_669 = arith.constant 391 : i32
    %min3A_670 = vector.broadcast %min3A_669 : i32 to vector<16xi32>
    %min3A_671 = arith.minsi %add3A_668, %min3A_670 : vector<16xi32>
    %gather3A_672 = tpu.vector_load_idx %arg7[%min3A_671] : memref<392xf32, #tpu.memory_space<vmem>>[vector<16xi32>], vector<16xf32>,
    %swap3A_673 = arith.constant 48 : index
    %swap3A_674 = tpu.vector_load %arg8[%swap3A_673] {strides = array<i32>} : memref<208xf32, #tpu.memory_space<vmem>>, vector<16xf32>,
    tpu.vector_store %arg8[%swap3A_673], %gather3A_672 {strides = array<i32>} : memref<208xf32, #tpu.memory_space<vmem>>, vector<16xf32>,
    %bitcast3A_675 = vector.bitcast %gather3A_672 : vector<16xf32> to vector<16xi32>
    %swap3A_676 = arith.constant 48 : index
    %swap3A_677 = tpu.vector_load %arg9[%swap3A_676] {strides = array<i32>} : memref<208xi32, #tpu.memory_space<vmem>>, vector<16xi32>,
    tpu.vector_store %arg9[%swap3A_676], %bitcast3A_675 {strides = array<i32>} : memref<208xi32, #tpu.memory_space<vmem>>, vector<16xi32>,
    %add3A_678 = arith.constant 260 : i32
    %add3A_679 = vector.broadcast %add3A_678 : i32 to vector<16xi32>
    %add3A_680 = arith.addi %iota3A, %add3A_679 : vector<16xi32>
    %min3A_681 = arith.constant 391 : i32
    %min3A_682 = vector.broadcast %min3A_681 : i32 to vector<16xi32>
    %min3A_683 = arith.minsi %add3A_680, %min3A_682 : vector<16xi32>
    %gather3A_684 = tpu.vector_load_idx %arg7[%min3A_683] : memref<392xf32, #tpu.memory_space<vmem>>[vector<16xi32>], vector<16xf32>,
    %swap3A_685 = arith.constant 64 : index
    %swap3A_686 = tpu.vector_load %arg8[%swap3A_685] {strides = array<i32>} : memref<208xf32, #tpu.memory_space<vmem>>, vector<16xf32>,
    tpu.vector_store %arg8[%swap3A_685], %gather3A_684 {strides = array<i32>} : memref<208xf32, #tpu.memory_space<vmem>>, vector<16xf32>,
    %bitcast3A_687 = vector.bitcast %gather3A_684 : vector<16xf32> to vector<16xi32>
    %swap3A_688 = arith.constant 64 : index
    %swap3A_689 = tpu.vector_load %arg9[%swap3A_688] {strides = array<i32>} : memref<208xi32, #tpu.memory_space<vmem>>, vector<16xi32>,
    tpu.vector_store %arg9[%swap3A_688], %bitcast3A_687 {strides = array<i32>} : memref<208xi32, #tpu.memory_space<vmem>>, vector<16xi32>,
    %add3A_690 = arith.constant 276 : i32
    %add3A_691 = vector.broadcast %add3A_690 : i32 to vector<16xi32>
    %add3A_692 = arith.addi %iota3A, %add3A_691 : vector<16xi32>
    %min3A_693 = arith.constant 391 : i32
    %min3A_694 = vector.broadcast %min3A_693 : i32 to vector<16xi32>
    %min3A_695 = arith.minsi %add3A_692, %min3A_694 : vector<16xi32>
    %gather3A_696 = tpu.vector_load_idx %arg7[%min3A_695] : memref<392xf32, #tpu.memory_space<vmem>>[vector<16xi32>], vector<16xf32>,
    %swap3A_697 = arith.constant 80 : index
    %swap3A_698 = tpu.vector_load %arg8[%swap3A_697] {strides = array<i32>} : memref<208xf32, #tpu.memory_space<vmem>>, vector<16xf32>,
    tpu.vector_store %arg8[%swap3A_697], %gather3A_696 {strides = array<i32>} : memref<208xf32, #tpu.memory_space<vmem>>, vector<16xf32>,
    %bitcast3A_699 = vector.bitcast %gather3A_696 : vector<16xf32> to vector<16xi32>
    %swap3A_700 = arith.constant 80 : index
    %swap3A_701 = tpu.vector_load %arg9[%swap3A_700] {strides = array<i32>} : memref<208xi32, #tpu.memory_space<vmem>>, vector<16xi32>,
    tpu.vector_store %arg9[%swap3A_700], %bitcast3A_699 {strides = array<i32>} : memref<208xi32, #tpu.memory_space<vmem>>, vector<16xi32>,
    %add3A_702 = arith.constant 292 : i32
    %add3A_703 = vector.broadcast %add3A_702 : i32 to vector<16xi32>
    %add3A_704 = arith.addi %iota3A, %add3A_703 : vector<16xi32>
    %min3A_705 = arith.constant 391 : i32
    %min3A_706 = vector.broadcast %min3A_705 : i32 to vector<16xi32>
    %min3A_707 = arith.minsi %add3A_704, %min3A_706 : vector<16xi32>
    %gather3A_708 = tpu.vector_load_idx %arg7[%min3A_707] : memref<392xf32, #tpu.memory_space<vmem>>[vector<16xi32>], vector<16xf32>,
    %swap3A_709 = arith.constant 96 : index
    %swap3A_710 = tpu.vector_load %arg8[%swap3A_709] {strides = array<i32>} : memref<208xf32, #tpu.memory_space<vmem>>, vector<16xf32>,
    tpu.vector_store %arg8[%swap3A_709], %gather3A_708 {strides = array<i32>} : memref<208xf32, #tpu.memory_space<vmem>>, vector<16xf32>,
    %bitcast3A_711 = vector.bitcast %gather3A_708 : vector<16xf32> to vector<16xi32>
    %swap3A_712 = arith.constant 96 : index
    %swap3A_713 = tpu.vector_load %arg9[%swap3A_712] {strides = array<i32>} : memref<208xi32, #tpu.memory_space<vmem>>, vector<16xi32>,
    tpu.vector_store %arg9[%swap3A_712], %bitcast3A_711 {strides = array<i32>} : memref<208xi32, #tpu.memory_space<vmem>>, vector<16xi32>,
    %add3A_714 = arith.constant 308 : i32
    %add3A_715 = vector.broadcast %add3A_714 : i32 to vector<16xi32>
    %add3A_716 = arith.addi %iota3A, %add3A_715 : vector<16xi32>
    %min3A_717 = arith.constant 391 : i32
    %min3A_718 = vector.broadcast %min3A_717 : i32 to vector<16xi32>
    %min3A_719 = arith.minsi %add3A_716, %min3A_718 : vector<16xi32>
    %gather3A_720 = tpu.vector_load_idx %arg7[%min3A_719] : memref<392xf32, #tpu.memory_space<vmem>>[vector<16xi32>], vector<16xf32>,
    %swap3A_721 = arith.constant 112 : index
    %swap3A_722 = tpu.vector_load %arg8[%swap3A_721] {strides = array<i32>} : memref<208xf32, #tpu.memory_space<vmem>>, vector<16xf32>,
    tpu.vector_store %arg8[%swap3A_721], %gather3A_720 {strides = array<i32>} : memref<208xf32, #tpu.memory_space<vmem>>, vector<16xf32>,
    %bitcast3A_723 = vector.bitcast %gather3A_720 : vector<16xf32> to vector<16xi32>
    %swap3A_724 = arith.constant 112 : index
    %swap3A_725 = tpu.vector_load %arg9[%swap3A_724] {strides = array<i32>} : memref<208xi32, #tpu.memory_space<vmem>>, vector<16xi32>,
    tpu.vector_store %arg9[%swap3A_724], %bitcast3A_723 {strides = array<i32>} : memref<208xi32, #tpu.memory_space<vmem>>, vector<16xi32>,
    %add3A_726 = arith.constant 324 : i32
    %add3A_727 = vector.broadcast %add3A_726 : i32 to vector<16xi32>
    %add3A_728 = arith.addi %iota3A, %add3A_727 : vector<16xi32>
    %min3A_729 = arith.constant 391 : i32
    %min3A_730 = vector.broadcast %min3A_729 : i32 to vector<16xi32>
    %min3A_731 = arith.minsi %add3A_728, %min3A_730 : vector<16xi32>
    %gather3A_732 = tpu.vector_load_idx %arg7[%min3A_731] : memref<392xf32, #tpu.memory_space<vmem>>[vector<16xi32>], vector<16xf32>,
    %swap3A_733 = arith.constant 128 : index
    %swap3A_734 = tpu.vector_load %arg8[%swap3A_733] {strides = array<i32>} : memref<208xf32, #tpu.memory_space<vmem>>, vector<16xf32>,
    tpu.vector_store %arg8[%swap3A_733], %gather3A_732 {strides = array<i32>} : memref<208xf32, #tpu.memory_space<vmem>>, vector<16xf32>,
    %bitcast3A_735 = vector.bitcast %gather3A_732 : vector<16xf32> to vector<16xi32>
    %swap3A_736 = arith.constant 128 : index
    %swap3A_737 = tpu.vector_load %arg9[%swap3A_736] {strides = array<i32>} : memref<208xi32, #tpu.memory_space<vmem>>, vector<16xi32>,
    tpu.vector_store %arg9[%swap3A_736], %bitcast3A_735 {strides = array<i32>} : memref<208xi32, #tpu.memory_space<vmem>>, vector<16xi32>,
    %add3A_738 = arith.constant 340 : i32
    %add3A_739 = vector.broadcast %add3A_738 : i32 to vector<16xi32>
    %add3A_740 = arith.addi %iota3A, %add3A_739 : vector<16xi32>
    %min3A_741 = arith.constant 391 : i32
    %min3A_742 = vector.broadcast %min3A_741 : i32 to vector<16xi32>
    %min3A_743 = arith.minsi %add3A_740, %min3A_742 : vector<16xi32>
    %gather3A_744 = tpu.vector_load_idx %arg7[%min3A_743] : memref<392xf32, #tpu.memory_space<vmem>>[vector<16xi32>], vector<16xf32>,
    %swap3A_745 = arith.constant 144 : index
    %swap3A_746 = tpu.vector_load %arg8[%swap3A_745] {strides = array<i32>} : memref<208xf32, #tpu.memory_space<vmem>>, vector<16xf32>,
    tpu.vector_store %arg8[%swap3A_745], %gather3A_744 {strides = array<i32>} : memref<208xf32, #tpu.memory_space<vmem>>, vector<16xf32>,
    %bitcast3A_747 = vector.bitcast %gather3A_744 : vector<16xf32> to vector<16xi32>
    %swap3A_748 = arith.constant 144 : index
    %swap3A_749 = tpu.vector_load %arg9[%swap3A_748] {strides = array<i32>} : memref<208xi32, #tpu.memory_space<vmem>>, vector<16xi32>,
    tpu.vector_store %arg9[%swap3A_748], %bitcast3A_747 {strides = array<i32>} : memref<208xi32, #tpu.memory_space<vmem>>, vector<16xi32>,
    %add3A_750 = arith.constant 356 : i32
    %add3A_751 = vector.broadcast %add3A_750 : i32 to vector<16xi32>
    %add3A_752 = arith.addi %iota3A, %add3A_751 : vector<16xi32>
    %min3A_753 = arith.constant 391 : i32
    %min3A_754 = vector.broadcast %min3A_753 : i32 to vector<16xi32>
    %min3A_755 = arith.minsi %add3A_752, %min3A_754 : vector<16xi32>
    %gather3A_756 = tpu.vector_load_idx %arg7[%min3A_755] : memref<392xf32, #tpu.memory_space<vmem>>[vector<16xi32>], vector<16xf32>,
    %swap3A_757 = arith.constant 160 : index
    %swap3A_758 = tpu.vector_load %arg8[%swap3A_757] {strides = array<i32>} : memref<208xf32, #tpu.memory_space<vmem>>, vector<16xf32>,
    tpu.vector_store %arg8[%swap3A_757], %gather3A_756 {strides = array<i32>} : memref<208xf32, #tpu.memory_space<vmem>>, vector<16xf32>,
    %bitcast3A_759 = vector.bitcast %gather3A_756 : vector<16xf32> to vector<16xi32>
    %swap3A_760 = arith.constant 160 : index
    %swap3A_761 = tpu.vector_load %arg9[%swap3A_760] {strides = array<i32>} : memref<208xi32, #tpu.memory_space<vmem>>, vector<16xi32>,
    tpu.vector_store %arg9[%swap3A_760], %bitcast3A_759 {strides = array<i32>} : memref<208xi32, #tpu.memory_space<vmem>>, vector<16xi32>,
    %add3A_762 = arith.constant 372 : i32
    %add3A_763 = vector.broadcast %add3A_762 : i32 to vector<16xi32>
    %add3A_764 = arith.addi %iota3A, %add3A_763 : vector<16xi32>
    %min3A_765 = arith.constant 391 : i32
    %min3A_766 = vector.broadcast %min3A_765 : i32 to vector<16xi32>
    %min3A_767 = arith.minsi %add3A_764, %min3A_766 : vector<16xi32>
    %gather3A_768 = tpu.vector_load_idx %arg7[%min3A_767] : memref<392xf32, #tpu.memory_space<vmem>>[vector<16xi32>], vector<16xf32>,
    %swap3A_769 = arith.constant 176 : index
    %swap3A_770 = tpu.vector_load %arg8[%swap3A_769] {strides = array<i32>} : memref<208xf32, #tpu.memory_space<vmem>>, vector<16xf32>,
    tpu.vector_store %arg8[%swap3A_769], %gather3A_768 {strides = array<i32>} : memref<208xf32, #tpu.memory_space<vmem>>, vector<16xf32>,
    %bitcast3A_771 = vector.bitcast %gather3A_768 : vector<16xf32> to vector<16xi32>
    %swap3A_772 = arith.constant 176 : index
    %swap3A_773 = tpu.vector_load %arg9[%swap3A_772] {strides = array<i32>} : memref<208xi32, #tpu.memory_space<vmem>>, vector<16xi32>,
    tpu.vector_store %arg9[%swap3A_772], %bitcast3A_771 {strides = array<i32>} : memref<208xi32, #tpu.memory_space<vmem>>, vector<16xi32>,
    %add3A_774 = arith.constant 388 : i32
    %add3A_775 = vector.broadcast %add3A_774 : i32 to vector<16xi32>
    %add3A_776 = arith.addi %iota3A, %add3A_775 : vector<16xi32>
    %min3A_777 = arith.constant 391 : i32
    %min3A_778 = vector.broadcast %min3A_777 : i32 to vector<16xi32>
    %min3A_779 = arith.minsi %add3A_776, %min3A_778 : vector<16xi32>
    %gather3A_780 = tpu.vector_load_idx %arg7[%min3A_779] : memref<392xf32, #tpu.memory_space<vmem>>[vector<16xi32>], vector<16xf32>,
    %lt3A_781 = arith.constant 4 : i32
    %lt3A_782 = vector.broadcast %lt3A_781 : i32 to vector<16xi32>
    %lt3A_783 = arith.cmpi slt, %iota3A, %lt3A_782 : vector<16xi32>
    %jit3A_784 = arith.constant 1.000000e+00 : f32
    %broadcast_in_dim3A_785 = vector.broadcast %jit3A_784 : f32 to vector<16xf32>
    %select_n3A_786 = arith.select %lt3A_783, %gather3A_780, %broadcast_in_dim3A_785 : vector<16xi1>, vector<16xf32>
    %swap3A_787 = arith.constant 192 : index
    %swap3A_788 = tpu.vector_load %arg8[%swap3A_787] {strides = array<i32>} : memref<208xf32, #tpu.memory_space<vmem>>, vector<16xf32>,
    tpu.vector_store %arg8[%swap3A_787], %select_n3A_786 {strides = array<i32>} : memref<208xf32, #tpu.memory_space<vmem>>, vector<16xf32>,
    %bitcast3A_789 = vector.bitcast %select_n3A_786 : vector<16xf32> to vector<16xi32>
    %swap3A_790 = arith.constant 192 : index
    %swap3A_791 = tpu.vector_load %arg9[%swap3A_790] {strides = array<i32>} : memref<208xi32, #tpu.memory_space<vmem>>, vector<16xi32>,
    tpu.vector_store %arg9[%swap3A_790], %bitcast3A_789 {strides = array<i32>} : memref<208xi32, #tpu.memory_space<vmem>>, vector<16xi32>,
    %get3A_792 = arith.constant 0 : index
    %get3A_793 = tpu.vector_load %arg9[%get3A_792] {strides = array<i32>} : memref<208xi32, #tpu.memory_space<vmem>>, vector<16xi32>,
    %get3A_794 = arith.constant 16 : index
    %get3A_795 = tpu.vector_load %arg9[%get3A_794] {strides = array<i32>} : memref<208xi32, #tpu.memory_space<vmem>>, vector<16xi32>,
    %get3A_796 = arith.constant 32 : index
    %get3A_797 = tpu.vector_load %arg9[%get3A_796] {strides = array<i32>} : memref<208xi32, #tpu.memory_space<vmem>>, vector<16xi32>,
    %get3A_798 = arith.constant 48 : index
    %get3A_799 = tpu.vector_load %arg9[%get3A_798] {strides = array<i32>} : memref<208xi32, #tpu.memory_space<vmem>>, vector<16xi32>,
    %get3A_800 = arith.constant 64 : index
    %get3A_801 = tpu.vector_load %arg9[%get3A_800] {strides = array<i32>} : memref<208xi32, #tpu.memory_space<vmem>>, vector<16xi32>,
    %get3A_802 = arith.constant 80 : index
    %get3A_803 = tpu.vector_load %arg9[%get3A_802] {strides = array<i32>} : memref<208xi32, #tpu.memory_space<vmem>>, vector<16xi32>,
    %get3A_804 = arith.constant 96 : index
    %get3A_805 = tpu.vector_load %arg9[%get3A_804] {strides = array<i32>} : memref<208xi32, #tpu.memory_space<vmem>>, vector<16xi32>,
    %get3A_806 = arith.constant 112 : index
    %get3A_807 = tpu.vector_load %arg9[%get3A_806] {strides = array<i32>} : memref<208xi32, #tpu.memory_space<vmem>>, vector<16xi32>,
    %get3A_808 = arith.constant 128 : index
    %get3A_809 = tpu.vector_load %arg9[%get3A_808] {strides = array<i32>} : memref<208xi32, #tpu.memory_space<vmem>>, vector<16xi32>,
    %get3A_810 = arith.constant 144 : index
    %get3A_811 = tpu.vector_load %arg9[%get3A_810] {strides = array<i32>} : memref<208xi32, #tpu.memory_space<vmem>>, vector<16xi32>,
    %get3A_812 = arith.constant 160 : index
    %get3A_813 = tpu.vector_load %arg9[%get3A_812] {strides = array<i32>} : memref<208xi32, #tpu.memory_space<vmem>>, vector<16xi32>,
    %get3A_814 = arith.constant 176 : index
    %get3A_815 = tpu.vector_load %arg9[%get3A_814] {strides = array<i32>} : memref<208xi32, #tpu.memory_space<vmem>>, vector<16xi32>,
    %get3A_816 = arith.constant 192 : index
    %get3A_817 = tpu.vector_load %arg9[%get3A_816] {strides = array<i32>} : memref<208xi32, #tpu.memory_space<vmem>>, vector<16xi32>,
    %add3A_818 = arith.constant 0 : i32
    %add3A_819 = vector.broadcast %add3A_818 : i32 to vector<16xi32>
    %add3A_820 = arith.addi %iota3A, %add3A_819 : vector<16xi32>
    %add3A_821 = arith.constant 16 : i32
    %add3A_822 = vector.broadcast %add3A_821 : i32 to vector<16xi32>
    %add3A_823 = arith.addi %iota3A, %add3A_822 : vector<16xi32>
    %add3A_824 = arith.constant 32 : i32
    %add3A_825 = vector.broadcast %add3A_824 : i32 to vector<16xi32>
    %add3A_826 = arith.addi %iota3A, %add3A_825 : vector<16xi32>
    %add3A_827 = arith.constant 48 : i32
    %add3A_828 = vector.broadcast %add3A_827 : i32 to vector<16xi32>
    %add3A_829 = arith.addi %iota3A, %add3A_828 : vector<16xi32>
    %add3A_830 = arith.constant 64 : i32
    %add3A_831 = vector.broadcast %add3A_830 : i32 to vector<16xi32>
    %add3A_832 = arith.addi %iota3A, %add3A_831 : vector<16xi32>
    %add3A_833 = arith.constant 80 : i32
    %add3A_834 = vector.broadcast %add3A_833 : i32 to vector<16xi32>
    %add3A_835 = arith.addi %iota3A, %add3A_834 : vector<16xi32>
    %add3A_836 = arith.constant 96 : i32
    %add3A_837 = vector.broadcast %add3A_836 : i32 to vector<16xi32>
    %add3A_838 = arith.addi %iota3A, %add3A_837 : vector<16xi32>
    %add3A_839 = arith.constant 112 : i32
    %add3A_840 = vector.broadcast %add3A_839 : i32 to vector<16xi32>
    %add3A_841 = arith.addi %iota3A, %add3A_840 : vector<16xi32>
    %add3A_842 = arith.constant 128 : i32
    %add3A_843 = vector.broadcast %add3A_842 : i32 to vector<16xi32>
    %add3A_844 = arith.addi %iota3A, %add3A_843 : vector<16xi32>
    %add3A_845 = arith.constant 144 : i32
    %add3A_846 = vector.broadcast %add3A_845 : i32 to vector<16xi32>
    %add3A_847 = arith.addi %iota3A, %add3A_846 : vector<16xi32>
    %add3A_848 = arith.constant 160 : i32
    %add3A_849 = vector.broadcast %add3A_848 : i32 to vector<16xi32>
    %add3A_850 = arith.addi %iota3A, %add3A_849 : vector<16xi32>
    %add3A_851 = arith.constant 176 : i32
    %add3A_852 = vector.broadcast %add3A_851 : i32 to vector<16xi32>
    %add3A_853 = arith.addi %iota3A, %add3A_852 : vector<16xi32>
    %add3A_854 = arith.constant 192 : i32
    %add3A_855 = vector.broadcast %add3A_854 : i32 to vector<16xi32>
    %add3A_856 = arith.addi %iota3A, %add3A_855 : vector<16xi32>
    %scan3A_857 = arith.constant 0 : i32
    %scan3A_858 = arith.constant 196 : i32
    %scan3A_859 = arith.addi %scan3A_857, %scan3A_858 : i32
    %scan3A_860 = arith.constant 1 : i32
    %scan3A_861:13 = scf.for %scan3A_1285 = %scan3A_857 to %scan3A_859 step %scan3A_860 iter_args(%scan3A_1286 = %broadcast_in_dim3A_1, %scan3A_1287 = %broadcast_in_dim3A_1, %scan3A_1288 = %broadcast_in_dim3A_1, %scan3A_1289 = %broadcast_in_dim3A_1, %scan3A_1290 = %broadcast_in_dim3A_1, %scan3A_1291 = %broadcast_in_dim3A_1, %scan3A_1292 = %broadcast_in_dim3A_1, %scan3A_1293 = %broadcast_in_dim3A_1, %scan3A_1294 = %broadcast_in_dim3A_1, %scan3A_1295 = %broadcast_in_dim3A_1, %scan3A_1296 = %broadcast_in_dim3A_1, %scan3A_1297 = %broadcast_in_dim3A_1, %scan3A_1298 = %broadcast_in_dim3A_1) -> (vector<16xi32>, vector<16xi32>, vector<16xi32>, vector<16xi32>, vector<16xi32>, vector<16xi32>, vector<16xi32>, vector<16xi32>, vector<16xi32>, vector<16xi32>, vector<16xi32>, vector<16xi32>, vector<16xi32>)  : i32 {
      %broadcast_in_dim3A_1299 = vector.broadcast %scan3A_1285 : i32 to vector<16xi32>
      %gather3A_1300 = tpu.vector_load_idx %arg9[%broadcast_in_dim3A_1299] : memref<208xi32, #tpu.memory_space<vmem>>[vector<16xi32>], vector<16xi32>,
      %sub3A = arith.subi %gather3A_1300, %get3A_793 : vector<16xi32>
      %shift_right_arithmetic3A = arith.constant 31 : i32
      %shift_right_arithmetic3A_1301 = vector.broadcast %shift_right_arithmetic3A : i32 to vector<16xi32>
      %shift_right_arithmetic3A_1302 = arith.shrsi %sub3A, %shift_right_arithmetic3A_1301 : vector<16xi32>
      %sub3A_1303 = arith.subi %scan3A_1286, %shift_right_arithmetic3A_1302 : vector<16xi32>
      %sub3A_1304 = arith.subi %gather3A_1300, %get3A_795 : vector<16xi32>
      %shift_right_arithmetic3A_1305 = arith.constant 31 : i32
      %shift_right_arithmetic3A_1306 = vector.broadcast %shift_right_arithmetic3A_1305 : i32 to vector<16xi32>
      %shift_right_arithmetic3A_1307 = arith.shrsi %sub3A_1304, %shift_right_arithmetic3A_1306 : vector<16xi32>
      %sub3A_1308 = arith.subi %scan3A_1287, %shift_right_arithmetic3A_1307 : vector<16xi32>
      %sub3A_1309 = arith.subi %gather3A_1300, %get3A_797 : vector<16xi32>
      %shift_right_arithmetic3A_1310 = arith.constant 31 : i32
      %shift_right_arithmetic3A_1311 = vector.broadcast %shift_right_arithmetic3A_1310 : i32 to vector<16xi32>
      %shift_right_arithmetic3A_1312 = arith.shrsi %sub3A_1309, %shift_right_arithmetic3A_1311 : vector<16xi32>
      %sub3A_1313 = arith.subi %scan3A_1288, %shift_right_arithmetic3A_1312 : vector<16xi32>
      %sub3A_1314 = arith.subi %gather3A_1300, %get3A_799 : vector<16xi32>
      %shift_right_arithmetic3A_1315 = arith.constant 31 : i32
      %shift_right_arithmetic3A_1316 = vector.broadcast %shift_right_arithmetic3A_1315 : i32 to vector<16xi32>
      %shift_right_arithmetic3A_1317 = arith.shrsi %sub3A_1314, %shift_right_arithmetic3A_1316 : vector<16xi32>
      %sub3A_1318 = arith.subi %scan3A_1289, %shift_right_arithmetic3A_1317 : vector<16xi32>
      %sub3A_1319 = arith.subi %gather3A_1300, %get3A_801 : vector<16xi32>
      %shift_right_arithmetic3A_1320 = arith.constant 31 : i32
      %shift_right_arithmetic3A_1321 = vector.broadcast %shift_right_arithmetic3A_1320 : i32 to vector<16xi32>
      %shift_right_arithmetic3A_1322 = arith.shrsi %sub3A_1319, %shift_right_arithmetic3A_1321 : vector<16xi32>
      %sub3A_1323 = arith.subi %scan3A_1290, %shift_right_arithmetic3A_1322 : vector<16xi32>
      %sub3A_1324 = arith.subi %gather3A_1300, %get3A_803 : vector<16xi32>
      %shift_right_arithmetic3A_1325 = arith.constant 31 : i32
      %shift_right_arithmetic3A_1326 = vector.broadcast %shift_right_arithmetic3A_1325 : i32 to vector<16xi32>
      %shift_right_arithmetic3A_1327 = arith.shrsi %sub3A_1324, %shift_right_arithmetic3A_1326 : vector<16xi32>
      %sub3A_1328 = arith.subi %scan3A_1291, %shift_right_arithmetic3A_1327 : vector<16xi32>
      %sub3A_1329 = arith.subi %gather3A_1300, %get3A_805 : vector<16xi32>
      %shift_right_arithmetic3A_1330 = arith.constant 31 : i32
      %shift_right_arithmetic3A_1331 = vector.broadcast %shift_right_arithmetic3A_1330 : i32 to vector<16xi32>
      %shift_right_arithmetic3A_1332 = arith.shrsi %sub3A_1329, %shift_right_arithmetic3A_1331 : vector<16xi32>
      %sub3A_1333 = arith.subi %scan3A_1292, %shift_right_arithmetic3A_1332 : vector<16xi32>
      %sub3A_1334 = arith.subi %gather3A_1300, %get3A_807 : vector<16xi32>
      %shift_right_arithmetic3A_1335 = arith.constant 31 : i32
      %shift_right_arithmetic3A_1336 = vector.broadcast %shift_right_arithmetic3A_1335 : i32 to vector<16xi32>
      %shift_right_arithmetic3A_1337 = arith.shrsi %sub3A_1334, %shift_right_arithmetic3A_1336 : vector<16xi32>
      %sub3A_1338 = arith.subi %scan3A_1293, %shift_right_arithmetic3A_1337 : vector<16xi32>
      %sub3A_1339 = arith.subi %gather3A_1300, %get3A_809 : vector<16xi32>
      %shift_right_arithmetic3A_1340 = arith.constant 31 : i32
      %shift_right_arithmetic3A_1341 = vector.broadcast %shift_right_arithmetic3A_1340 : i32 to vector<16xi32>
      %shift_right_arithmetic3A_1342 = arith.shrsi %sub3A_1339, %shift_right_arithmetic3A_1341 : vector<16xi32>
      %sub3A_1343 = arith.subi %scan3A_1294, %shift_right_arithmetic3A_1342 : vector<16xi32>
      %sub3A_1344 = arith.subi %gather3A_1300, %get3A_811 : vector<16xi32>
      %shift_right_arithmetic3A_1345 = arith.constant 31 : i32
      %shift_right_arithmetic3A_1346 = vector.broadcast %shift_right_arithmetic3A_1345 : i32 to vector<16xi32>
      %shift_right_arithmetic3A_1347 = arith.shrsi %sub3A_1344, %shift_right_arithmetic3A_1346 : vector<16xi32>
      %sub3A_1348 = arith.subi %scan3A_1295, %shift_right_arithmetic3A_1347 : vector<16xi32>
      %sub3A_1349 = arith.subi %gather3A_1300, %get3A_813 : vector<16xi32>
      %shift_right_arithmetic3A_1350 = arith.constant 31 : i32
      %shift_right_arithmetic3A_1351 = vector.broadcast %shift_right_arithmetic3A_1350 : i32 to vector<16xi32>
      %shift_right_arithmetic3A_1352 = arith.shrsi %sub3A_1349, %shift_right_arithmetic3A_1351 : vector<16xi32>
      %sub3A_1353 = arith.subi %scan3A_1296, %shift_right_arithmetic3A_1352 : vector<16xi32>
      %sub3A_1354 = arith.subi %gather3A_1300, %get3A_815 : vector<16xi32>
      %shift_right_arithmetic3A_1355 = arith.constant 31 : i32
      %shift_right_arithmetic3A_1356 = vector.broadcast %shift_right_arithmetic3A_1355 : i32 to vector<16xi32>
      %shift_right_arithmetic3A_1357 = arith.shrsi %sub3A_1354, %shift_right_arithmetic3A_1356 : vector<16xi32>
      %sub3A_1358 = arith.subi %scan3A_1297, %shift_right_arithmetic3A_1357 : vector<16xi32>
      %sub3A_1359 = arith.subi %gather3A_1300, %get3A_817 : vector<16xi32>
      %shift_right_arithmetic3A_1360 = arith.constant 31 : i32
      %shift_right_arithmetic3A_1361 = vector.broadcast %shift_right_arithmetic3A_1360 : i32 to vector<16xi32>
      %shift_right_arithmetic3A_1362 = arith.shrsi %sub3A_1359, %shift_right_arithmetic3A_1361 : vector<16xi32>
      %sub3A_1363 = arith.subi %scan3A_1298, %shift_right_arithmetic3A_1362 : vector<16xi32>
      scf.yield %sub3A_1303, %sub3A_1308, %sub3A_1313, %sub3A_1318, %sub3A_1323, %sub3A_1328, %sub3A_1333, %sub3A_1338, %sub3A_1343, %sub3A_1348, %sub3A_1353, %sub3A_1358, %sub3A_1363 : vector<16xi32>, vector<16xi32>, vector<16xi32>, vector<16xi32>, vector<16xi32>, vector<16xi32>, vector<16xi32>, vector<16xi32>, vector<16xi32>, vector<16xi32>, vector<16xi32>, vector<16xi32>, vector<16xi32>
    }
    %scan3A_862 = arith.constant 196 : i32
    %swap3A_863 = arith.constant 0 : index
    %swap3A_864 = tpu.vector_load %arg10[%swap3A_863] {strides = array<i32>} : memref<208xi32, #tpu.memory_space<vmem>>, vector<16xi32>,
    tpu.vector_store %arg10[%swap3A_863], %broadcast_in_dim3A_1 {strides = array<i32>} : memref<208xi32, #tpu.memory_space<vmem>>, vector<16xi32>,
    %swap3A_865 = arith.constant 16 : index
    %swap3A_866 = tpu.vector_load %arg10[%swap3A_865] {strides = array<i32>} : memref<208xi32, #tpu.memory_space<vmem>>, vector<16xi32>,
    tpu.vector_store %arg10[%swap3A_865], %broadcast_in_dim3A_1 {strides = array<i32>} : memref<208xi32, #tpu.memory_space<vmem>>, vector<16xi32>,
    %swap3A_867 = arith.constant 32 : index
    %swap3A_868 = tpu.vector_load %arg10[%swap3A_867] {strides = array<i32>} : memref<208xi32, #tpu.memory_space<vmem>>, vector<16xi32>,
    tpu.vector_store %arg10[%swap3A_867], %broadcast_in_dim3A_1 {strides = array<i32>} : memref<208xi32, #tpu.memory_space<vmem>>, vector<16xi32>,
    %swap3A_869 = arith.constant 48 : index
    %swap3A_870 = tpu.vector_load %arg10[%swap3A_869] {strides = array<i32>} : memref<208xi32, #tpu.memory_space<vmem>>, vector<16xi32>,
    tpu.vector_store %arg10[%swap3A_869], %broadcast_in_dim3A_1 {strides = array<i32>} : memref<208xi32, #tpu.memory_space<vmem>>, vector<16xi32>,
    %swap3A_871 = arith.constant 64 : index
    %swap3A_872 = tpu.vector_load %arg10[%swap3A_871] {strides = array<i32>} : memref<208xi32, #tpu.memory_space<vmem>>, vector<16xi32>,
    tpu.vector_store %arg10[%swap3A_871], %broadcast_in_dim3A_1 {strides = array<i32>} : memref<208xi32, #tpu.memory_space<vmem>>, vector<16xi32>,
    %swap3A_873 = arith.constant 80 : index
    %swap3A_874 = tpu.vector_load %arg10[%swap3A_873] {strides = array<i32>} : memref<208xi32, #tpu.memory_space<vmem>>, vector<16xi32>,
    tpu.vector_store %arg10[%swap3A_873], %broadcast_in_dim3A_1 {strides = array<i32>} : memref<208xi32, #tpu.memory_space<vmem>>, vector<16xi32>,
    %swap3A_875 = arith.constant 96 : index
    %swap3A_876 = tpu.vector_load %arg10[%swap3A_875] {strides = array<i32>} : memref<208xi32, #tpu.memory_space<vmem>>, vector<16xi32>,
    tpu.vector_store %arg10[%swap3A_875], %broadcast_in_dim3A_1 {strides = array<i32>} : memref<208xi32, #tpu.memory_space<vmem>>, vector<16xi32>,
    %swap3A_877 = arith.constant 112 : index
    %swap3A_878 = tpu.vector_load %arg10[%swap3A_877] {strides = array<i32>} : memref<208xi32, #tpu.memory_space<vmem>>, vector<16xi32>,
    tpu.vector_store %arg10[%swap3A_877], %broadcast_in_dim3A_1 {strides = array<i32>} : memref<208xi32, #tpu.memory_space<vmem>>, vector<16xi32>,
    %swap3A_879 = arith.constant 128 : index
    %swap3A_880 = tpu.vector_load %arg10[%swap3A_879] {strides = array<i32>} : memref<208xi32, #tpu.memory_space<vmem>>, vector<16xi32>,
    tpu.vector_store %arg10[%swap3A_879], %broadcast_in_dim3A_1 {strides = array<i32>} : memref<208xi32, #tpu.memory_space<vmem>>, vector<16xi32>,
    %swap3A_881 = arith.constant 144 : index
    %swap3A_882 = tpu.vector_load %arg10[%swap3A_881] {strides = array<i32>} : memref<208xi32, #tpu.memory_space<vmem>>, vector<16xi32>,
    tpu.vector_store %arg10[%swap3A_881], %broadcast_in_dim3A_1 {strides = array<i32>} : memref<208xi32, #tpu.memory_space<vmem>>, vector<16xi32>,
    %swap3A_883 = arith.constant 160 : index
    %swap3A_884 = tpu.vector_load %arg10[%swap3A_883] {strides = array<i32>} : memref<208xi32, #tpu.memory_space<vmem>>, vector<16xi32>,
    tpu.vector_store %arg10[%swap3A_883], %broadcast_in_dim3A_1 {strides = array<i32>} : memref<208xi32, #tpu.memory_space<vmem>>, vector<16xi32>,
    %swap3A_885 = arith.constant 176 : index
    %swap3A_886 = tpu.vector_load %arg10[%swap3A_885] {strides = array<i32>} : memref<208xi32, #tpu.memory_space<vmem>>, vector<16xi32>,
    tpu.vector_store %arg10[%swap3A_885], %broadcast_in_dim3A_1 {strides = array<i32>} : memref<208xi32, #tpu.memory_space<vmem>>, vector<16xi32>,
    %swap3A_887 = arith.constant 192 : index
    %swap3A_888 = tpu.vector_load %arg10[%swap3A_887] {strides = array<i32>} : memref<208xi32, #tpu.memory_space<vmem>>, vector<16xi32>,
    tpu.vector_store %arg10[%swap3A_887], %broadcast_in_dim3A_1 {strides = array<i32>} : memref<208xi32, #tpu.memory_space<vmem>>, vector<16xi32>,
    %lt3A_889 = arith.constant 196 : i32
    %lt3A_890 = vector.broadcast %lt3A_889 : i32 to vector<16xi32>
    %lt3A_891 = arith.cmpi slt, %add3A_820, %lt3A_890 : vector<16xi32>
    tpu.vector_store_idx %arg10[%scan3A_861#0], %broadcast_in_dim3A_3 masked %lt3A_891 {add = true} : memref<208xi32, #tpu.memory_space<vmem>>[vector<16xi32>], vector<16xi32>, vector<16xi1>
    %lt3A_892 = arith.constant 196 : i32
    %lt3A_893 = vector.broadcast %lt3A_892 : i32 to vector<16xi32>
    %lt3A_894 = arith.cmpi slt, %add3A_823, %lt3A_893 : vector<16xi32>
    tpu.vector_store_idx %arg10[%scan3A_861#1], %broadcast_in_dim3A_3 masked %lt3A_894 {add = true} : memref<208xi32, #tpu.memory_space<vmem>>[vector<16xi32>], vector<16xi32>, vector<16xi1>
    %lt3A_895 = arith.constant 196 : i32
    %lt3A_896 = vector.broadcast %lt3A_895 : i32 to vector<16xi32>
    %lt3A_897 = arith.cmpi slt, %add3A_826, %lt3A_896 : vector<16xi32>
    tpu.vector_store_idx %arg10[%scan3A_861#2], %broadcast_in_dim3A_3 masked %lt3A_897 {add = true} : memref<208xi32, #tpu.memory_space<vmem>>[vector<16xi32>], vector<16xi32>, vector<16xi1>
    %lt3A_898 = arith.constant 196 : i32
    %lt3A_899 = vector.broadcast %lt3A_898 : i32 to vector<16xi32>
    %lt3A_900 = arith.cmpi slt, %add3A_829, %lt3A_899 : vector<16xi32>
    tpu.vector_store_idx %arg10[%scan3A_861#3], %broadcast_in_dim3A_3 masked %lt3A_900 {add = true} : memref<208xi32, #tpu.memory_space<vmem>>[vector<16xi32>], vector<16xi32>, vector<16xi1>
    %lt3A_901 = arith.constant 196 : i32
    %lt3A_902 = vector.broadcast %lt3A_901 : i32 to vector<16xi32>
    %lt3A_903 = arith.cmpi slt, %add3A_832, %lt3A_902 : vector<16xi32>
    tpu.vector_store_idx %arg10[%scan3A_861#4], %broadcast_in_dim3A_3 masked %lt3A_903 {add = true} : memref<208xi32, #tpu.memory_space<vmem>>[vector<16xi32>], vector<16xi32>, vector<16xi1>
    %lt3A_904 = arith.constant 196 : i32
    %lt3A_905 = vector.broadcast %lt3A_904 : i32 to vector<16xi32>
    %lt3A_906 = arith.cmpi slt, %add3A_835, %lt3A_905 : vector<16xi32>
    tpu.vector_store_idx %arg10[%scan3A_861#5], %broadcast_in_dim3A_3 masked %lt3A_906 {add = true} : memref<208xi32, #tpu.memory_space<vmem>>[vector<16xi32>], vector<16xi32>, vector<16xi1>
    %lt3A_907 = arith.constant 196 : i32
    %lt3A_908 = vector.broadcast %lt3A_907 : i32 to vector<16xi32>
    %lt3A_909 = arith.cmpi slt, %add3A_838, %lt3A_908 : vector<16xi32>
    tpu.vector_store_idx %arg10[%scan3A_861#6], %broadcast_in_dim3A_3 masked %lt3A_909 {add = true} : memref<208xi32, #tpu.memory_space<vmem>>[vector<16xi32>], vector<16xi32>, vector<16xi1>
    %lt3A_910 = arith.constant 196 : i32
    %lt3A_911 = vector.broadcast %lt3A_910 : i32 to vector<16xi32>
    %lt3A_912 = arith.cmpi slt, %add3A_841, %lt3A_911 : vector<16xi32>
    tpu.vector_store_idx %arg10[%scan3A_861#7], %broadcast_in_dim3A_3 masked %lt3A_912 {add = true} : memref<208xi32, #tpu.memory_space<vmem>>[vector<16xi32>], vector<16xi32>, vector<16xi1>
    %lt3A_913 = arith.constant 196 : i32
    %lt3A_914 = vector.broadcast %lt3A_913 : i32 to vector<16xi32>
    %lt3A_915 = arith.cmpi slt, %add3A_844, %lt3A_914 : vector<16xi32>
    tpu.vector_store_idx %arg10[%scan3A_861#8], %broadcast_in_dim3A_3 masked %lt3A_915 {add = true} : memref<208xi32, #tpu.memory_space<vmem>>[vector<16xi32>], vector<16xi32>, vector<16xi1>
    %lt3A_916 = arith.constant 196 : i32
    %lt3A_917 = vector.broadcast %lt3A_916 : i32 to vector<16xi32>
    %lt3A_918 = arith.cmpi slt, %add3A_847, %lt3A_917 : vector<16xi32>
    tpu.vector_store_idx %arg10[%scan3A_861#9], %broadcast_in_dim3A_3 masked %lt3A_918 {add = true} : memref<208xi32, #tpu.memory_space<vmem>>[vector<16xi32>], vector<16xi32>, vector<16xi1>
    %lt3A_919 = arith.constant 196 : i32
    %lt3A_920 = vector.broadcast %lt3A_919 : i32 to vector<16xi32>
    %lt3A_921 = arith.cmpi slt, %add3A_850, %lt3A_920 : vector<16xi32>
    tpu.vector_store_idx %arg10[%scan3A_861#10], %broadcast_in_dim3A_3 masked %lt3A_921 {add = true} : memref<208xi32, #tpu.memory_space<vmem>>[vector<16xi32>], vector<16xi32>, vector<16xi1>
    %lt3A_922 = arith.constant 196 : i32
    %lt3A_923 = vector.broadcast %lt3A_922 : i32 to vector<16xi32>
    %lt3A_924 = arith.cmpi slt, %add3A_853, %lt3A_923 : vector<16xi32>
    tpu.vector_store_idx %arg10[%scan3A_861#11], %broadcast_in_dim3A_3 masked %lt3A_924 {add = true} : memref<208xi32, #tpu.memory_space<vmem>>[vector<16xi32>], vector<16xi32>, vector<16xi1>
    %lt3A_925 = arith.constant 196 : i32
    %lt3A_926 = vector.broadcast %lt3A_925 : i32 to vector<16xi32>
    %lt3A_927 = arith.cmpi slt, %add3A_856, %lt3A_926 : vector<16xi32>
    tpu.vector_store_idx %arg10[%scan3A_861#12], %broadcast_in_dim3A_3 masked %lt3A_927 {add = true} : memref<208xi32, #tpu.memory_space<vmem>>[vector<16xi32>], vector<16xi32>, vector<16xi1>
    %get3A_928 = arith.constant 0 : index
    %get3A_929 = tpu.vector_load %arg10[%get3A_928] {strides = array<i32>} : memref<208xi32, #tpu.memory_space<vmem>>, vector<16xi32>,
    %max3A_930 = arith.maxsi %broadcast_in_dim3A_1, %get3A_929 : vector<16xi32>
    %get3A_931 = arith.constant 16 : index
    %get3A_932 = tpu.vector_load %arg10[%get3A_931] {strides = array<i32>} : memref<208xi32, #tpu.memory_space<vmem>>, vector<16xi32>,
    %max3A_933 = arith.maxsi %max3A_930, %get3A_932 : vector<16xi32>
    %get3A_934 = arith.constant 32 : index
    %get3A_935 = tpu.vector_load %arg10[%get3A_934] {strides = array<i32>} : memref<208xi32, #tpu.memory_space<vmem>>, vector<16xi32>,
    %max3A_936 = arith.maxsi %max3A_933, %get3A_935 : vector<16xi32>
    %get3A_937 = arith.constant 48 : index
    %get3A_938 = tpu.vector_load %arg10[%get3A_937] {strides = array<i32>} : memref<208xi32, #tpu.memory_space<vmem>>, vector<16xi32>,
    %max3A_939 = arith.maxsi %max3A_936, %get3A_938 : vector<16xi32>
    %get3A_940 = arith.constant 64 : index
    %get3A_941 = tpu.vector_load %arg10[%get3A_940] {strides = array<i32>} : memref<208xi32, #tpu.memory_space<vmem>>, vector<16xi32>,
    %max3A_942 = arith.maxsi %max3A_939, %get3A_941 : vector<16xi32>
    %get3A_943 = arith.constant 80 : index
    %get3A_944 = tpu.vector_load %arg10[%get3A_943] {strides = array<i32>} : memref<208xi32, #tpu.memory_space<vmem>>, vector<16xi32>,
    %max3A_945 = arith.maxsi %max3A_942, %get3A_944 : vector<16xi32>
    %get3A_946 = arith.constant 96 : index
    %get3A_947 = tpu.vector_load %arg10[%get3A_946] {strides = array<i32>} : memref<208xi32, #tpu.memory_space<vmem>>, vector<16xi32>,
    %max3A_948 = arith.maxsi %max3A_945, %get3A_947 : vector<16xi32>
    %get3A_949 = arith.constant 112 : index
    %get3A_950 = tpu.vector_load %arg10[%get3A_949] {strides = array<i32>} : memref<208xi32, #tpu.memory_space<vmem>>, vector<16xi32>,
    %max3A_951 = arith.maxsi %max3A_948, %get3A_950 : vector<16xi32>
    %get3A_952 = arith.constant 128 : index
    %get3A_953 = tpu.vector_load %arg10[%get3A_952] {strides = array<i32>} : memref<208xi32, #tpu.memory_space<vmem>>, vector<16xi32>,
    %max3A_954 = arith.maxsi %max3A_951, %get3A_953 : vector<16xi32>
    %get3A_955 = arith.constant 144 : index
    %get3A_956 = tpu.vector_load %arg10[%get3A_955] {strides = array<i32>} : memref<208xi32, #tpu.memory_space<vmem>>, vector<16xi32>,
    %max3A_957 = arith.maxsi %max3A_954, %get3A_956 : vector<16xi32>
    %get3A_958 = arith.constant 160 : index
    %get3A_959 = tpu.vector_load %arg10[%get3A_958] {strides = array<i32>} : memref<208xi32, #tpu.memory_space<vmem>>, vector<16xi32>,
    %max3A_960 = arith.maxsi %max3A_957, %get3A_959 : vector<16xi32>
    %get3A_961 = arith.constant 176 : index
    %get3A_962 = tpu.vector_load %arg10[%get3A_961] {strides = array<i32>} : memref<208xi32, #tpu.memory_space<vmem>>, vector<16xi32>,
    %max3A_963 = arith.maxsi %max3A_960, %get3A_962 : vector<16xi32>
    %get3A_964 = arith.constant 192 : index
    %get3A_965 = tpu.vector_load %arg10[%get3A_964] {strides = array<i32>} : memref<208xi32, #tpu.memory_space<vmem>>, vector<16xi32>,
    %max3A_966 = arith.maxsi %max3A_963, %get3A_965 : vector<16xi32>
    %reduce_max3A_967 = arith.constant true
    %reduce_max3A_968 = vector.broadcast %reduce_max3A_967 : i1 to vector<16xi1>
    %reduce_max3A_969 = arith.constant -2147483648 : i32
    %reduce_max3A_970 = vector.broadcast %reduce_max3A_969 : i32 to vector<16xi32>
    %reduce_max3A_971 = arith.xori %max3A_966, %reduce_max3A_970 : vector<16xi32>
    %reduce_max3A_972 = tpu.scan <max>, %reduce_max3A_971 masked %reduce_max3A_968 : vector<16xi32>, vector<16xi1> -> vector<16xi32>
    %reduce_max3A_973 = arith.xori %reduce_max3A_972, %reduce_max3A_970 : vector<16xi32>
    %reduce_max3A_974 = vector.extract %reduce_max3A_973[15] : i32 from vector<16xi32>
    %gt3A_975 = arith.constant 1 : i32
    %gt3A_976 = arith.cmpi sgt, %reduce_max3A_974, %gt3A_975 : i32
    %add3A_977 = arith.constant 196 : i32
    %add3A_978 = vector.broadcast %add3A_977 : i32 to vector<16xi32>
    %add3A_979 = arith.addi %add3A_820, %add3A_978 : vector<16xi32>
    %lt3A_980 = arith.constant 196 : i32
    %lt3A_981 = vector.broadcast %lt3A_980 : i32 to vector<16xi32>
    %lt3A_982 = arith.cmpi slt, %add3A_820, %lt3A_981 : vector<16xi32>
    tpu.vector_store_idx %arg12[%add3A_979], %scan3A_861#0 masked %lt3A_982 : memref<392xi32, #tpu.memory_space<vmem>>[vector<16xi32>], vector<16xi32>, vector<16xi1>
    %add3A_983 = arith.constant 196 : i32
    %add3A_984 = vector.broadcast %add3A_983 : i32 to vector<16xi32>
    %add3A_985 = arith.addi %scan3A_861#0, %add3A_984 : vector<16xi32>
    %lt3A_986 = arith.constant 196 : i32
    %lt3A_987 = vector.broadcast %lt3A_986 : i32 to vector<16xi32>
    %lt3A_988 = arith.cmpi slt, %scan3A_861#0, %lt3A_987 : vector<16xi32>
    tpu.vector_store_idx %arg11[%add3A_985], %add3A_820 masked %lt3A_988 : memref<392xi32, #tpu.memory_space<vmem>>[vector<16xi32>], vector<16xi32>, vector<16xi1>
    %add3A_989 = arith.constant 196 : i32
    %add3A_990 = vector.broadcast %add3A_989 : i32 to vector<16xi32>
    %add3A_991 = arith.addi %add3A_823, %add3A_990 : vector<16xi32>
    %lt3A_992 = arith.constant 196 : i32
    %lt3A_993 = vector.broadcast %lt3A_992 : i32 to vector<16xi32>
    %lt3A_994 = arith.cmpi slt, %add3A_823, %lt3A_993 : vector<16xi32>
    tpu.vector_store_idx %arg12[%add3A_991], %scan3A_861#1 masked %lt3A_994 : memref<392xi32, #tpu.memory_space<vmem>>[vector<16xi32>], vector<16xi32>, vector<16xi1>
    %add3A_995 = arith.constant 196 : i32
    %add3A_996 = vector.broadcast %add3A_995 : i32 to vector<16xi32>
    %add3A_997 = arith.addi %scan3A_861#1, %add3A_996 : vector<16xi32>
    %lt3A_998 = arith.constant 196 : i32
    %lt3A_999 = vector.broadcast %lt3A_998 : i32 to vector<16xi32>
    %lt3A_1000 = arith.cmpi slt, %scan3A_861#1, %lt3A_999 : vector<16xi32>
    tpu.vector_store_idx %arg11[%add3A_997], %add3A_823 masked %lt3A_1000 : memref<392xi32, #tpu.memory_space<vmem>>[vector<16xi32>], vector<16xi32>, vector<16xi1>
    %add3A_1001 = arith.constant 196 : i32
    %add3A_1002 = vector.broadcast %add3A_1001 : i32 to vector<16xi32>
    %add3A_1003 = arith.addi %add3A_826, %add3A_1002 : vector<16xi32>
    %lt3A_1004 = arith.constant 196 : i32
    %lt3A_1005 = vector.broadcast %lt3A_1004 : i32 to vector<16xi32>
    %lt3A_1006 = arith.cmpi slt, %add3A_826, %lt3A_1005 : vector<16xi32>
    tpu.vector_store_idx %arg12[%add3A_1003], %scan3A_861#2 masked %lt3A_1006 : memref<392xi32, #tpu.memory_space<vmem>>[vector<16xi32>], vector<16xi32>, vector<16xi1>
    %add3A_1007 = arith.constant 196 : i32
    %add3A_1008 = vector.broadcast %add3A_1007 : i32 to vector<16xi32>
    %add3A_1009 = arith.addi %scan3A_861#2, %add3A_1008 : vector<16xi32>
    %lt3A_1010 = arith.constant 196 : i32
    %lt3A_1011 = vector.broadcast %lt3A_1010 : i32 to vector<16xi32>
    %lt3A_1012 = arith.cmpi slt, %scan3A_861#2, %lt3A_1011 : vector<16xi32>
    tpu.vector_store_idx %arg11[%add3A_1009], %add3A_826 masked %lt3A_1012 : memref<392xi32, #tpu.memory_space<vmem>>[vector<16xi32>], vector<16xi32>, vector<16xi1>
    %add3A_1013 = arith.constant 196 : i32
    %add3A_1014 = vector.broadcast %add3A_1013 : i32 to vector<16xi32>
    %add3A_1015 = arith.addi %add3A_829, %add3A_1014 : vector<16xi32>
    %lt3A_1016 = arith.constant 196 : i32
    %lt3A_1017 = vector.broadcast %lt3A_1016 : i32 to vector<16xi32>
    %lt3A_1018 = arith.cmpi slt, %add3A_829, %lt3A_1017 : vector<16xi32>
    tpu.vector_store_idx %arg12[%add3A_1015], %scan3A_861#3 masked %lt3A_1018 : memref<392xi32, #tpu.memory_space<vmem>>[vector<16xi32>], vector<16xi32>, vector<16xi1>
    %add3A_1019 = arith.constant 196 : i32
    %add3A_1020 = vector.broadcast %add3A_1019 : i32 to vector<16xi32>
    %add3A_1021 = arith.addi %scan3A_861#3, %add3A_1020 : vector<16xi32>
    %lt3A_1022 = arith.constant 196 : i32
    %lt3A_1023 = vector.broadcast %lt3A_1022 : i32 to vector<16xi32>
    %lt3A_1024 = arith.cmpi slt, %scan3A_861#3, %lt3A_1023 : vector<16xi32>
    tpu.vector_store_idx %arg11[%add3A_1021], %add3A_829 masked %lt3A_1024 : memref<392xi32, #tpu.memory_space<vmem>>[vector<16xi32>], vector<16xi32>, vector<16xi1>
    %add3A_1025 = arith.constant 196 : i32
    %add3A_1026 = vector.broadcast %add3A_1025 : i32 to vector<16xi32>
    %add3A_1027 = arith.addi %add3A_832, %add3A_1026 : vector<16xi32>
    %lt3A_1028 = arith.constant 196 : i32
    %lt3A_1029 = vector.broadcast %lt3A_1028 : i32 to vector<16xi32>
    %lt3A_1030 = arith.cmpi slt, %add3A_832, %lt3A_1029 : vector<16xi32>
    tpu.vector_store_idx %arg12[%add3A_1027], %scan3A_861#4 masked %lt3A_1030 : memref<392xi32, #tpu.memory_space<vmem>>[vector<16xi32>], vector<16xi32>, vector<16xi1>
    %add3A_1031 = arith.constant 196 : i32
    %add3A_1032 = vector.broadcast %add3A_1031 : i32 to vector<16xi32>
    %add3A_1033 = arith.addi %scan3A_861#4, %add3A_1032 : vector<16xi32>
    %lt3A_1034 = arith.constant 196 : i32
    %lt3A_1035 = vector.broadcast %lt3A_1034 : i32 to vector<16xi32>
    %lt3A_1036 = arith.cmpi slt, %scan3A_861#4, %lt3A_1035 : vector<16xi32>
    tpu.vector_store_idx %arg11[%add3A_1033], %add3A_832 masked %lt3A_1036 : memref<392xi32, #tpu.memory_space<vmem>>[vector<16xi32>], vector<16xi32>, vector<16xi1>
    %add3A_1037 = arith.constant 196 : i32
    %add3A_1038 = vector.broadcast %add3A_1037 : i32 to vector<16xi32>
    %add3A_1039 = arith.addi %add3A_835, %add3A_1038 : vector<16xi32>
    %lt3A_1040 = arith.constant 196 : i32
    %lt3A_1041 = vector.broadcast %lt3A_1040 : i32 to vector<16xi32>
    %lt3A_1042 = arith.cmpi slt, %add3A_835, %lt3A_1041 : vector<16xi32>
    tpu.vector_store_idx %arg12[%add3A_1039], %scan3A_861#5 masked %lt3A_1042 : memref<392xi32, #tpu.memory_space<vmem>>[vector<16xi32>], vector<16xi32>, vector<16xi1>
    %add3A_1043 = arith.constant 196 : i32
    %add3A_1044 = vector.broadcast %add3A_1043 : i32 to vector<16xi32>
    %add3A_1045 = arith.addi %scan3A_861#5, %add3A_1044 : vector<16xi32>
    %lt3A_1046 = arith.constant 196 : i32
    %lt3A_1047 = vector.broadcast %lt3A_1046 : i32 to vector<16xi32>
    %lt3A_1048 = arith.cmpi slt, %scan3A_861#5, %lt3A_1047 : vector<16xi32>
    tpu.vector_store_idx %arg11[%add3A_1045], %add3A_835 masked %lt3A_1048 : memref<392xi32, #tpu.memory_space<vmem>>[vector<16xi32>], vector<16xi32>, vector<16xi1>
    %add3A_1049 = arith.constant 196 : i32
    %add3A_1050 = vector.broadcast %add3A_1049 : i32 to vector<16xi32>
    %add3A_1051 = arith.addi %add3A_838, %add3A_1050 : vector<16xi32>
    %lt3A_1052 = arith.constant 196 : i32
    %lt3A_1053 = vector.broadcast %lt3A_1052 : i32 to vector<16xi32>
    %lt3A_1054 = arith.cmpi slt, %add3A_838, %lt3A_1053 : vector<16xi32>
    tpu.vector_store_idx %arg12[%add3A_1051], %scan3A_861#6 masked %lt3A_1054 : memref<392xi32, #tpu.memory_space<vmem>>[vector<16xi32>], vector<16xi32>, vector<16xi1>
    %add3A_1055 = arith.constant 196 : i32
    %add3A_1056 = vector.broadcast %add3A_1055 : i32 to vector<16xi32>
    %add3A_1057 = arith.addi %scan3A_861#6, %add3A_1056 : vector<16xi32>
    %lt3A_1058 = arith.constant 196 : i32
    %lt3A_1059 = vector.broadcast %lt3A_1058 : i32 to vector<16xi32>
    %lt3A_1060 = arith.cmpi slt, %scan3A_861#6, %lt3A_1059 : vector<16xi32>
    tpu.vector_store_idx %arg11[%add3A_1057], %add3A_838 masked %lt3A_1060 : memref<392xi32, #tpu.memory_space<vmem>>[vector<16xi32>], vector<16xi32>, vector<16xi1>
    %add3A_1061 = arith.constant 196 : i32
    %add3A_1062 = vector.broadcast %add3A_1061 : i32 to vector<16xi32>
    %add3A_1063 = arith.addi %add3A_841, %add3A_1062 : vector<16xi32>
    %lt3A_1064 = arith.constant 196 : i32
    %lt3A_1065 = vector.broadcast %lt3A_1064 : i32 to vector<16xi32>
    %lt3A_1066 = arith.cmpi slt, %add3A_841, %lt3A_1065 : vector<16xi32>
    tpu.vector_store_idx %arg12[%add3A_1063], %scan3A_861#7 masked %lt3A_1066 : memref<392xi32, #tpu.memory_space<vmem>>[vector<16xi32>], vector<16xi32>, vector<16xi1>
    %add3A_1067 = arith.constant 196 : i32
    %add3A_1068 = vector.broadcast %add3A_1067 : i32 to vector<16xi32>
    %add3A_1069 = arith.addi %scan3A_861#7, %add3A_1068 : vector<16xi32>
    %lt3A_1070 = arith.constant 196 : i32
    %lt3A_1071 = vector.broadcast %lt3A_1070 : i32 to vector<16xi32>
    %lt3A_1072 = arith.cmpi slt, %scan3A_861#7, %lt3A_1071 : vector<16xi32>
    tpu.vector_store_idx %arg11[%add3A_1069], %add3A_841 masked %lt3A_1072 : memref<392xi32, #tpu.memory_space<vmem>>[vector<16xi32>], vector<16xi32>, vector<16xi1>
    %add3A_1073 = arith.constant 196 : i32
    %add3A_1074 = vector.broadcast %add3A_1073 : i32 to vector<16xi32>
    %add3A_1075 = arith.addi %add3A_844, %add3A_1074 : vector<16xi32>
    %lt3A_1076 = arith.constant 196 : i32
    %lt3A_1077 = vector.broadcast %lt3A_1076 : i32 to vector<16xi32>
    %lt3A_1078 = arith.cmpi slt, %add3A_844, %lt3A_1077 : vector<16xi32>
    tpu.vector_store_idx %arg12[%add3A_1075], %scan3A_861#8 masked %lt3A_1078 : memref<392xi32, #tpu.memory_space<vmem>>[vector<16xi32>], vector<16xi32>, vector<16xi1>
    %add3A_1079 = arith.constant 196 : i32
    %add3A_1080 = vector.broadcast %add3A_1079 : i32 to vector<16xi32>
    %add3A_1081 = arith.addi %scan3A_861#8, %add3A_1080 : vector<16xi32>
    %lt3A_1082 = arith.constant 196 : i32
    %lt3A_1083 = vector.broadcast %lt3A_1082 : i32 to vector<16xi32>
    %lt3A_1084 = arith.cmpi slt, %scan3A_861#8, %lt3A_1083 : vector<16xi32>
    tpu.vector_store_idx %arg11[%add3A_1081], %add3A_844 masked %lt3A_1084 : memref<392xi32, #tpu.memory_space<vmem>>[vector<16xi32>], vector<16xi32>, vector<16xi1>
    %add3A_1085 = arith.constant 196 : i32
    %add3A_1086 = vector.broadcast %add3A_1085 : i32 to vector<16xi32>
    %add3A_1087 = arith.addi %add3A_847, %add3A_1086 : vector<16xi32>
    %lt3A_1088 = arith.constant 196 : i32
    %lt3A_1089 = vector.broadcast %lt3A_1088 : i32 to vector<16xi32>
    %lt3A_1090 = arith.cmpi slt, %add3A_847, %lt3A_1089 : vector<16xi32>
    tpu.vector_store_idx %arg12[%add3A_1087], %scan3A_861#9 masked %lt3A_1090 : memref<392xi32, #tpu.memory_space<vmem>>[vector<16xi32>], vector<16xi32>, vector<16xi1>
    %add3A_1091 = arith.constant 196 : i32
    %add3A_1092 = vector.broadcast %add3A_1091 : i32 to vector<16xi32>
    %add3A_1093 = arith.addi %scan3A_861#9, %add3A_1092 : vector<16xi32>
    %lt3A_1094 = arith.constant 196 : i32
    %lt3A_1095 = vector.broadcast %lt3A_1094 : i32 to vector<16xi32>
    %lt3A_1096 = arith.cmpi slt, %scan3A_861#9, %lt3A_1095 : vector<16xi32>
    tpu.vector_store_idx %arg11[%add3A_1093], %add3A_847 masked %lt3A_1096 : memref<392xi32, #tpu.memory_space<vmem>>[vector<16xi32>], vector<16xi32>, vector<16xi1>
    %add3A_1097 = arith.constant 196 : i32
    %add3A_1098 = vector.broadcast %add3A_1097 : i32 to vector<16xi32>
    %add3A_1099 = arith.addi %add3A_850, %add3A_1098 : vector<16xi32>
    %lt3A_1100 = arith.constant 196 : i32
    %lt3A_1101 = vector.broadcast %lt3A_1100 : i32 to vector<16xi32>
    %lt3A_1102 = arith.cmpi slt, %add3A_850, %lt3A_1101 : vector<16xi32>
    tpu.vector_store_idx %arg12[%add3A_1099], %scan3A_861#10 masked %lt3A_1102 : memref<392xi32, #tpu.memory_space<vmem>>[vector<16xi32>], vector<16xi32>, vector<16xi1>
    %add3A_1103 = arith.constant 196 : i32
    %add3A_1104 = vector.broadcast %add3A_1103 : i32 to vector<16xi32>
    %add3A_1105 = arith.addi %scan3A_861#10, %add3A_1104 : vector<16xi32>
    %lt3A_1106 = arith.constant 196 : i32
    %lt3A_1107 = vector.broadcast %lt3A_1106 : i32 to vector<16xi32>
    %lt3A_1108 = arith.cmpi slt, %scan3A_861#10, %lt3A_1107 : vector<16xi32>
    tpu.vector_store_idx %arg11[%add3A_1105], %add3A_850 masked %lt3A_1108 : memref<392xi32, #tpu.memory_space<vmem>>[vector<16xi32>], vector<16xi32>, vector<16xi1>
    %add3A_1109 = arith.constant 196 : i32
    %add3A_1110 = vector.broadcast %add3A_1109 : i32 to vector<16xi32>
    %add3A_1111 = arith.addi %add3A_853, %add3A_1110 : vector<16xi32>
    %lt3A_1112 = arith.constant 196 : i32
    %lt3A_1113 = vector.broadcast %lt3A_1112 : i32 to vector<16xi32>
    %lt3A_1114 = arith.cmpi slt, %add3A_853, %lt3A_1113 : vector<16xi32>
    tpu.vector_store_idx %arg12[%add3A_1111], %scan3A_861#11 masked %lt3A_1114 : memref<392xi32, #tpu.memory_space<vmem>>[vector<16xi32>], vector<16xi32>, vector<16xi1>
    %add3A_1115 = arith.constant 196 : i32
    %add3A_1116 = vector.broadcast %add3A_1115 : i32 to vector<16xi32>
    %add3A_1117 = arith.addi %scan3A_861#11, %add3A_1116 : vector<16xi32>
    %lt3A_1118 = arith.constant 196 : i32
    %lt3A_1119 = vector.broadcast %lt3A_1118 : i32 to vector<16xi32>
    %lt3A_1120 = arith.cmpi slt, %scan3A_861#11, %lt3A_1119 : vector<16xi32>
    tpu.vector_store_idx %arg11[%add3A_1117], %add3A_853 masked %lt3A_1120 : memref<392xi32, #tpu.memory_space<vmem>>[vector<16xi32>], vector<16xi32>, vector<16xi1>
    %add3A_1121 = arith.constant 196 : i32
    %add3A_1122 = vector.broadcast %add3A_1121 : i32 to vector<16xi32>
    %add3A_1123 = arith.addi %add3A_856, %add3A_1122 : vector<16xi32>
    %lt3A_1124 = arith.constant 196 : i32
    %lt3A_1125 = vector.broadcast %lt3A_1124 : i32 to vector<16xi32>
    %lt3A_1126 = arith.cmpi slt, %add3A_856, %lt3A_1125 : vector<16xi32>
    tpu.vector_store_idx %arg12[%add3A_1123], %scan3A_861#12 masked %lt3A_1126 : memref<392xi32, #tpu.memory_space<vmem>>[vector<16xi32>], vector<16xi32>, vector<16xi1>
    %add3A_1127 = arith.constant 196 : i32
    %add3A_1128 = vector.broadcast %add3A_1127 : i32 to vector<16xi32>
    %add3A_1129 = arith.addi %scan3A_861#12, %add3A_1128 : vector<16xi32>
    %lt3A_1130 = arith.constant 196 : i32
    %lt3A_1131 = vector.broadcast %lt3A_1130 : i32 to vector<16xi32>
    %lt3A_1132 = arith.cmpi slt, %scan3A_861#12, %lt3A_1131 : vector<16xi32>
    tpu.vector_store_idx %arg11[%add3A_1129], %add3A_856 masked %lt3A_1132 : memref<392xi32, #tpu.memory_space<vmem>>[vector<16xi32>], vector<16xi32>, vector<16xi1>
    %convert_element_type3A_1133 = arith.extui %gt3A_976 : i1 to i32
    %cond3A_1134 = arith.constant 0 : i32
    %cond3A_1135 = arith.cmpi ne, %convert_element_type3A_1133, %cond3A_1134 : i32
    scf.if %cond3A_1135 {
      %get3A_1285 = arith.constant 0 : index
      %get3A_1286 = tpu.vector_load %arg8[%get3A_1285] {strides = array<i32>} : memref<208xf32, #tpu.memory_space<vmem>>, vector<16xf32>,
      %get3A_1287 = arith.constant 16 : index
      %get3A_1288 = tpu.vector_load %arg8[%get3A_1287] {strides = array<i32>} : memref<208xf32, #tpu.memory_space<vmem>>, vector<16xf32>,
      %get3A_1289 = arith.constant 32 : index
      %get3A_1290 = tpu.vector_load %arg8[%get3A_1289] {strides = array<i32>} : memref<208xf32, #tpu.memory_space<vmem>>, vector<16xf32>,
      %get3A_1291 = arith.constant 48 : index
      %get3A_1292 = tpu.vector_load %arg8[%get3A_1291] {strides = array<i32>} : memref<208xf32, #tpu.memory_space<vmem>>, vector<16xf32>,
      %get3A_1293 = arith.constant 64 : index
      %get3A_1294 = tpu.vector_load %arg8[%get3A_1293] {strides = array<i32>} : memref<208xf32, #tpu.memory_space<vmem>>, vector<16xf32>,
      %get3A_1295 = arith.constant 80 : index
      %get3A_1296 = tpu.vector_load %arg8[%get3A_1295] {strides = array<i32>} : memref<208xf32, #tpu.memory_space<vmem>>, vector<16xf32>,
      %get3A_1297 = arith.constant 96 : index
      %get3A_1298 = tpu.vector_load %arg8[%get3A_1297] {strides = array<i32>} : memref<208xf32, #tpu.memory_space<vmem>>, vector<16xf32>,
      %get3A_1299 = arith.constant 112 : index
      %get3A_1300 = tpu.vector_load %arg8[%get3A_1299] {strides = array<i32>} : memref<208xf32, #tpu.memory_space<vmem>>, vector<16xf32>,
      %get3A_1301 = arith.constant 128 : index
      %get3A_1302 = tpu.vector_load %arg8[%get3A_1301] {strides = array<i32>} : memref<208xf32, #tpu.memory_space<vmem>>, vector<16xf32>,
      %get3A_1303 = arith.constant 144 : index
      %get3A_1304 = tpu.vector_load %arg8[%get3A_1303] {strides = array<i32>} : memref<208xf32, #tpu.memory_space<vmem>>, vector<16xf32>,
      %get3A_1305 = arith.constant 160 : index
      %get3A_1306 = tpu.vector_load %arg8[%get3A_1305] {strides = array<i32>} : memref<208xf32, #tpu.memory_space<vmem>>, vector<16xf32>,
      %get3A_1307 = arith.constant 176 : index
      %get3A_1308 = tpu.vector_load %arg8[%get3A_1307] {strides = array<i32>} : memref<208xf32, #tpu.memory_space<vmem>>, vector<16xf32>,
      %get3A_1309 = arith.constant 192 : index
      %get3A_1310 = tpu.vector_load %arg8[%get3A_1309] {strides = array<i32>} : memref<208xf32, #tpu.memory_space<vmem>>, vector<16xf32>,
      %scan3A_1311 = arith.constant 0 : i32
      %scan3A_1312 = arith.constant 196 : i32
      %scan3A_1313 = arith.addi %scan3A_1311, %scan3A_1312 : i32
      %scan3A_1314 = arith.constant 1 : i32
      %scan3A_1315:13 = scf.for %scan3A_1473 = %scan3A_1311 to %scan3A_1313 step %scan3A_1314 iter_args(%scan3A_1474 = %broadcast_in_dim3A_1, %scan3A_1475 = %broadcast_in_dim3A_1, %scan3A_1476 = %broadcast_in_dim3A_1, %scan3A_1477 = %broadcast_in_dim3A_1, %scan3A_1478 = %broadcast_in_dim3A_1, %scan3A_1479 = %broadcast_in_dim3A_1, %scan3A_1480 = %broadcast_in_dim3A_1, %scan3A_1481 = %broadcast_in_dim3A_1, %scan3A_1482 = %broadcast_in_dim3A_1, %scan3A_1483 = %broadcast_in_dim3A_1, %scan3A_1484 = %broadcast_in_dim3A_1, %scan3A_1485 = %broadcast_in_dim3A_1, %scan3A_1486 = %broadcast_in_dim3A_1) -> (vector<16xi32>, vector<16xi32>, vector<16xi32>, vector<16xi32>, vector<16xi32>, vector<16xi32>, vector<16xi32>, vector<16xi32>, vector<16xi32>, vector<16xi32>, vector<16xi32>, vector<16xi32>, vector<16xi32>)  : i32 {
        %broadcast_in_dim3A_1487 = vector.broadcast %scan3A_1473 : i32 to vector<16xi32>
        %gather3A_1488 = tpu.vector_load_idx %arg8[%broadcast_in_dim3A_1487] : memref<208xf32, #tpu.memory_space<vmem>>[vector<16xi32>], vector<16xf32>,
        %lt3A_1489 = arith.cmpf olt, %gather3A_1488, %get3A_1286 : vector<16xf32>
        %eq3A_1490 = arith.cmpf oeq, %gather3A_1488, %get3A_1286 : vector<16xf32>
        %lt3A_1491 = arith.cmpi slt, %broadcast_in_dim3A_1487, %add3A_820 : vector<16xi32>
        %and3A = arith.andi %eq3A_1490, %lt3A_1491 : vector<16xi1>
        %or3A = arith.ori %lt3A_1489, %and3A : vector<16xi1>
        %convert_element_type3A_1492 = arith.extui %or3A : vector<16xi1> to vector<16xi32>
        %add3A_1493 = arith.addi %scan3A_1474, %convert_element_type3A_1492 : vector<16xi32>
        %lt3A_1494 = arith.cmpf olt, %gather3A_1488, %get3A_1288 : vector<16xf32>
        %eq3A_1495 = arith.cmpf oeq, %gather3A_1488, %get3A_1288 : vector<16xf32>
        %lt3A_1496 = arith.cmpi slt, %broadcast_in_dim3A_1487, %add3A_823 : vector<16xi32>
        %and3A_1497 = arith.andi %eq3A_1495, %lt3A_1496 : vector<16xi1>
        %or3A_1498 = arith.ori %lt3A_1494, %and3A_1497 : vector<16xi1>
        %convert_element_type3A_1499 = arith.extui %or3A_1498 : vector<16xi1> to vector<16xi32>
        %add3A_1500 = arith.addi %scan3A_1475, %convert_element_type3A_1499 : vector<16xi32>
        %lt3A_1501 = arith.cmpf olt, %gather3A_1488, %get3A_1290 : vector<16xf32>
        %eq3A_1502 = arith.cmpf oeq, %gather3A_1488, %get3A_1290 : vector<16xf32>
        %lt3A_1503 = arith.cmpi slt, %broadcast_in_dim3A_1487, %add3A_826 : vector<16xi32>
        %and3A_1504 = arith.andi %eq3A_1502, %lt3A_1503 : vector<16xi1>
        %or3A_1505 = arith.ori %lt3A_1501, %and3A_1504 : vector<16xi1>
        %convert_element_type3A_1506 = arith.extui %or3A_1505 : vector<16xi1> to vector<16xi32>
        %add3A_1507 = arith.addi %scan3A_1476, %convert_element_type3A_1506 : vector<16xi32>
        %lt3A_1508 = arith.cmpf olt, %gather3A_1488, %get3A_1292 : vector<16xf32>
        %eq3A_1509 = arith.cmpf oeq, %gather3A_1488, %get3A_1292 : vector<16xf32>
        %lt3A_1510 = arith.cmpi slt, %broadcast_in_dim3A_1487, %add3A_829 : vector<16xi32>
        %and3A_1511 = arith.andi %eq3A_1509, %lt3A_1510 : vector<16xi1>
        %or3A_1512 = arith.ori %lt3A_1508, %and3A_1511 : vector<16xi1>
        %convert_element_type3A_1513 = arith.extui %or3A_1512 : vector<16xi1> to vector<16xi32>
        %add3A_1514 = arith.addi %scan3A_1477, %convert_element_type3A_1513 : vector<16xi32>
        %lt3A_1515 = arith.cmpf olt, %gather3A_1488, %get3A_1294 : vector<16xf32>
        %eq3A_1516 = arith.cmpf oeq, %gather3A_1488, %get3A_1294 : vector<16xf32>
        %lt3A_1517 = arith.cmpi slt, %broadcast_in_dim3A_1487, %add3A_832 : vector<16xi32>
        %and3A_1518 = arith.andi %eq3A_1516, %lt3A_1517 : vector<16xi1>
        %or3A_1519 = arith.ori %lt3A_1515, %and3A_1518 : vector<16xi1>
        %convert_element_type3A_1520 = arith.extui %or3A_1519 : vector<16xi1> to vector<16xi32>
        %add3A_1521 = arith.addi %scan3A_1478, %convert_element_type3A_1520 : vector<16xi32>
        %lt3A_1522 = arith.cmpf olt, %gather3A_1488, %get3A_1296 : vector<16xf32>
        %eq3A_1523 = arith.cmpf oeq, %gather3A_1488, %get3A_1296 : vector<16xf32>
        %lt3A_1524 = arith.cmpi slt, %broadcast_in_dim3A_1487, %add3A_835 : vector<16xi32>
        %and3A_1525 = arith.andi %eq3A_1523, %lt3A_1524 : vector<16xi1>
        %or3A_1526 = arith.ori %lt3A_1522, %and3A_1525 : vector<16xi1>
        %convert_element_type3A_1527 = arith.extui %or3A_1526 : vector<16xi1> to vector<16xi32>
        %add3A_1528 = arith.addi %scan3A_1479, %convert_element_type3A_1527 : vector<16xi32>
        %lt3A_1529 = arith.cmpf olt, %gather3A_1488, %get3A_1298 : vector<16xf32>
        %eq3A_1530 = arith.cmpf oeq, %gather3A_1488, %get3A_1298 : vector<16xf32>
        %lt3A_1531 = arith.cmpi slt, %broadcast_in_dim3A_1487, %add3A_838 : vector<16xi32>
        %and3A_1532 = arith.andi %eq3A_1530, %lt3A_1531 : vector<16xi1>
        %or3A_1533 = arith.ori %lt3A_1529, %and3A_1532 : vector<16xi1>
        %convert_element_type3A_1534 = arith.extui %or3A_1533 : vector<16xi1> to vector<16xi32>
        %add3A_1535 = arith.addi %scan3A_1480, %convert_element_type3A_1534 : vector<16xi32>
        %lt3A_1536 = arith.cmpf olt, %gather3A_1488, %get3A_1300 : vector<16xf32>
        %eq3A_1537 = arith.cmpf oeq, %gather3A_1488, %get3A_1300 : vector<16xf32>
        %lt3A_1538 = arith.cmpi slt, %broadcast_in_dim3A_1487, %add3A_841 : vector<16xi32>
        %and3A_1539 = arith.andi %eq3A_1537, %lt3A_1538 : vector<16xi1>
        %or3A_1540 = arith.ori %lt3A_1536, %and3A_1539 : vector<16xi1>
        %convert_element_type3A_1541 = arith.extui %or3A_1540 : vector<16xi1> to vector<16xi32>
        %add3A_1542 = arith.addi %scan3A_1481, %convert_element_type3A_1541 : vector<16xi32>
        %lt3A_1543 = arith.cmpf olt, %gather3A_1488, %get3A_1302 : vector<16xf32>
        %eq3A_1544 = arith.cmpf oeq, %gather3A_1488, %get3A_1302 : vector<16xf32>
        %lt3A_1545 = arith.cmpi slt, %broadcast_in_dim3A_1487, %add3A_844 : vector<16xi32>
        %and3A_1546 = arith.andi %eq3A_1544, %lt3A_1545 : vector<16xi1>
        %or3A_1547 = arith.ori %lt3A_1543, %and3A_1546 : vector<16xi1>
        %convert_element_type3A_1548 = arith.extui %or3A_1547 : vector<16xi1> to vector<16xi32>
        %add3A_1549 = arith.addi %scan3A_1482, %convert_element_type3A_1548 : vector<16xi32>
        %lt3A_1550 = arith.cmpf olt, %gather3A_1488, %get3A_1304 : vector<16xf32>
        %eq3A_1551 = arith.cmpf oeq, %gather3A_1488, %get3A_1304 : vector<16xf32>
        %lt3A_1552 = arith.cmpi slt, %broadcast_in_dim3A_1487, %add3A_847 : vector<16xi32>
        %and3A_1553 = arith.andi %eq3A_1551, %lt3A_1552 : vector<16xi1>
        %or3A_1554 = arith.ori %lt3A_1550, %and3A_1553 : vector<16xi1>
        %convert_element_type3A_1555 = arith.extui %or3A_1554 : vector<16xi1> to vector<16xi32>
        %add3A_1556 = arith.addi %scan3A_1483, %convert_element_type3A_1555 : vector<16xi32>
        %lt3A_1557 = arith.cmpf olt, %gather3A_1488, %get3A_1306 : vector<16xf32>
        %eq3A_1558 = arith.cmpf oeq, %gather3A_1488, %get3A_1306 : vector<16xf32>
        %lt3A_1559 = arith.cmpi slt, %broadcast_in_dim3A_1487, %add3A_850 : vector<16xi32>
        %and3A_1560 = arith.andi %eq3A_1558, %lt3A_1559 : vector<16xi1>
        %or3A_1561 = arith.ori %lt3A_1557, %and3A_1560 : vector<16xi1>
        %convert_element_type3A_1562 = arith.extui %or3A_1561 : vector<16xi1> to vector<16xi32>
        %add3A_1563 = arith.addi %scan3A_1484, %convert_element_type3A_1562 : vector<16xi32>
        %lt3A_1564 = arith.cmpf olt, %gather3A_1488, %get3A_1308 : vector<16xf32>
        %eq3A_1565 = arith.cmpf oeq, %gather3A_1488, %get3A_1308 : vector<16xf32>
        %lt3A_1566 = arith.cmpi slt, %broadcast_in_dim3A_1487, %add3A_853 : vector<16xi32>
        %and3A_1567 = arith.andi %eq3A_1565, %lt3A_1566 : vector<16xi1>
        %or3A_1568 = arith.ori %lt3A_1564, %and3A_1567 : vector<16xi1>
        %convert_element_type3A_1569 = arith.extui %or3A_1568 : vector<16xi1> to vector<16xi32>
        %add3A_1570 = arith.addi %scan3A_1485, %convert_element_type3A_1569 : vector<16xi32>
        %lt3A_1571 = arith.cmpf olt, %gather3A_1488, %get3A_1310 : vector<16xf32>
        %eq3A_1572 = arith.cmpf oeq, %gather3A_1488, %get3A_1310 : vector<16xf32>
        %lt3A_1573 = arith.cmpi slt, %broadcast_in_dim3A_1487, %add3A_856 : vector<16xi32>
        %and3A_1574 = arith.andi %eq3A_1572, %lt3A_1573 : vector<16xi1>
        %or3A_1575 = arith.ori %lt3A_1571, %and3A_1574 : vector<16xi1>
        %convert_element_type3A_1576 = arith.extui %or3A_1575 : vector<16xi1> to vector<16xi32>
        %add3A_1577 = arith.addi %scan3A_1486, %convert_element_type3A_1576 : vector<16xi32>
        scf.yield %add3A_1493, %add3A_1500, %add3A_1507, %add3A_1514, %add3A_1521, %add3A_1528, %add3A_1535, %add3A_1542, %add3A_1549, %add3A_1556, %add3A_1563, %add3A_1570, %add3A_1577 : vector<16xi32>, vector<16xi32>, vector<16xi32>, vector<16xi32>, vector<16xi32>, vector<16xi32>, vector<16xi32>, vector<16xi32>, vector<16xi32>, vector<16xi32>, vector<16xi32>, vector<16xi32>, vector<16xi32>
      }
      %scan3A_1316 = arith.constant 196 : i32
      %add3A_1317 = arith.constant 196 : i32
      %add3A_1318 = vector.broadcast %add3A_1317 : i32 to vector<16xi32>
      %add3A_1319 = arith.addi %add3A_820, %add3A_1318 : vector<16xi32>
      %lt3A_1320 = arith.constant 196 : i32
      %lt3A_1321 = vector.broadcast %lt3A_1320 : i32 to vector<16xi32>
      %lt3A_1322 = arith.cmpi slt, %add3A_820, %lt3A_1321 : vector<16xi32>
      tpu.vector_store_idx %arg12[%add3A_1319], %scan3A_1315#0 masked %lt3A_1322 : memref<392xi32, #tpu.memory_space<vmem>>[vector<16xi32>], vector<16xi32>, vector<16xi1>
      %add3A_1323 = arith.constant 196 : i32
      %add3A_1324 = vector.broadcast %add3A_1323 : i32 to vector<16xi32>
      %add3A_1325 = arith.addi %scan3A_1315#0, %add3A_1324 : vector<16xi32>
      %lt3A_1326 = arith.constant 196 : i32
      %lt3A_1327 = vector.broadcast %lt3A_1326 : i32 to vector<16xi32>
      %lt3A_1328 = arith.cmpi slt, %scan3A_1315#0, %lt3A_1327 : vector<16xi32>
      tpu.vector_store_idx %arg11[%add3A_1325], %add3A_820 masked %lt3A_1328 : memref<392xi32, #tpu.memory_space<vmem>>[vector<16xi32>], vector<16xi32>, vector<16xi1>
      %add3A_1329 = arith.constant 196 : i32
      %add3A_1330 = vector.broadcast %add3A_1329 : i32 to vector<16xi32>
      %add3A_1331 = arith.addi %add3A_823, %add3A_1330 : vector<16xi32>
      %lt3A_1332 = arith.constant 196 : i32
      %lt3A_1333 = vector.broadcast %lt3A_1332 : i32 to vector<16xi32>
      %lt3A_1334 = arith.cmpi slt, %add3A_823, %lt3A_1333 : vector<16xi32>
      tpu.vector_store_idx %arg12[%add3A_1331], %scan3A_1315#1 masked %lt3A_1334 : memref<392xi32, #tpu.memory_space<vmem>>[vector<16xi32>], vector<16xi32>, vector<16xi1>
      %add3A_1335 = arith.constant 196 : i32
      %add3A_1336 = vector.broadcast %add3A_1335 : i32 to vector<16xi32>
      %add3A_1337 = arith.addi %scan3A_1315#1, %add3A_1336 : vector<16xi32>
      %lt3A_1338 = arith.constant 196 : i32
      %lt3A_1339 = vector.broadcast %lt3A_1338 : i32 to vector<16xi32>
      %lt3A_1340 = arith.cmpi slt, %scan3A_1315#1, %lt3A_1339 : vector<16xi32>
      tpu.vector_store_idx %arg11[%add3A_1337], %add3A_823 masked %lt3A_1340 : memref<392xi32, #tpu.memory_space<vmem>>[vector<16xi32>], vector<16xi32>, vector<16xi1>
      %add3A_1341 = arith.constant 196 : i32
      %add3A_1342 = vector.broadcast %add3A_1341 : i32 to vector<16xi32>
      %add3A_1343 = arith.addi %add3A_826, %add3A_1342 : vector<16xi32>
      %lt3A_1344 = arith.constant 196 : i32
      %lt3A_1345 = vector.broadcast %lt3A_1344 : i32 to vector<16xi32>
      %lt3A_1346 = arith.cmpi slt, %add3A_826, %lt3A_1345 : vector<16xi32>
      tpu.vector_store_idx %arg12[%add3A_1343], %scan3A_1315#2 masked %lt3A_1346 : memref<392xi32, #tpu.memory_space<vmem>>[vector<16xi32>], vector<16xi32>, vector<16xi1>
      %add3A_1347 = arith.constant 196 : i32
      %add3A_1348 = vector.broadcast %add3A_1347 : i32 to vector<16xi32>
      %add3A_1349 = arith.addi %scan3A_1315#2, %add3A_1348 : vector<16xi32>
      %lt3A_1350 = arith.constant 196 : i32
      %lt3A_1351 = vector.broadcast %lt3A_1350 : i32 to vector<16xi32>
      %lt3A_1352 = arith.cmpi slt, %scan3A_1315#2, %lt3A_1351 : vector<16xi32>
      tpu.vector_store_idx %arg11[%add3A_1349], %add3A_826 masked %lt3A_1352 : memref<392xi32, #tpu.memory_space<vmem>>[vector<16xi32>], vector<16xi32>, vector<16xi1>
      %add3A_1353 = arith.constant 196 : i32
      %add3A_1354 = vector.broadcast %add3A_1353 : i32 to vector<16xi32>
      %add3A_1355 = arith.addi %add3A_829, %add3A_1354 : vector<16xi32>
      %lt3A_1356 = arith.constant 196 : i32
      %lt3A_1357 = vector.broadcast %lt3A_1356 : i32 to vector<16xi32>
      %lt3A_1358 = arith.cmpi slt, %add3A_829, %lt3A_1357 : vector<16xi32>
      tpu.vector_store_idx %arg12[%add3A_1355], %scan3A_1315#3 masked %lt3A_1358 : memref<392xi32, #tpu.memory_space<vmem>>[vector<16xi32>], vector<16xi32>, vector<16xi1>
      %add3A_1359 = arith.constant 196 : i32
      %add3A_1360 = vector.broadcast %add3A_1359 : i32 to vector<16xi32>
      %add3A_1361 = arith.addi %scan3A_1315#3, %add3A_1360 : vector<16xi32>
      %lt3A_1362 = arith.constant 196 : i32
      %lt3A_1363 = vector.broadcast %lt3A_1362 : i32 to vector<16xi32>
      %lt3A_1364 = arith.cmpi slt, %scan3A_1315#3, %lt3A_1363 : vector<16xi32>
      tpu.vector_store_idx %arg11[%add3A_1361], %add3A_829 masked %lt3A_1364 : memref<392xi32, #tpu.memory_space<vmem>>[vector<16xi32>], vector<16xi32>, vector<16xi1>
      %add3A_1365 = arith.constant 196 : i32
      %add3A_1366 = vector.broadcast %add3A_1365 : i32 to vector<16xi32>
      %add3A_1367 = arith.addi %add3A_832, %add3A_1366 : vector<16xi32>
      %lt3A_1368 = arith.constant 196 : i32
      %lt3A_1369 = vector.broadcast %lt3A_1368 : i32 to vector<16xi32>
      %lt3A_1370 = arith.cmpi slt, %add3A_832, %lt3A_1369 : vector<16xi32>
      tpu.vector_store_idx %arg12[%add3A_1367], %scan3A_1315#4 masked %lt3A_1370 : memref<392xi32, #tpu.memory_space<vmem>>[vector<16xi32>], vector<16xi32>, vector<16xi1>
      %add3A_1371 = arith.constant 196 : i32
      %add3A_1372 = vector.broadcast %add3A_1371 : i32 to vector<16xi32>
      %add3A_1373 = arith.addi %scan3A_1315#4, %add3A_1372 : vector<16xi32>
      %lt3A_1374 = arith.constant 196 : i32
      %lt3A_1375 = vector.broadcast %lt3A_1374 : i32 to vector<16xi32>
      %lt3A_1376 = arith.cmpi slt, %scan3A_1315#4, %lt3A_1375 : vector<16xi32>
      tpu.vector_store_idx %arg11[%add3A_1373], %add3A_832 masked %lt3A_1376 : memref<392xi32, #tpu.memory_space<vmem>>[vector<16xi32>], vector<16xi32>, vector<16xi1>
      %add3A_1377 = arith.constant 196 : i32
      %add3A_1378 = vector.broadcast %add3A_1377 : i32 to vector<16xi32>
      %add3A_1379 = arith.addi %add3A_835, %add3A_1378 : vector<16xi32>
      %lt3A_1380 = arith.constant 196 : i32
      %lt3A_1381 = vector.broadcast %lt3A_1380 : i32 to vector<16xi32>
      %lt3A_1382 = arith.cmpi slt, %add3A_835, %lt3A_1381 : vector<16xi32>
      tpu.vector_store_idx %arg12[%add3A_1379], %scan3A_1315#5 masked %lt3A_1382 : memref<392xi32, #tpu.memory_space<vmem>>[vector<16xi32>], vector<16xi32>, vector<16xi1>
      %add3A_1383 = arith.constant 196 : i32
      %add3A_1384 = vector.broadcast %add3A_1383 : i32 to vector<16xi32>
      %add3A_1385 = arith.addi %scan3A_1315#5, %add3A_1384 : vector<16xi32>
      %lt3A_1386 = arith.constant 196 : i32
      %lt3A_1387 = vector.broadcast %lt3A_1386 : i32 to vector<16xi32>
      %lt3A_1388 = arith.cmpi slt, %scan3A_1315#5, %lt3A_1387 : vector<16xi32>
      tpu.vector_store_idx %arg11[%add3A_1385], %add3A_835 masked %lt3A_1388 : memref<392xi32, #tpu.memory_space<vmem>>[vector<16xi32>], vector<16xi32>, vector<16xi1>
      %add3A_1389 = arith.constant 196 : i32
      %add3A_1390 = vector.broadcast %add3A_1389 : i32 to vector<16xi32>
      %add3A_1391 = arith.addi %add3A_838, %add3A_1390 : vector<16xi32>
      %lt3A_1392 = arith.constant 196 : i32
      %lt3A_1393 = vector.broadcast %lt3A_1392 : i32 to vector<16xi32>
      %lt3A_1394 = arith.cmpi slt, %add3A_838, %lt3A_1393 : vector<16xi32>
      tpu.vector_store_idx %arg12[%add3A_1391], %scan3A_1315#6 masked %lt3A_1394 : memref<392xi32, #tpu.memory_space<vmem>>[vector<16xi32>], vector<16xi32>, vector<16xi1>
      %add3A_1395 = arith.constant 196 : i32
      %add3A_1396 = vector.broadcast %add3A_1395 : i32 to vector<16xi32>
      %add3A_1397 = arith.addi %scan3A_1315#6, %add3A_1396 : vector<16xi32>
      %lt3A_1398 = arith.constant 196 : i32
      %lt3A_1399 = vector.broadcast %lt3A_1398 : i32 to vector<16xi32>
      %lt3A_1400 = arith.cmpi slt, %scan3A_1315#6, %lt3A_1399 : vector<16xi32>
      tpu.vector_store_idx %arg11[%add3A_1397], %add3A_838 masked %lt3A_1400 : memref<392xi32, #tpu.memory_space<vmem>>[vector<16xi32>], vector<16xi32>, vector<16xi1>
      %add3A_1401 = arith.constant 196 : i32
      %add3A_1402 = vector.broadcast %add3A_1401 : i32 to vector<16xi32>
      %add3A_1403 = arith.addi %add3A_841, %add3A_1402 : vector<16xi32>
      %lt3A_1404 = arith.constant 196 : i32
      %lt3A_1405 = vector.broadcast %lt3A_1404 : i32 to vector<16xi32>
      %lt3A_1406 = arith.cmpi slt, %add3A_841, %lt3A_1405 : vector<16xi32>
      tpu.vector_store_idx %arg12[%add3A_1403], %scan3A_1315#7 masked %lt3A_1406 : memref<392xi32, #tpu.memory_space<vmem>>[vector<16xi32>], vector<16xi32>, vector<16xi1>
      %add3A_1407 = arith.constant 196 : i32
      %add3A_1408 = vector.broadcast %add3A_1407 : i32 to vector<16xi32>
      %add3A_1409 = arith.addi %scan3A_1315#7, %add3A_1408 : vector<16xi32>
      %lt3A_1410 = arith.constant 196 : i32
      %lt3A_1411 = vector.broadcast %lt3A_1410 : i32 to vector<16xi32>
      %lt3A_1412 = arith.cmpi slt, %scan3A_1315#7, %lt3A_1411 : vector<16xi32>
      tpu.vector_store_idx %arg11[%add3A_1409], %add3A_841 masked %lt3A_1412 : memref<392xi32, #tpu.memory_space<vmem>>[vector<16xi32>], vector<16xi32>, vector<16xi1>
      %add3A_1413 = arith.constant 196 : i32
      %add3A_1414 = vector.broadcast %add3A_1413 : i32 to vector<16xi32>
      %add3A_1415 = arith.addi %add3A_844, %add3A_1414 : vector<16xi32>
      %lt3A_1416 = arith.constant 196 : i32
      %lt3A_1417 = vector.broadcast %lt3A_1416 : i32 to vector<16xi32>
      %lt3A_1418 = arith.cmpi slt, %add3A_844, %lt3A_1417 : vector<16xi32>
      tpu.vector_store_idx %arg12[%add3A_1415], %scan3A_1315#8 masked %lt3A_1418 : memref<392xi32, #tpu.memory_space<vmem>>[vector<16xi32>], vector<16xi32>, vector<16xi1>
      %add3A_1419 = arith.constant 196 : i32
      %add3A_1420 = vector.broadcast %add3A_1419 : i32 to vector<16xi32>
      %add3A_1421 = arith.addi %scan3A_1315#8, %add3A_1420 : vector<16xi32>
      %lt3A_1422 = arith.constant 196 : i32
      %lt3A_1423 = vector.broadcast %lt3A_1422 : i32 to vector<16xi32>
      %lt3A_1424 = arith.cmpi slt, %scan3A_1315#8, %lt3A_1423 : vector<16xi32>
      tpu.vector_store_idx %arg11[%add3A_1421], %add3A_844 masked %lt3A_1424 : memref<392xi32, #tpu.memory_space<vmem>>[vector<16xi32>], vector<16xi32>, vector<16xi1>
      %add3A_1425 = arith.constant 196 : i32
      %add3A_1426 = vector.broadcast %add3A_1425 : i32 to vector<16xi32>
      %add3A_1427 = arith.addi %add3A_847, %add3A_1426 : vector<16xi32>
      %lt3A_1428 = arith.constant 196 : i32
      %lt3A_1429 = vector.broadcast %lt3A_1428 : i32 to vector<16xi32>
      %lt3A_1430 = arith.cmpi slt, %add3A_847, %lt3A_1429 : vector<16xi32>
      tpu.vector_store_idx %arg12[%add3A_1427], %scan3A_1315#9 masked %lt3A_1430 : memref<392xi32, #tpu.memory_space<vmem>>[vector<16xi32>], vector<16xi32>, vector<16xi1>
      %add3A_1431 = arith.constant 196 : i32
      %add3A_1432 = vector.broadcast %add3A_1431 : i32 to vector<16xi32>
      %add3A_1433 = arith.addi %scan3A_1315#9, %add3A_1432 : vector<16xi32>
      %lt3A_1434 = arith.constant 196 : i32
      %lt3A_1435 = vector.broadcast %lt3A_1434 : i32 to vector<16xi32>
      %lt3A_1436 = arith.cmpi slt, %scan3A_1315#9, %lt3A_1435 : vector<16xi32>
      tpu.vector_store_idx %arg11[%add3A_1433], %add3A_847 masked %lt3A_1436 : memref<392xi32, #tpu.memory_space<vmem>>[vector<16xi32>], vector<16xi32>, vector<16xi1>
      %add3A_1437 = arith.constant 196 : i32
      %add3A_1438 = vector.broadcast %add3A_1437 : i32 to vector<16xi32>
      %add3A_1439 = arith.addi %add3A_850, %add3A_1438 : vector<16xi32>
      %lt3A_1440 = arith.constant 196 : i32
      %lt3A_1441 = vector.broadcast %lt3A_1440 : i32 to vector<16xi32>
      %lt3A_1442 = arith.cmpi slt, %add3A_850, %lt3A_1441 : vector<16xi32>
      tpu.vector_store_idx %arg12[%add3A_1439], %scan3A_1315#10 masked %lt3A_1442 : memref<392xi32, #tpu.memory_space<vmem>>[vector<16xi32>], vector<16xi32>, vector<16xi1>
      %add3A_1443 = arith.constant 196 : i32
      %add3A_1444 = vector.broadcast %add3A_1443 : i32 to vector<16xi32>
      %add3A_1445 = arith.addi %scan3A_1315#10, %add3A_1444 : vector<16xi32>
      %lt3A_1446 = arith.constant 196 : i32
      %lt3A_1447 = vector.broadcast %lt3A_1446 : i32 to vector<16xi32>
      %lt3A_1448 = arith.cmpi slt, %scan3A_1315#10, %lt3A_1447 : vector<16xi32>
      tpu.vector_store_idx %arg11[%add3A_1445], %add3A_850 masked %lt3A_1448 : memref<392xi32, #tpu.memory_space<vmem>>[vector<16xi32>], vector<16xi32>, vector<16xi1>
      %add3A_1449 = arith.constant 196 : i32
      %add3A_1450 = vector.broadcast %add3A_1449 : i32 to vector<16xi32>
      %add3A_1451 = arith.addi %add3A_853, %add3A_1450 : vector<16xi32>
      %lt3A_1452 = arith.constant 196 : i32
      %lt3A_1453 = vector.broadcast %lt3A_1452 : i32 to vector<16xi32>
      %lt3A_1454 = arith.cmpi slt, %add3A_853, %lt3A_1453 : vector<16xi32>
      tpu.vector_store_idx %arg12[%add3A_1451], %scan3A_1315#11 masked %lt3A_1454 : memref<392xi32, #tpu.memory_space<vmem>>[vector<16xi32>], vector<16xi32>, vector<16xi1>
      %add3A_1455 = arith.constant 196 : i32
      %add3A_1456 = vector.broadcast %add3A_1455 : i32 to vector<16xi32>
      %add3A_1457 = arith.addi %scan3A_1315#11, %add3A_1456 : vector<16xi32>
      %lt3A_1458 = arith.constant 196 : i32
      %lt3A_1459 = vector.broadcast %lt3A_1458 : i32 to vector<16xi32>
      %lt3A_1460 = arith.cmpi slt, %scan3A_1315#11, %lt3A_1459 : vector<16xi32>
      tpu.vector_store_idx %arg11[%add3A_1457], %add3A_853 masked %lt3A_1460 : memref<392xi32, #tpu.memory_space<vmem>>[vector<16xi32>], vector<16xi32>, vector<16xi1>
      %add3A_1461 = arith.constant 196 : i32
      %add3A_1462 = vector.broadcast %add3A_1461 : i32 to vector<16xi32>
      %add3A_1463 = arith.addi %add3A_856, %add3A_1462 : vector<16xi32>
      %lt3A_1464 = arith.constant 196 : i32
      %lt3A_1465 = vector.broadcast %lt3A_1464 : i32 to vector<16xi32>
      %lt3A_1466 = arith.cmpi slt, %add3A_856, %lt3A_1465 : vector<16xi32>
      tpu.vector_store_idx %arg12[%add3A_1463], %scan3A_1315#12 masked %lt3A_1466 : memref<392xi32, #tpu.memory_space<vmem>>[vector<16xi32>], vector<16xi32>, vector<16xi1>
      %add3A_1467 = arith.constant 196 : i32
      %add3A_1468 = vector.broadcast %add3A_1467 : i32 to vector<16xi32>
      %add3A_1469 = arith.addi %scan3A_1315#12, %add3A_1468 : vector<16xi32>
      %lt3A_1470 = arith.constant 196 : i32
      %lt3A_1471 = vector.broadcast %lt3A_1470 : i32 to vector<16xi32>
      %lt3A_1472 = arith.cmpi slt, %scan3A_1315#12, %lt3A_1471 : vector<16xi32>
      tpu.vector_store_idx %arg11[%add3A_1469], %add3A_856 masked %lt3A_1472 : memref<392xi32, #tpu.memory_space<vmem>>[vector<16xi32>], vector<16xi32>, vector<16xi1>
    } else {
    }
    %add3A_1136 = arith.constant -1 : i32
    %add3A_1137 = vector.broadcast %add3A_1136 : i32 to vector<16xi32>
    %add3A_1138 = arith.addi %iota3A, %add3A_1137 : vector<16xi32>
    %max3A_1139 = arith.constant 0 : i32
    %max3A_1140 = vector.broadcast %max3A_1139 : i32 to vector<16xi32>
    %max3A_1141 = arith.maxsi %add3A_1138, %max3A_1140 : vector<16xi32>
    %add3A_1142 = arith.constant 196 : i32
    %add3A_1143 = vector.broadcast %add3A_1142 : i32 to vector<16xi32>
    %add3A_1144 = arith.addi %max3A_1141, %add3A_1143 : vector<16xi32>
    %gather3A_1145 = tpu.vector_load_idx %arg11[%add3A_1144] : memref<392xi32, #tpu.memory_space<vmem>>[vector<16xi32>], vector<16xi32>,
    %add3A_1146 = arith.constant 1 : i32
    %add3A_1147 = vector.broadcast %add3A_1146 : i32 to vector<16xi32>
    %add3A_1148 = arith.addi %gather3A_1145, %add3A_1147 : vector<16xi32>
    %mul3A_1149 = arith.constant 64 : i32
    %mul3A_1150 = vector.broadcast %mul3A_1149 : i32 to vector<16xi32>
    %mul3A_1151 = arith.muli %add3A_1148, %mul3A_1150 : vector<16xi32>
    %add3A_1152 = vector.broadcast %add3A_629 : i32 to vector<16xi32>
    %add3A_1153 = arith.addi %mul3A_1151, %add3A_1152 : vector<16xi32>
    %eq3A_1154 = arith.constant 0 : i32
    %eq3A_1155 = vector.broadcast %eq3A_1154 : i32 to vector<16xi32>
    %eq3A_1156 = arith.cmpi eq, %iota3A, %eq3A_1155 : vector<16xi32>
    %broadcast_in_dim3A_1157 = vector.broadcast %add3A_629 : i32 to vector<16xi32>
    %select_n3A_1158 = arith.select %eq3A_1156, %broadcast_in_dim3A_1157, %add3A_1153 : vector<16xi1>, vector<16xi32>
    %add3A_1159 = arith.constant 0 : i32
    %add3A_1160 = vector.broadcast %add3A_1159 : i32 to vector<16xi32>
    %add3A_1161 = arith.addi %iota3A, %add3A_1160 : vector<16xi32>
    %lt3A_1162 = arith.constant 50 : i32
    %lt3A_1163 = vector.broadcast %lt3A_1162 : i32 to vector<16xi32>
    %lt3A_1164 = arith.cmpi slt, %add3A_1161, %lt3A_1163 : vector<16xi32>
    tpu.vector_store_idx %arg15[%add3A_1161], %select_n3A_1158 masked %lt3A_1164 : memref<50xi32, #tpu.memory_space<vmem>>[vector<16xi32>], vector<16xi32>, vector<16xi1>
    %mul3A_1165 = arith.constant 64 : i32
    %mul3A_1166 = vector.broadcast %mul3A_1165 : i32 to vector<16xi32>
    %mul3A_1167 = arith.muli %add3A_1161, %mul3A_1166 : vector<16xi32>
    %add3A_1168 = vector.broadcast %add3A_629 : i32 to vector<16xi32>
    %add3A_1169 = arith.addi %mul3A_1167, %add3A_1168 : vector<16xi32>
    tpu.vector_store_idx %arg16[%add3A_1161], %add3A_1169 masked %lt3A_1164 : memref<50xi32, #tpu.memory_space<vmem>>[vector<16xi32>], vector<16xi32>, vector<16xi1>
    %add3A_1170 = arith.constant 15 : i32
    %add3A_1171 = vector.broadcast %add3A_1170 : i32 to vector<16xi32>
    %add3A_1172 = arith.addi %iota3A, %add3A_1171 : vector<16xi32>
    %max3A_1173 = arith.constant 0 : i32
    %max3A_1174 = vector.broadcast %max3A_1173 : i32 to vector<16xi32>
    %max3A_1175 = arith.maxsi %add3A_1172, %max3A_1174 : vector<16xi32>
    %add3A_1176 = arith.constant 196 : i32
    %add3A_1177 = vector.broadcast %add3A_1176 : i32 to vector<16xi32>
    %add3A_1178 = arith.addi %max3A_1175, %add3A_1177 : vector<16xi32>
    %gather3A_1179 = tpu.vector_load_idx %arg11[%add3A_1178] : memref<392xi32, #tpu.memory_space<vmem>>[vector<16xi32>], vector<16xi32>,
    %add3A_1180 = arith.constant 1 : i32
    %add3A_1181 = vector.broadcast %add3A_1180 : i32 to vector<16xi32>
    %add3A_1182 = arith.addi %gather3A_1179, %add3A_1181 : vector<16xi32>
    %mul3A_1183 = arith.constant 64 : i32
    %mul3A_1184 = vector.broadcast %mul3A_1183 : i32 to vector<16xi32>
    %mul3A_1185 = arith.muli %add3A_1182, %mul3A_1184 : vector<16xi32>
    %add3A_1186 = vector.broadcast %add3A_629 : i32 to vector<16xi32>
    %add3A_1187 = arith.addi %mul3A_1185, %add3A_1186 : vector<16xi32>
    %add3A_1188 = arith.constant 16 : i32
    %add3A_1189 = vector.broadcast %add3A_1188 : i32 to vector<16xi32>
    %add3A_1190 = arith.addi %iota3A, %add3A_1189 : vector<16xi32>
    %lt3A_1191 = arith.constant 50 : i32
    %lt3A_1192 = vector.broadcast %lt3A_1191 : i32 to vector<16xi32>
    %lt3A_1193 = arith.cmpi slt, %add3A_1190, %lt3A_1192 : vector<16xi32>
    tpu.vector_store_idx %arg15[%add3A_1190], %add3A_1187 masked %lt3A_1193 : memref<50xi32, #tpu.memory_space<vmem>>[vector<16xi32>], vector<16xi32>, vector<16xi1>
    %mul3A_1194 = arith.constant 64 : i32
    %mul3A_1195 = vector.broadcast %mul3A_1194 : i32 to vector<16xi32>
    %mul3A_1196 = arith.muli %add3A_1190, %mul3A_1195 : vector<16xi32>
    %add3A_1197 = vector.broadcast %add3A_629 : i32 to vector<16xi32>
    %add3A_1198 = arith.addi %mul3A_1196, %add3A_1197 : vector<16xi32>
    tpu.vector_store_idx %arg16[%add3A_1190], %add3A_1198 masked %lt3A_1193 : memref<50xi32, #tpu.memory_space<vmem>>[vector<16xi32>], vector<16xi32>, vector<16xi1>
    %add3A_1199 = arith.constant 31 : i32
    %add3A_1200 = vector.broadcast %add3A_1199 : i32 to vector<16xi32>
    %add3A_1201 = arith.addi %iota3A, %add3A_1200 : vector<16xi32>
    %max3A_1202 = arith.constant 0 : i32
    %max3A_1203 = vector.broadcast %max3A_1202 : i32 to vector<16xi32>
    %max3A_1204 = arith.maxsi %add3A_1201, %max3A_1203 : vector<16xi32>
    %add3A_1205 = arith.constant 196 : i32
    %add3A_1206 = vector.broadcast %add3A_1205 : i32 to vector<16xi32>
    %add3A_1207 = arith.addi %max3A_1204, %add3A_1206 : vector<16xi32>
    %gather3A_1208 = tpu.vector_load_idx %arg11[%add3A_1207] : memref<392xi32, #tpu.memory_space<vmem>>[vector<16xi32>], vector<16xi32>,
    %add3A_1209 = arith.constant 1 : i32
    %add3A_1210 = vector.broadcast %add3A_1209 : i32 to vector<16xi32>
    %add3A_1211 = arith.addi %gather3A_1208, %add3A_1210 : vector<16xi32>
    %mul3A_1212 = arith.constant 64 : i32
    %mul3A_1213 = vector.broadcast %mul3A_1212 : i32 to vector<16xi32>
    %mul3A_1214 = arith.muli %add3A_1211, %mul3A_1213 : vector<16xi32>
    %add3A_1215 = vector.broadcast %add3A_629 : i32 to vector<16xi32>
    %add3A_1216 = arith.addi %mul3A_1214, %add3A_1215 : vector<16xi32>
    %add3A_1217 = arith.constant 32 : i32
    %add3A_1218 = vector.broadcast %add3A_1217 : i32 to vector<16xi32>
    %add3A_1219 = arith.addi %iota3A, %add3A_1218 : vector<16xi32>
    %lt3A_1220 = arith.constant 50 : i32
    %lt3A_1221 = vector.broadcast %lt3A_1220 : i32 to vector<16xi32>
    %lt3A_1222 = arith.cmpi slt, %add3A_1219, %lt3A_1221 : vector<16xi32>
    tpu.vector_store_idx %arg15[%add3A_1219], %add3A_1216 masked %lt3A_1222 : memref<50xi32, #tpu.memory_space<vmem>>[vector<16xi32>], vector<16xi32>, vector<16xi1>
    %mul3A_1223 = arith.constant 64 : i32
    %mul3A_1224 = vector.broadcast %mul3A_1223 : i32 to vector<16xi32>
    %mul3A_1225 = arith.muli %add3A_1219, %mul3A_1224 : vector<16xi32>
    %add3A_1226 = vector.broadcast %add3A_629 : i32 to vector<16xi32>
    %add3A_1227 = arith.addi %mul3A_1225, %add3A_1226 : vector<16xi32>
    tpu.vector_store_idx %arg16[%add3A_1219], %add3A_1227 masked %lt3A_1222 : memref<50xi32, #tpu.memory_space<vmem>>[vector<16xi32>], vector<16xi32>, vector<16xi1>
    %add3A_1228 = arith.constant 47 : i32
    %add3A_1229 = vector.broadcast %add3A_1228 : i32 to vector<16xi32>
    %add3A_1230 = arith.addi %iota3A, %add3A_1229 : vector<16xi32>
    %max3A_1231 = arith.constant 0 : i32
    %max3A_1232 = vector.broadcast %max3A_1231 : i32 to vector<16xi32>
    %max3A_1233 = arith.maxsi %add3A_1230, %max3A_1232 : vector<16xi32>
    %add3A_1234 = arith.constant 196 : i32
    %add3A_1235 = vector.broadcast %add3A_1234 : i32 to vector<16xi32>
    %add3A_1236 = arith.addi %max3A_1233, %add3A_1235 : vector<16xi32>
    %gather3A_1237 = tpu.vector_load_idx %arg11[%add3A_1236] : memref<392xi32, #tpu.memory_space<vmem>>[vector<16xi32>], vector<16xi32>,
    %add3A_1238 = arith.constant 1 : i32
    %add3A_1239 = vector.broadcast %add3A_1238 : i32 to vector<16xi32>
    %add3A_1240 = arith.addi %gather3A_1237, %add3A_1239 : vector<16xi32>
    %mul3A_1241 = arith.constant 64 : i32
    %mul3A_1242 = vector.broadcast %mul3A_1241 : i32 to vector<16xi32>
    %mul3A_1243 = arith.muli %add3A_1240, %mul3A_1242 : vector<16xi32>
    %add3A_1244 = vector.broadcast %add3A_629 : i32 to vector<16xi32>
    %add3A_1245 = arith.addi %mul3A_1243, %add3A_1244 : vector<16xi32>
    %add3A_1246 = arith.constant 48 : i32
    %add3A_1247 = vector.broadcast %add3A_1246 : i32 to vector<16xi32>
    %add3A_1248 = arith.addi %iota3A, %add3A_1247 : vector<16xi32>
    %lt3A_1249 = arith.constant 50 : i32
    %lt3A_1250 = vector.broadcast %lt3A_1249 : i32 to vector<16xi32>
    %lt3A_1251 = arith.cmpi slt, %add3A_1248, %lt3A_1250 : vector<16xi32>
    tpu.vector_store_idx %arg15[%add3A_1248], %add3A_1245 masked %lt3A_1251 : memref<50xi32, #tpu.memory_space<vmem>>[vector<16xi32>], vector<16xi32>, vector<16xi1>
    %mul3A_1252 = arith.constant 64 : i32
    %mul3A_1253 = vector.broadcast %mul3A_1252 : i32 to vector<16xi32>
    %mul3A_1254 = arith.muli %add3A_1248, %mul3A_1253 : vector<16xi32>
    %add3A_1255 = vector.broadcast %add3A_629 : i32 to vector<16xi32>
    %add3A_1256 = arith.addi %mul3A_1254, %add3A_1255 : vector<16xi32>
    tpu.vector_store_idx %arg16[%add3A_1248], %add3A_1256 masked %lt3A_1251 : memref<50xi32, #tpu.memory_space<vmem>>[vector<16xi32>], vector<16xi32>, vector<16xi1>
    %dma_start3A_1257 = arith.constant 0 : i32
    %dma_start3A_1258 = arith.constant 0 : i32
    %dma_start3A_1259 = tpu.memref_slice %arg2[%dma_start3A_1257, %dma_start3A_1258] : memref<12608x768xf32, #tpu.memory_space<hbm>> -> memref<12608x768xf32, #tpu.memory_space<hbm>>
    tpu.enqueue_indirect_dma source(%dma_start3A_1259 : memref<12608x768xf32, #tpu.memory_space<hbm>>) target(%arg18 : memref<50x768xf32, #tpu.memory_space<vmem>>) offsets(%arg15 : memref<50xi32, #tpu.memory_space<vmem>>) semaphore(%arg20 : memref<!tpu.dma_semaphore, #tpu.memory_space<semaphore_mem>>)
    %dma_wait3A = arith.constant 0 : i32
    %dma_wait3A_1260 = arith.constant 0 : i32
    %dma_wait3A_1261 = tpu.memref_slice %arg2[%dma_wait3A, %dma_wait3A_1260] : memref<12608x768xf32, #tpu.memory_space<hbm>> -> memref<12608x768xf32, #tpu.memory_space<hbm>>
    tpu.wait_indirect_dma semaphore(%arg19 : memref<!tpu.dma_semaphore, #tpu.memory_space<semaphore_mem>>) src(%dma_wait3A_1261 : memref<12608x768xf32, #tpu.memory_space<hbm>>) dst(%arg17 : memref<50x768xf32, #tpu.memory_space<vmem>>)
    %dma_start3A_1262 = arith.constant 0 : i32
    %dma_start3A_1263 = arith.constant 0 : i32
    %dma_start3A_1264 = tpu.memref_slice %arg4[%dma_start3A_1262, %dma_start3A_1263] : memref<3200x768xf32, #tpu.memory_space<hbm>> -> memref<3200x768xf32, #tpu.memory_space<hbm>>
    tpu.enqueue_indirect_dma source(%arg17 : memref<50x768xf32, #tpu.memory_space<vmem>>) target(%dma_start3A_1264 : memref<3200x768xf32, #tpu.memory_space<hbm>>) offsets(%arg14 : memref<50xi32, #tpu.memory_space<vmem>>) semaphore(%arg21 : memref<!tpu.dma_semaphore, #tpu.memory_space<semaphore_mem>>)
    %dma_wait3A_1265 = arith.constant 0 : i32
    %dma_wait3A_1266 = arith.constant 0 : i32
    %dma_wait3A_1267 = tpu.memref_slice %arg2[%dma_wait3A_1265, %dma_wait3A_1266] : memref<12608x768xf32, #tpu.memory_space<hbm>> -> memref<12608x768xf32, #tpu.memory_space<hbm>>
    tpu.wait_indirect_dma semaphore(%arg20 : memref<!tpu.dma_semaphore, #tpu.memory_space<semaphore_mem>>) src(%dma_wait3A_1267 : memref<12608x768xf32, #tpu.memory_space<hbm>>) dst(%arg18 : memref<50x768xf32, #tpu.memory_space<vmem>>)
    %dma_start3A_1268 = arith.constant 0 : i32
    %dma_start3A_1269 = arith.constant 0 : i32
    %dma_start3A_1270 = tpu.memref_slice %arg4[%dma_start3A_1268, %dma_start3A_1269] : memref<3200x768xf32, #tpu.memory_space<hbm>> -> memref<3200x768xf32, #tpu.memory_space<hbm>>
    tpu.enqueue_indirect_dma source(%arg18 : memref<50x768xf32, #tpu.memory_space<vmem>>) target(%dma_start3A_1270 : memref<3200x768xf32, #tpu.memory_space<hbm>>) offsets(%arg16 : memref<50xi32, #tpu.memory_space<vmem>>) semaphore(%arg22 : memref<!tpu.dma_semaphore, #tpu.memory_space<semaphore_mem>>)
    %mul3A_1271 = arith.constant 2 : i32
    %mul3A_1272 = arith.muli %add3A, %mul3A_1271 : i32
    %mul3A_1273 = arith.constant 196 : i32
    %mul3A_1274 = arith.muli %mul3A_1272, %mul3A_1273 : i32
    "tpu.region"() ({
      %run_scoped3A = tpu.sem_alloc : memref<!tpu.dma_semaphore, #tpu.memory_space<semaphore_mem>>
      %dma_start3A_1285 = tpu.memref_slice %arg5[%mul3A_1274] : memref<12544xi32, #tpu.memory_space<hbm>> -> memref<392xi32, #tpu.memory_space<hbm>>
      %dma_start3A_1286 = tpu.memref_slice %arg5[%mul3A_1274] : memref<12544xi32, #tpu.memory_space<hbm>> -> memref<392xi32, #tpu.memory_space<hbm>>
      tpu.enqueue_dma source(%arg11 : memref<392xi32, #tpu.memory_space<vmem>>) target(%dma_start3A_1286 : memref<392xi32, #tpu.memory_space<hbm>>) target_semaphore(%run_scoped3A : memref<!tpu.dma_semaphore, #tpu.memory_space<semaphore_mem>>)
      %dma_wait3A_1287 = tpu.memref_slice %arg5[%mul3A_1274] : memref<12544xi32, #tpu.memory_space<hbm>> -> memref<392xi32, #tpu.memory_space<hbm>>
      %dma_wait3A_1288 = tpu.memref_slice %arg5[%mul3A_1274] : memref<12544xi32, #tpu.memory_space<hbm>> -> memref<392xi32, #tpu.memory_space<hbm>>
      tpu.wait_dma2 semaphore(%run_scoped3A : memref<!tpu.dma_semaphore, #tpu.memory_space<semaphore_mem>>) src(%arg11 : memref<392xi32, #tpu.memory_space<vmem>>) dst(%dma_wait3A_1288 : memref<392xi32, #tpu.memory_space<hbm>>)
      tpu.yield
    }) : () -> ()
    %mul3A_1275 = arith.constant 2 : i32
    %mul3A_1276 = arith.muli %add3A, %mul3A_1275 : i32
    %mul3A_1277 = arith.constant 196 : i32
    %mul3A_1278 = arith.muli %mul3A_1276, %mul3A_1277 : i32
    "tpu.region"() ({
      %run_scoped3A = tpu.sem_alloc : memref<!tpu.dma_semaphore, #tpu.memory_space<semaphore_mem>>
      %dma_start3A_1285 = tpu.memref_slice %arg6[%mul3A_1278] : memref<12544xi32, #tpu.memory_space<hbm>> -> memref<392xi32, #tpu.memory_space<hbm>>
      %dma_start3A_1286 = tpu.memref_slice %arg6[%mul3A_1278] : memref<12544xi32, #tpu.memory_space<hbm>> -> memref<392xi32, #tpu.memory_space<hbm>>
      tpu.enqueue_dma source(%arg12 : memref<392xi32, #tpu.memory_space<vmem>>) target(%dma_start3A_1286 : memref<392xi32, #tpu.memory_space<hbm>>) target_semaphore(%run_scoped3A : memref<!tpu.dma_semaphore, #tpu.memory_space<semaphore_mem>>)
      %dma_wait3A_1287 = tpu.memref_slice %arg6[%mul3A_1278] : memref<12544xi32, #tpu.memory_space<hbm>> -> memref<392xi32, #tpu.memory_space<hbm>>
      %dma_wait3A_1288 = tpu.memref_slice %arg6[%mul3A_1278] : memref<12544xi32, #tpu.memory_space<hbm>> -> memref<392xi32, #tpu.memory_space<hbm>>
      tpu.wait_dma2 semaphore(%run_scoped3A : memref<!tpu.dma_semaphore, #tpu.memory_space<semaphore_mem>>) src(%arg12 : memref<392xi32, #tpu.memory_space<vmem>>) dst(%dma_wait3A_1288 : memref<392xi32, #tpu.memory_space<hbm>>)
      tpu.yield
    }) : () -> ()
    %dma_wait3A_1279 = arith.constant 0 : i32
    %dma_wait3A_1280 = arith.constant 0 : i32
    %dma_wait3A_1281 = tpu.memref_slice %arg4[%dma_wait3A_1279, %dma_wait3A_1280] : memref<3200x768xf32, #tpu.memory_space<hbm>> -> memref<3200x768xf32, #tpu.memory_space<hbm>>
    tpu.wait_indirect_dma semaphore(%arg21 : memref<!tpu.dma_semaphore, #tpu.memory_space<semaphore_mem>>) src(%arg17 : memref<50x768xf32, #tpu.memory_space<vmem>>) dst(%dma_wait3A_1281 : memref<3200x768xf32, #tpu.memory_space<hbm>>)
    %dma_wait3A_1282 = arith.constant 0 : i32
    %dma_wait3A_1283 = arith.constant 0 : i32
    %dma_wait3A_1284 = tpu.memref_slice %arg4[%dma_wait3A_1282, %dma_wait3A_1283] : memref<3200x768xf32, #tpu.memory_space<hbm>> -> memref<3200x768xf32, #tpu.memory_space<hbm>>
    tpu.wait_indirect_dma semaphore(%arg22 : memref<!tpu.dma_semaphore, #tpu.memory_space<semaphore_mem>>) src(%arg18 : memref<50x768xf32, #tpu.memory_space<vmem>>) dst(%dma_wait3A_1284 : memref<3200x768xf32, #tpu.memory_space<hbm>>)
    return
  }
}

</mosaic_0001>

<sc_bundles>
// kernel: kernel.3.cloned.1.call-start
scs
__scs_entry_jumppad:
0x0: {  	(pc) =	sbr.rel $0x88, $3  }
0x1: {  	(tag) =	ssettag $0x0;
	lr =	simm.s32 $0x1  }
0x2: {  	[smem:$0x3F9F] =	sst lr;
	_ =	strace $0xD0000000  }
0x3: {  	_ = 	snop  }
0x4: {  	_ = 	snop  }
0x5: {  	_ = 	snop  }
0x6: {  	_ = 	snop  }
0x7: {  	_ = 	snop  }
__scs_overlays_trampoline_lowered:
0x8: {  	[smem:$0x3FAE] =	sst s0  }
0x9: {  	[smem:$0x3FAF] =	sst s1  }
0xa: {  	[smem:$0x3FB0] =	sst s2  }
0xb: {  	[smem:$0x3FB1] =	sst s3  }
0xc: {  	[smem:$0x3FB2] =	sst s4  }
0xd: {  	[smem:$0x3FB3] =	sst s5  }
0xe: {  	[smem:$0x3FB4] =	sst s6  }
0xf: {  	[smem:$0x3FB5] =	sst s7  }
0x10: {  	[smem:$0x3FB6] =	sst s8  }
0x11: {  	[smem:$0x3FB7] =	sst s9;
	s0 =	simm.s32 @!p0 $0x0  }
0x12: {  	s1 =	sld [smem:$0x3F9D];
	s0 =	simm.s32 @p0 $0x1  }
0x13: {  	[smem:$0x3FB8] =	sst s0;
	s0 =	simm.s32 @!p1 $0x0  }
0x14: {  	s2 =	sld [smem:$0x3F9C];
	s0 =	simm.s32 @p1 $0x1  }
0x15: {  	[smem:$0x3FB9] =	sst s0;
	s0 =	simm.s32 @!p2 $0x0  }
0x16: {  	s3 =	sld [smem:$0x3FDB];
	s0 =	simm.s32 @p2 $0x1  }
0x17: {  	s4 =	simm.s32 $0x1BF5;
	[smem:$0x3FBB] =	sst s0  }
0x18: {  	s0 =	sld [smem:$0x3F9E];
	_ =	swait.ge [sflag:s4], $0x0  }
0x19: {  	s7 =	sld [smem:$0x3F9F]  }
0x1a: {  	s8 =	sadd.s32 $0xFFFFE003, lr  }
0x1b: {  	s9 =	sadd.s32 $0xFFFFFEF7, lr;
	s5 =	simm.s32 $0xFFFFFFFF;
	p2 =	slt.u32 s8, $0xFFFFF086  }
0x1c: {  	p1 =	slt.u32 s9, $0xF7A;
	s5 =	simm.s32 @!p2 $0x0  }
0x1d: {  	s5 =	simm.s32 @p1 $0x1;
	p0 =	seq.s32 s7, s2  }
0x1e: {  	s7 =	smul.u32 @!p0 $0xF7A, s2;
	p2 =	seq.s32 @!p0 s5, $0x0  }
0x1f: {  	s9 =	smul.u32 $0xF7A, s1;
	s8 =	simm.s32 @!p0 $0x1BF5;
	p2 =	por !p2, p0  }
0x20: {  	[sflag:s8] =	ssyncset.s32 @!p0 $0xFFFFF086;
	s6 =	sadd.s32 @!p0 s3, s7;
	s7 =	simm.s32 @!p0 $0x108  }
0x21: {  	s3 =	sadd.s32 s3, s9;
	s6 =	sadd.s32 @!p0 $0x88, s6;
	s7 =	simm.s32 @p2 $0x1082  }
0x22: {  	[simem:s7], [sflag:s8] =	dma.local @!p0 [hbm:s6], $0xF7A  }
0x23: {  	s9 =	sor.u32 $0xD0000000, s2;
	s6 =	simm.s32 $0x108;
	_ =	swait.ge @!p0 [sflag:s8], $0x0  }
0x24: {  	s3 =	sadd.s32 $0x88, s3;
	s6 =	simm.s32 @!p1 $0x1082;
	[sflag:s4] =	ssyncset.s32 $0xFFFFF086  }
0x25: {  	[simem:s6], [sflag:s4] =	dma.local [hbm:s3], $0xF7A  }
0x26: {  	[smem:$0x3F9F] =	sst s1;
	(tag) =	ssettag s2;
	_ =	strace s9  }
0x27: {  	s1 =	sld [smem:$0x3FAF]  }
0x28: {  	s2 =	sld [smem:$0x3FB0]  }
0x29: {  	s4 =	sld [smem:$0x3FB2]  }
0x2a: {  	p0 =	seq.s32 s5, $0x0;
	s5 =	sld [smem:$0x3FB3]  }
0x2b: {  	s6 =	sld [smem:$0x3FB4]  }
0x2c: {  	s7 =	sld [smem:$0x3FB5]  }
0x2d: {  	s3 =	simm.s32 $0x108;
	s8 =	sld [smem:$0x3FB6]  }
0x2e: {  	s3 =	simm.s32 @!p0 $0x1082;
	s9 =	sld [smem:$0x3FB7]  }
0x2f: {  	lr =	sadd.s32 s0, s3;
	s0 =	sld [smem:$0x3FAE]  }
0x30: {  	s3 =	sld [smem:$0x3FB1]  }
0x31: {  	[smem:$0x3FBA] =	sst s10  }
0x32: {  	s10 =	sld [smem:$0x3FB8];
	_ =	sdelay $0x3  }
0x33: {  	p0 =	seq.s32 s10, $0x1;
	s10 =	sld [smem:$0x3FBA];
	_ =	sdelay $0x3  }
0x34: {  	[smem:$0x3FBA] =	sst s10  }
0x35: {  	s10 =	sld [smem:$0x3FB9];
	_ =	sdelay $0x3  }
0x36: {  	p1 =	seq.s32 s10, $0x1;
	s10 =	sld [smem:$0x3FBA];
	_ =	sdelay $0x3  }
0x37: {  	[smem:$0x3FBA] =	sst s10  }
0x38: {  	s10 =	sld [smem:$0x3FBB]  }
0x39: {  	_ = 	snop;
	(pc) =	sbr.ind lr, $3  }
0x3a: {  	_ = 	snop  }
0x3b: {  	_ = 	snop  }
0x3c: {  	p2 =	seq.s32 s10, $0x1;
	s10 =	sld [smem:$0x3FBA]  }
0x3d: {  	_ =	shalt  }
0x3e: {  	_ =	shalt  }
0x3f: {  	_ =	shalt  }
0x40: {  	_ =	shalt  }
0x41: {  	_ =	shalt  }
0x42: {  	_ =	shalt  }
0x43: {  	_ =	shalt  }
0x44: {  	_ =	shalt  }
0x45: {  	_ =	shalt  }
0x46: {  	_ =	shalt  }
0x47: {  	_ =	shalt  }
0x48: {  	_ =	shalt  }
0x49: {  	_ =	shalt  }
0x4a: {  	_ =	shalt  }
0x4b: {  	_ =	shalt  }
0x4c: {  	_ =	shalt  }
0x4d: {  	_ =	shalt  }
0x4e: {  	_ =	shalt  }
0x4f: {  	_ =	shalt  }
0x50: {  	_ =	shalt  }
0x51: {  	_ =	shalt  }
0x52: {  	_ =	shalt  }
0x53: {  	_ =	shalt  }
0x54: {  	_ =	shalt  }
0x55: {  	_ =	shalt  }
0x56: {  	_ =	shalt  }
0x57: {  	_ =	shalt  }
0x58: {  	_ =	shalt  }
0x59: {  	_ =	shalt  }
0x5a: {  	_ =	shalt  }
0x5b: {  	_ =	shalt  }
0x5c: {  	_ =	shalt  }
0x5d: {  	_ =	shalt  }
0x5e: {  	_ =	shalt  }
0x5f: {  	_ =	shalt  }
0x60: {  	_ =	shalt  }
0x61: {  	_ =	shalt  }
0x62: {  	_ =	shalt  }
0x63: {  	_ =	shalt  }
0x64: {  	_ =	shalt  }
0x65: {  	_ =	shalt  }
0x66: {  	_ =	shalt  }
0x67: {  	_ =	shalt  }
0x68: {  	_ =	shalt  }
0x69: {  	_ =	shalt  }
0x6a: {  	_ =	shalt  }
0x6b: {  	_ =	shalt  }
0x6c: {  	_ =	shalt  }
0x6d: {  	_ =	shalt  }
0x6e: {  	_ =	shalt  }
0x6f: {  	_ =	shalt  }
0x70: {  	_ =	shalt  }
0x71: {  	_ =	shalt  }
0x72: {  	_ =	shalt  }
0x73: {  	_ =	shalt  }
0x74: {  	_ =	shalt  }
0x75: {  	_ =	shalt  }
0x76: {  	_ =	shalt  }
0x77: {  	_ =	shalt  }
0x78: {  	_ =	shalt  }
0x79: {  	_ =	shalt  }
0x7a: {  	_ =	shalt  }
0x7b: {  	_ =	shalt  }
0x7c: {  	_ =	shalt  }
0x7d: {  	_ =	shalt  }
0x7e: {  	_ =	shalt  }
0x7f: {  	_ =	shalt  }
0x80: {  	_ =	shalt  }
0x81: {  	_ =	shalt  }
0x82: {  	_ =	shalt  }
0x83: {  	_ =	shalt  }
0x84: {  	_ =	shalt  }
0x85: {  	_ =	shalt  }
0x86: {  	_ =	shalt  }
0x87: {  	_ =	shalt  }
.Lfunc_end0:
.L_simem_size_0:
called_computation_lowered:
.L_overlay_start_0:
0x88: {  	s2 =	sld [smem:$0x3FD9]  }
0x89: {  	s3 =	sld [smem:$0x3FFE];
	_ =	sdelay $0x1  }
0x8a: {  	s1 =	srdreg.scid  }
0x8b: {  	s0 =	sand.u32 $0x1, s1  }
0x8c: {  	s14 =	sshll.u32 s0, $0xA;
	s2 =	sadd.s32 s3, s2  }
0x8d: {  	s2 =	sadd.s32 s2, s14  }
0x8e: {  	[smem:$0x3FC6] =	sst s2  }
0x8f: {  	_ = 	snop  }
0x90: {  	s2 =	sld [smem:$0x3FD0];
	_ =	sdelay $0x2  }
0x91: {  	s4 =	simm.s32 $0xA;
	s5 =	simm.s32 $0x10;
	s15 =	sld [smem:$0x3FC9]  }
0x92: {  	[smem:s5], [sflag:s4] =	dma.local [hbm:s2], $0x1  }
0x93: {  	_ =	swait.eq [sflag:s4], $0x1  }
0x94: {  	s16 =	sld [smem:$0x10];
	[sflag:s4] =	ssyncset.done $0x0  }
0x95: {  	s17 =	sld [smem:$0x13];
	[sflag:s4] =	ssyncadd.s32 $0xFFFFFFFF  }
0x96: {  	s18 =	sld [smem:$0x15];
	(tm) =	ssettm $0x1  }
0x97: {  	s6 =	sld [smem:$0x3FFB];
	_ =	sdelay $0x3  }
0x98: {  	_ =	strace s6  }
0x99: {  	s6 =	sld [smem:$0x3FFC];
	_ =	sdelay $0x3  }
0x9a: {  	_ =	strace s6  }
0x9b: {  	s6 =	sld [smem:$0x3FFD];
	_ =	sdelay $0x3  }
0x9c: {  	_ =	strace s6  }
0x9d: {  	_ =	strace $0x8FFFFFFF  }
0x9e: {  	s19 =	sld [smem:$0x3FDB];
	_ =	sdelay $0x1  }
0x9f: {  	s7 =	simm.s32 $_scs_section_size  }
0xa0: {  	s8 =	simm.s32 $_size__tile_overlayer_lowered;
	s9 =	simm.s32 $_tile_overlayer_lowered  }
0xa1: {  	s22 =	simm.s32 $0x1BFF;
	s21 =	sshll.u32 s9, $0x1;
	s6 =	sadd.s32 s7, s19  }
0xa2: {  	s10 =	simm.s32 $0x0;
	s20 =	sshll.u32 s8, $0x1;
	s8 =	sadd.s32 s21, s6  }
0xa3: {  	[timem:s10], [sflag:s22] =	dma.local [hbm:s8], s20  }
0xa4: {  	_ =	swait.ge [sflag:s22], s20  }
0xa5: {  	s7 =	ssub.s32 $0x0, s20;
	[sflag:s22] =	ssyncset.done $0x0  }
0xa6: {  	[sflag:s22] =	ssyncadd.s32 s7;
	_ =	sdelay $0x1  }
0xa7: {  	s23 =	simm.s32 $0x1B8B  }
0xa8: {  	_ =	swait.ge [sflag:s23], $0x1  }
0xa9: {  	[sflag:s23] =	ssyncset.done $0x0  }
0xaa: {  	s25 =	simm.s32 $0x1B8E;
	s24 =	sld [smem:$0x3FFE];
	[sflag:s23] =	ssyncadd.s32 $0xFFFFFFFF  }
0xab: {  	s26 =	simm.s32 $execute0_lowered;
	[smem:$0x3FD2] =	sst s25  }
0xac: {  	s8 =	sshll.u32 s26, $0x1;
	_ =	strace $0x80000046;
	[dreg:$0x1] =	wrdreg $0xFFFFFFFF  }
0xad: {  	s28 =	simm.s32 $_size_execute0_lowered;
	s6 =	sadd.s32 s6, s8;
	[dreg:$0x0] =	wrdreg $0x0  }
0xae: {  	s8 =	sshll.u32 s28, $0x1;
	[dreg:$0x2] =	wrdreg s6  }
0xaf: {  	[dreg:$0x3] =	wrdreg s8  }
0xb0: {  	[dreg:$0x4] =	wrdreg $0xC0  }
0xb1: {  	_ =	task [dreg:s10], $0x5FFFF  }
0xb2: {  	[dreg:$0x1] =	wrdreg $0xFFFFFFFF  }
0xb3: {  	[dreg:$0x0] =	wrdreg $0x60  }
0xb4: {  	[dreg:$0x2] =	wrdreg s15  }
0xb5: {  	[dreg:$0x3] =	wrdreg s18  }
0xb6: {  	[dreg:$0x4] =	wrdreg s16  }
0xb7: {  	[dreg:$0x5] =	wrdreg s17  }
0xb8: {  	[dreg:$0x6] =	wrdreg s24  }
0xb9: {  	[dreg:$0x7] =	wrdreg $0x9  }
0xba: {  	_ =	task.clear_ibuf [dreg:s10], $0x8FFFF;
	_ =	strace $0x90000046  }
0xbb: {  	s29 =	simm.s32 $0x9;
	_ =	strace $0x80000048  }
0xbc: {  	_ =	swait.ge [sflag:s29], $0x1  }
0xbd: {  	[sflag:s29] =	ssyncadd.s32 $0xFFFFFFFF  }
0xbe: {  	_ =	strace $0x90000048  }
0xbf: {  	_ =	sfence  }
0xc0: {  	s30 =	sld [smem:$0x0];
	_ =	sdelay $0x2  }
0xc1: {  	s31 =	sshll.u32 s1, $0xD;
	s1 =	sshrl.u32 s1, $0x2  }
0xc2: {  	s3 =	sand.u32 $0x4000, s31;
	s1 =	sadd.s32 s1, s30  }
0xc3: {  	s0 =	sor.u32 s3, s0;
	s1 =	sshll.u32 s1, $0x11  }
0xc4: {  	s0 =	sor.u32 s1, s0  }
0xc5: {  	s0 =	sadd.s32 $0x8F2B, s0  }
0xc6: {  	[sflag:s0] =	ssyncadd.remote.s32 $0x1  }
0xc7: {  	_ =	sfence.sel $0xFFFF  }
0xc8: {  	[dreg:$0x0] =	wrdreg $0xFFFFFFFF;
	(pc) =	sbr.abs _section_cstart, $3  }
0xc9: {  	[dreg:$0x1] =	wrdreg $0xFFFFFFFF  }
0xca: {  	_ =	task.clear_ibuf [dreg:s10], $0x2FFFF;
	_ =	strace $0x9FFFFFFF  }
0xcb: {  	(tm) =	ssettm $0x7FFFFFFF  }
tec
execute0_lowered:
.L_overlay_start_1:
0x0: {  	(tag) =	ssettag $0x1  }
0x1: {  	s4 =	srdreg.scid;
	s7 =	stileid.u32  }
0x2: {  	s0 =	rddreg [dreg:$0x0];
	s6 =	sand.u32 $0x1, s4;
	s7 =	sshll.u32 s7, $0x1  }
0x3: {  	s1 =	rddreg [dreg:$0x1];
	s9 =	sor.u32 s6, s7  }
0x4: {  	s2 =	rddreg [dreg:$0x2];
	v0 =	vlaneseq.u32;
	s20 =	sshll.u32 s9, $0x1  }
0x5: {  	s3 =	rddreg [dreg:$0x3];
	s4 =	simm.s32 $0x0;
	v1 =	vmul.u32 $0x40, v0;
	v2 =	vmov s20  }
0x6: {  	[smem:$0x7FF] =	sst s4;
	v2 =	vor.u32 $0x40, v2  }
0x7: {  	s5 =	rddreg [dreg:$0x4];
	vm0 =	vcmask $0x2720;
	vm1 =	vcmask $0x700;
	_ =	strace $0x80000047;
	[tilespmem:$0x1FF10] =	vst v2;
	v2 =	vor.u32 s20, v1  }
0x8: {  	v58 =	vimm.s32 $0xD2D1D0CF;
	v59 =	vimm.s32 $0xC6C5C4C4;
	[tilespmem:$0x1FF20] =	vst v2;
	v2 =	vor.u32 $0x400, v1  }
0x9: {  	v6 =	vimm.s32 $0xCAC9C8C7;
	v62 =	vimm.s32 $0x187;
	s12 =	smul.u32 $0x31, s9;
	s9 =	sshllo.u32 s9, $0x1;
	v3 =	vor.u32 s20, v2  }
0xa: {  	v4 =	vor.u32 $0xC00, v1;
	[tilespmem:$0x1FF30] =	vst v3;
	v3 =	vor.u32 $0x800, v1;
	v1 =	vor.u32 s9, v1  }
0xb: {  	vm4 =	vmor vm1, vm0;
	vm0 =	vcmask $0x1F10;
	[tilespmem:$0x1FF70] =	vst v1;
	v1 =	vor.u32 s9, v2  }
0xc: {  	v60 =	vunpack.c.0.s8.s32 v59;
	v56 =	vor.u32 s20, v4;
	[tilespmem:$0x1FF80] =	vst v1;
	v1 =	vor.u32 s9, v3  }
0xd: {  	s16 =	simm.s32 $0x300;
	s18 =	simm.s32 $0x700;
	v5 =	vor.u32 s20, v3;
	v2 =	vimm.s32 $0xEDCBA987;
	[tilespmem:$0x1FF90] =	vst v1;
	v1 =	vor.u32 s9, v4  }
0xe: {  	s10 =	simm.s32 $0x0;
	s28 =	simm.s32 $0xBB00;
	v3 =	vimm.s32 $0xCECDCCCB;
	v2 =	vunpack.c.l.s4.s8 v2;
	[tilespmem:$0x1FFA0] =	vst v1;
	v1 =	vimm.s32 $0x65432100  }
0xf: {  	s14 =	simm.s32 $0xD300;
	s29 =	simm.s32 $0xDB00;
	s30 =	simm.s32 $0xE300;
	v3 =	vunpack.c.0.s8.s32 v3;
	v4 =	vunpack.c.0.s8.s32 v58;
	v1 =	vunpack.c.l.s4.s8 v1  }
0x10: {  	s31 =	simm.s32 $0x10300;
	s15 =	simm.s32 $0x12B00;
	s17 =	simm.s32 $0x14300;
	v61 =	vunpack.c.0.s8.s32 v6;
	v57 =	vmov s9;
	v2 =	vunpack.c.0.s8.s32 v2  }
0x11: {  	s8 =	simm.s32 $0x15300;
	s21 =	sadd.s32 $0x100, s0;
	s0 =	sadd.s32 $0x200, s0;
	[tilespmem:$0x1FF40] =	vst v5;
	v5 =	vor.u32 $0x40, v57;
	v3 =	vsel vm0, v4, v3;
	v1 =	vunpack.c.0.s8.s32 v1  }
0x12: {  	s22 =	sadd.s32 $0x100, s2;
	s23 =	sadd.s32 $0x200, s2;
	[dreg:$0xc] =	wrdreg s21;
	v4 =	vsel vm0, v61, v60;
	vm0 =	vcmask $0x300;
	v2 =	vand.u32 $0xF, v2  }
0x13: {  	s2 =	simm.s32 $0x400;
	s6 =	ssub.s32 $0x2, s6;
	[dreg:$0xd] =	wrdreg s0;
	[tilespmem:$0x1FF60] =	vst v5;
	v5 =	vsel vm0, $0x184, v62;
	vm0 =	vcmask $0x704;
	v1 =	vcombine.low v1, v2  }
0x14: {  	s7 =	simm.s32 $0x14B00;
	s19 =	sshrl.u32 s6, $0x1;
	[dreg:$0xe] =	wrdreg s22;
	v3 =	vcombine.low v4, v3;
	v63 =	vsel vm0, $0x185, v5;
	vm0 =	vcmask $0xB08  }
0x15: {  	vm3 =	vmmov $0xf;
	v23 =	vimm.s32 $0x0;
	[dreg:$0xf] =	wrdreg s23;
	s21 =	simm.s32 $0xF300;
	s22 =	simm.s32 $0xFB00;
	[tilespmem:$0x1FFB0] =	vst v1;
	v1 =	vsel vm0, $0x186, v63  }
0x16: {  	v24 =	vimm.s32 $0x1;
	v10 =	vor.u32 $0x10, v0;
	s13 =	ssub.s32 s6, s19;
	[dreg:$0xa] =	wrdreg s20;
	s19 =	simm.s32 $0x500;
	[tilespmem:$0x1FFC0] =	vst v1;
	v1 =	vand.u32 $0xFF, v3  }
.Ltmp0:
0x17: {  	v11 =	vor.u32 $0x20, v0;
	v12 =	vor.u32 $0x30, v0;
	[dreg:$0xb] =	wrdreg s9;
	s1 =	sadd.s32 s1, s12;
	[tilespmem:$0x1FFD0] =	vst v1;
	v1 =	vimm.s32 $0x0;
	(pc) =	sbr.rel .LBB2_1-.Ltmp0, $4  }
0x18: {  	v13 =	vor.u32 $0x40, v0;
	v14 =	vor.u32 $0x50, v0;
	s5 =	sadd.s32 s12, s5;
	s24 =	sadd.s32 s3, s12;
	[dreg:$0x6] =	wrdreg s1;
	v1 =	vsel vm3, $0xFFFFFFFF, v1  }
0x19: {  	v15 =	vor.u32 $0x60, v0;
	v16 =	vor.u32 $0x70, v0;
	s26 =	smax.u32 s13, $0x1;
	s13 =	simm.s32 $0xB300;
	[dreg:$0x7] =	wrdreg s24;
	[tilespmem:$0x1FFE0] =	vst v1;
	v1 =	vimm.s32 $0x0  }
0x1a: {  	v17 =	vor.u32 $0x80, v0;
	v18 =	vor.u32 $0x90, v0;
	[tilespmem:$0x1FF50] =	vst v56;
	s25 =	sadd.s32 $0x800, s5;
	[dreg:$0x9] =	wrdreg s26;
	s1 =	simm.s32 $0x5;
	v1 =	vsel vm4, $0xFFFFFFFF, v1  }
0x1b: {  	v19 =	vor.u32 $0xA0, v0;
	v20 =	vor.u32 $0xB0, v0;
	v22 =	vor.u32 $0xC0, v0;
	[dreg:$0x8] =	wrdreg s25;
	s20 =	simm.s32 $0x200;
	s9 =	simm.s32 $0xCB00;
	[tilespmem:$0x1FFF0] =	vst v1  }
.LBB2_12:
0x1c: {  	_ =	sdelay $0x3  }
0x1d: {  	v26 =	vld.idx.msk [tilespmem:v32+s20+$0x0], $0xffff;
	_ =	sdelay $0x1  }
0x1e: {  	vm0 =	vlt.u32 v32, v0;
	vm1 =	vlt.u32 v32, v10  }
0x1f: {  	vm2 =	vlt.u32 v32, v11;
	vm3 =	vlt.u32 v32, v12;
	vm6 =	vlt.u32 v32, v13  }
0x20: {  	vm9 =	vlt.u32 v32, v14;
	vm11 =	vlt.u32 v32, v15;
	vm12 =	vlt.u32 v32, v16  }
0x21: {  	vm15 =	vlt.u32 v32, v22;
	v33 =	vimm.s32 $0x0;
	vm14 =	veq.f32 v26, v44  }
0x22: {  	v36 =	vimm.s32 $0x0;
	vm13 =	veq.f32 v26, v55;
	vm14 =	vmand vm15, vm14  }
0x23: {  	vm13 =	vmand vm0, vm13;
	vm0 =	veq.f32 v26, v56;
	v33 =	vsel vm14, $0xFFFFFFFF, v33  }
0x24: {  	vm14 =	veq.f32 v26, v53;
	vm15 =	vmand vm2, vm0;
	vm0 =	veq.f32 v26, v57  }
0x25: {  	vm2 =	veq.f32 v26, v52;
	vm14 =	vmand vm1, vm14;
	vm1 =	veq.f32 v26, v54  }
0x26: {  	vm0 =	vmand vm6, vm0;
	vm3 =	vmand vm3, vm1;
	vm1 =	veq.f32 v26, v51  }
0x27: {  	vm11 =	vmand vm11, vm2;
	vm6 =	vmand vm9, vm1;
	vm1 =	veq.f32 v26, v50  }
0x28: {  	vm9 =	vlt.u32 v32, v17;
	vm2 =	vmand vm12, vm1;
	vm1 =	veq.f32 v26, v49  }
0x29: {  	vm12 =	veq.f32 v26, v47;
	vm1 =	vmand vm9, vm1;
	vm9 =	vlt.u32 v32, v18  }
0x2a: {  	v34 =	vsel vm7, $0x1, v23;
	v35 =	vsel vm5, $0x1, v23;
	vm9 =	vmand vm9, vm12  }
0x2b: {  	[tilespmem:$0x1FC50] =	vst v33;
	vm12 =	vlt.u32 v32, v19;
	v33 =	vsel vm9, $0xFFFFFFFF, v36;
	vm9 =	veq.f32 v26, v46  }
0x2c: {  	v4 =	vadd.s32 v6, v4;
	v36 =	vimm.s32 $0x0;
	vm9 =	vmand vm12, vm9  }
0x2d: {  	v1 =	vadd.s32 v1, v5;
	vm5 =	vlt.f32 v26, v53;
	[tilespmem:$0x1FC30] =	vst v33;
	v33 =	vsel vm9, $0xFFFFFFFF, v36  }
0x2e: {  	vm7 =	vlt.f32 v26, v56;
	[tilespmem:$0x1FC40] =	vst v33;
	v33 =	vsel vm4, $0x1, v23;
	vm4 =	vlt.f32 v26, v55  }
0x2f: {  	v56 =	vadd.s32 v27, v7;
	vm4 =	vmor vm4, vm13;
	vm13 =	vlt.f32 v26, v57  }
0x30: {  	v57 =	vadd.s32 v31, v8;
	v8 =	vsel vm4, $0x1, v23;
	vm4 =	vlt.f32 v26, v51  }
0x31: {  	vm5 =	vmor vm5, vm14;
	v4 =	vadd.s32 v8, v4;
	vm6 =	vmor vm4, vm6  }
0x32: {  	vm4 =	vlt.f32 v26, v52;
	v52 =	vsel vm5, $0x1, v23;
	vm5 =	vlt.s32 v4, $0xC4  }
0x33: {  	vm7 =	vmor vm7, vm15;
	v5 =	vadd.s32 v52, v56;
	v53 =	vadd.s32 $0xC4, v4  }
0x34: {  	v8 =	vsel vm7, $0x1, v23;
	vm7 =	vlt.s32 v5, $0xC4  }
0x35: {  	v7 =	vadd.s32 v8, v57;
	v8 =	vadd.s32 $0xC4, v5;
	_ =	sdelay $0x1  }
0x36: {  	[tilespmem:v42+s18+$0x0] =	vst.idx.msk $0xffff, v4  }
0x37: {  	[tilespmem:v53+s19+$0x0] =	vst.idx.msk vm5, v0  }
0x38: {  	[tilespmem:v41+s18+$0x0] =	vst.idx.msk $0xffff, v5  }
0x39: {  	[tilespmem:v8+s19+$0x0] =	vst.idx.msk vm7, v10;
	v8 =	vld [tilespmem:$0x1FC30];
	_ =	sdelay $0x1  }
0x3a: {  	vm12 =	veq.f32 v26, v45;
	vm9 =	vlt.u32 v32, v20  }
0x3b: {  	vm9 =	vmand vm9, vm12;
	vm12 =	vlt.f32 v26, v54  }
0x3c: {  	v3 =	vadd.s32 v21, v3;
	v2 =	vadd.s32 v25, v2;
	vm3 =	vmor vm12, vm3  }
0x3d: {  	v27 =	vsel vm3, $0x1, v23;
	vm3 =	vlt.s32 v7, $0xC4;
	vm7 =	vnez.u8 v8;
	v8 =	vld [tilespmem:$0x1FC40]  }
0x3e: {  	vm0 =	vmor vm13, vm0;
	v1 =	vadd.s32 v27, v1;
	v54 =	vadd.s32 $0xC4, v7  }
0x3f: {  	v55 =	vsel vm0, $0x1, v23;
	vm4 =	vmor vm4, vm11;
	vm0 =	vlt.s32 v1, $0xC4  }
0x40: {  	v3 =	vadd.s32 v55, v3;
	v56 =	vadd.s32 $0xC4, v1;
	v57 =	vsel vm6, $0x1, v23  }
0x41: {  	vm6 =	vlt.s32 v3, $0xC4;
	v2 =	vadd.s32 v57, v2;
	vm5 =	vlt.f32 v26, v47  }
0x42: {  	v47 =	vsel vm4, $0x1, v23;
	v41 =	vadd.s32 $0xC4, v3;
	[tilespmem:v40+s18+$0x0] =	vst.idx.msk $0xffff, v7;
	vm4 =	vnez.u8 v8;
	v8 =	vld [tilespmem:$0x1FD70]  }
0x43: {  	[tilespmem:v54+s19+$0x0] =	vst.idx.msk vm3, v11;
	vm3 =	vlt.s32 v2, $0xC4  }
0x44: {  	vm15 =	vlt.f32 v26, v49;
	v49 =	vadd.s32 $0xC4, v2;
	[tilespmem:v39+s18+$0x0] =	vst.idx.msk $0xffff, v1  }
0x45: {  	[tilespmem:v56+s19+$0x0] =	vst.idx.msk vm0, v12  }
0x46: {  	[tilespmem:v38+s18+$0x0] =	vst.idx.msk $0xffff, v3  }
0x47: {  	[tilespmem:v41+s19+$0x0] =	vst.idx.msk vm6, v13  }
0x48: {  	v42 =	vadd.s32 v9, v63;
	[tilespmem:v37+s18+$0x0] =	vst.idx.msk $0xffff, v2  }
0x49: {  	vm14 =	vlt.f32 v26, v50;
	v4 =	vadd.s32 v47, v42;
	[tilespmem:v49+s19+$0x0] =	vst.idx.msk vm3, v14  }
0x4a: {  	vm2 =	vmor vm14, vm2;
	[tilespmem:v8+s18+$0x0] =	vst.idx.msk $0xffff, v4;
	v8 =	vld [tilespmem:$0x1FD80]  }
0x4b: {  	v50 =	vsel vm2, $0x1, v23;
	vm2 =	vlt.s32 v4, $0xC4  }
0x4c: {  	v3 =	vadd.s32 $0xC4, v4;
	_ =	sdelay $0x2  }
0x4d: {  	v32 =	vsel vm10, $0x1, v23  }
0x4e: {  	v1 =	vadd.s32 v32, v62  }
0x4f: {  	v1 =	vadd.s32 v50, v1;
	[tilespmem:v3+s19+$0x0] =	vst.idx.msk vm2, v15  }
0x50: {  	[tilespmem:v8+s18+$0x0] =	vst.idx.msk $0xffff, v1;
	v8 =	vld [tilespmem:$0x1FC50];
	_ =	sdelay $0x2  }
0x51: {  	vm1 =	vmor vm15, vm1;
	v36 =	vsel vm8, $0x1, v23;
	vm3 =	vlt.f32 v26, v45  }
0x52: {  	v51 =	vadd.s32 v33, v61;
	v52 =	vsel vm1, $0x1, v23;
	vm3 =	vmor vm3, vm9  }
0x53: {  	v57 =	vadd.s32 v36, v58;
	v58 =	vsel vm3, $0x1, v23;
	vm3 =	vnez.u8 v8;
	v8 =	vld [tilespmem:$0x1FD90]  }
0x54: {  	v5 =	vadd.s32 v52, v51;
	vm0 =	vlt.f32 v26, v46;
	vm1 =	vlt.s32 v1, $0xC4  }
0x55: {  	v62 =	vld [tilespmem:$0x1FDA0];
	v53 =	vadd.s32 $0xC4, v1;
	vm5 =	vmor vm5, vm7;
	v2 =	vadd.s32 v34, v60  }
0x56: {  	v54 =	vsel vm5, $0x1, v23;
	vm0 =	vmor vm0, vm4;
	vm4 =	vlt.s32 v5, $0xC4  }
0x57: {  	v55 =	vadd.s32 $0xC4, v5;
	v2 =	vadd.s32 v54, v2  }
0x58: {  	v56 =	vadd.s32 v35, v59;
	v3 =	vsel vm0, $0x1, v23;
	vm0 =	vlt.s32 v2, $0xC4  }
0x59: {  	v1 =	vadd.s32 v3, v56;
	v3 =	vadd.s32 $0xC4, v2  }
0x5a: {  	[tilespmem:v53+s19+$0x0] =	vst.idx.msk vm1, v16  }
0x5b: {  	[tilespmem:v8+s18+$0x0] =	vst.idx.msk $0xffff, v5  }
0x5c: {  	[tilespmem:v55+s19+$0x0] =	vst.idx.msk vm4, v17  }
0x5d: {  	[tilespmem:v62+s18+$0x0] =	vst.idx.msk $0xffff, v2  }
0x5e: {  	[tilespmem:v3+s19+$0x0] =	vst.idx.msk vm0, v18;
	v3 =	vld [tilespmem:$0x1FDB0];
	_ =	sdelay $0x7  }
0x5f: {  	[tilespmem:v3+s18+$0x0] =	vst.idx.msk $0xffff, v1;
	v3 =	vld [tilespmem:$0x1FDC0]  }
0x60: {  	vm2 =	vlt.f32 v26, v44;
	vm1 =	vlt.s32 v1, $0xC4  }
0x61: {  	v59 =	vadd.s32 v58, v57;
	v60 =	vadd.s32 $0xC4, v1;
	vm2 =	vmor vm2, vm3  }
0x62: {  	v61 =	vsel vm2, $0x1, v23;
	vm2 =	vlt.s32 v59, $0xC4  }
0x63: {  	v63 =	vadd.s32 $0xC4, v59;
	v2 =	vadd.s32 v61, v48  }
0x64: {  	vm0 =	vlt.s32 v2, $0xC4  }
0x65: {  	v1 =	vadd.s32 $0xC4, v2  }
0x66: {  	[tilespmem:v60+s19+$0x0] =	vst.idx.msk vm1, v19  }
0x67: {  	[tilespmem:v3+s18+$0x0] =	vst.idx.msk $0xffff, v59  }
0x68: {  	[tilespmem:v63+s19+$0x0] =	vst.idx.msk vm2, v20  }
0x69: {  	[tilespmem:v43+s18+$0x0] =	vst.idx.msk $0xf, v2  }
0x6a: {  	[tilespmem:v1+s19+$0x0] =	vst.idx.msk vm0, v22;
	v1 =	vld [tilespmem:$0x1FFE0];
	_ =	sdelay $0x4  }
0x6b: {  	vm3 =	vnez.u8 v1;
	v1 =	vld [tilespmem:$0x1FFF0];
	_ =	sdelay $0x4  }
0x6c: {  	vm4 =	vnez.u8 v1;
	v1 =	vld [tilespmem:$0x1FD40];
	_ =	sdelay $0x4  }
0x6d: {  	s10 =	smov.u32 s5;
	vm5 =	vnez.u8 v1  }
.LBB2_13:
0x6e: {  	v1 =	vld [tilespmem:$0x1FFD0];
	_ =	sdelay $0x7  }
0x6f: {  	v1 =	vld.idx.msk [tilespmem:v1+s19+$0x0], $0xffff  }
0x70: {  	v3 =	vld [tilespmem:$0x1FF60];
	_ =	sdelay $0x3  }
0x71: {  	v1 =	vshll.u32 v1, $0x6  }
0x72: {  	vm0 =	veq.s32 v0, $0x0;
	s6 =	rddreg [dreg:$0xb];
	v1 =	vadd.s32 v3, v1  }
0x73: {  	s1 =	simm.s32 $0xA00;
	v1 =	vsel vm0, s6, v1  }
0x74: {  	[tilespmem:v0+s1+$0x0] =	vst.idx.msk $0xffff, v1;
	v1 =	vld [tilespmem:$0x1FF70]  }
0x75: {  	v2 =	vadd.s32 $0xD3, v0;
	_ =	sdelay $0x2  }
0x76: {  	s3 =	simm.s32 $0xA80  }
0x77: {  	[tilespmem:v0+s3+$0x0] =	vst.idx.msk $0xffff, v1  }
0x78: {  	v1 =	vld.idx.msk [tilespmem:v2+s19+$0x0], $0xffff;
	_ =	sdelay $0x4  }
0x79: {  	v1 =	vshll.u32 v1, $0x6  }
0x7a: {  	v1 =	vadd.s32 v3, v1  }
0x7b: {  	[tilespmem:v10+s1+$0x0] =	vst.idx.msk $0xffff, v1;
	v1 =	vld [tilespmem:$0x1FF80]  }
0x7c: {  	v2 =	vadd.s32 $0xE3, v0;
	_ =	sdelay $0x3  }
0x7d: {  	[tilespmem:v10+s3+$0x0] =	vst.idx.msk $0xffff, v1  }
0x7e: {  	v1 =	vld.idx.msk [tilespmem:v2+s19+$0x0], $0xffff;
	_ =	sdelay $0x4  }
0x7f: {  	v1 =	vshll.u32 v1, $0x6  }
0x80: {  	v1 =	vadd.s32 v3, v1  }
0x81: {  	[tilespmem:v11+s1+$0x0] =	vst.idx.msk $0xffff, v1;
	v1 =	vld [tilespmem:$0x1FF90]  }
0x82: {  	v2 =	vadd.s32 $0xF3, v0;
	_ =	sdelay $0x3  }
0x83: {  	[tilespmem:v11+s3+$0x0] =	vst.idx.msk $0xffff, v1  }
0x84: {  	v1 =	vld.idx.msk [tilespmem:v2+s19+$0x0], $0xffff;
	_ =	sdelay $0x4  }
0x85: {  	v1 =	vshll.u32 v1, $0x6  }
0x86: {  	v1 =	vadd.s32 v3, v1  }
0x87: {  	[tilespmem:v12+s1+$0x0] =	vst.idx.msk $0x3, v1;
	v1 =	vld [tilespmem:$0x1FFA0];
	_ =	sdelay $0x4  }
0x88: {  	[tilespmem:v12+s3+$0x0] =	vst.idx.msk $0x3, v1  }
0x89: {  	v1 =	vld [tilespmem:$0xA00];
	_ =	sdelay $0x4  }
0x8a: {  	v2 =	vshrl.u32 v1, $0x3  }
0x8b: {  	v2 =	vmul.u32 $0x30, v2  }
0x8c: {  	v1 =	vand.u32 $0x7, v1  }
0x8d: {  	v1 =	vor.u32 v1, v2  }
0x8e: {  	v2 =	vperm.xlane v1, v28;
	_ =	sdelay $0x1  }
0x8f: {  	v2 =	vadd.s32 v29, v2;
	_ =	sdelay $0x3  }
0x90: {  	s12 =	rddreg [dreg:$0x0];
	v1 =	vperm.xlane v1, v30  }
0x91: {  	[tilespmem:s13], [sflag:$0x2] =	stream.indirect_vreg.gather [hbm4b:s12+s4], $0x80, v2, vm5, $0xb8;
	[tilespmem:$0x15B00] =	vst v63  }
0x92: {  	s5 =	rddreg [dreg:$0xc];
	v1 =	vadd.s32 v29, v1  }
0x93: {  	[tilespmem:s28], [sflag:$0x2] =	stream.indirect_vreg.gather [hbm4b:s5+s4], $0x80, v2, vm5, $0xb8;
	[tilespmem:$0x15B00] =	vst v63  }
0x94: {  	s23 =	rddreg [dreg:$0xd];
	s6 =	simm.s32 $0xC300  }
0x95: {  	[tilespmem:s6], [sflag:$0x2] =	stream.indirect_vreg.gather [hbm4b:s23+s4], $0x80, v2, vm5, $0xb8;
	[tilespmem:$0x15B00] =	vst v63  }
0x96: {  	_ = 	snop  }
0x97: {  	[tilespmem:s9], [sflag:$0x2] =	stream.indirect_vreg.gather [hbm4b:s12+s4], $0x80, v1, vm5, $0xb8;
	[tilespmem:$0x15B00] =	vst v63  }
0x98: {  	_ = 	snop  }
0x99: {  	[tilespmem:s14], [sflag:$0x2] =	stream.indirect_vreg.gather [hbm4b:s5+s4], $0x80, v1, vm5, $0xb8;
	[tilespmem:$0x15B00] =	vst v63  }
0x9a: {  	_ = 	snop  }
0x9b: {  	[tilespmem:s29], [sflag:$0x2] =	stream.indirect_vreg.gather [hbm4b:s23+s4], $0x80, v1, vm5, $0xb8;
	[tilespmem:$0x15B00] =	vst v63  }
0x9c: {  	v1 =	vld [tilespmem:$0xA10];
	_ =	sdelay $0x4  }
0x9d: {  	v2 =	vshrl.u32 v1, $0x3  }
0x9e: {  	v2 =	vmul.u32 $0x30, v2  }
0x9f: {  	v1 =	vand.u32 $0x7, v1  }
0xa0: {  	v1 =	vor.u32 v1, v2  }
0xa1: {  	v2 =	vperm.xlane v1, v28;
	_ =	sdelay $0x1  }
0xa2: {  	v2 =	vadd.s32 v29, v2;
	_ =	sdelay $0x3  }
0xa3: {  	v1 =	vperm.xlane v1, v30  }
0xa4: {  	[tilespmem:s30], [sflag:$0x2] =	stream.indirect_vreg.gather [hbm4b:s12+s4], $0x80, v2, vm5, $0xb8;
	[tilespmem:$0x15B00] =	vst v63  }
0xa5: {  	s1 =	simm.s32 $0xEB00;
	v1 =	vadd.s32 v29, v1  }
0xa6: {  	[tilespmem:s1], [sflag:$0x2] =	stream.indirect_vreg.gather [hbm4b:s5+s4], $0x80, v2, vm5, $0xb8;
	[tilespmem:$0x15B00] =	vst v63  }
0xa7: {  	_ = 	snop  }
0xa8: {  	[tilespmem:s21], [sflag:$0x2] =	stream.indirect_vreg.gather [hbm4b:s23+s4], $0x80, v2, vm5, $0xb8;
	[tilespmem:$0x15B00] =	vst v63  }
0xa9: {  	_ = 	snop  }
0xaa: {  	[tilespmem:s22], [sflag:$0x2] =	stream.indirect_vreg.gather [hbm4b:s12+s4], $0x80, v1, vm5, $0xb8;
	[tilespmem:$0x15B00] =	vst v63  }
0xab: {  	_ = 	snop  }
0xac: {  	[tilespmem:s31], [sflag:$0x2] =	stream.indirect_vreg.gather [hbm4b:s5+s4], $0x80, v1, vm5, $0xb8;
	[tilespmem:$0x15B00] =	vst v63  }
0xad: {  	s3 =	simm.s32 $0x10B00  }
0xae: {  	[tilespmem:s3], [sflag:$0x2] =	stream.indirect_vreg.gather [hbm4b:s23+s4], $0x80, v1, vm5, $0xb8;
	[tilespmem:$0x15B00] =	vst v63  }
0xaf: {  	v1 =	vld [tilespmem:$0xA20];
	_ =	sdelay $0x4  }
0xb0: {  	v2 =	vshrl.u32 v1, $0x3  }
0xb1: {  	v2 =	vmul.u32 $0x30, v2  }
0xb2: {  	v1 =	vand.u32 $0x7, v1  }
0xb3: {  	v1 =	vor.u32 v1, v2  }
0xb4: {  	v2 =	vperm.xlane v1, v28;
	_ =	sdelay $0x1  }
0xb5: {  	v2 =	vadd.s32 v29, v2;
	_ =	sdelay $0x3  }
0xb6: {  	s24 =	simm.s32 $0x11300;
	v1 =	vperm.xlane v1, v30  }
0xb7: {  	[tilespmem:s24], [sflag:$0x2] =	stream.indirect_vreg.gather [hbm4b:s12+s4], $0x80, v2, vm5, $0xb8;
	[tilespmem:$0x15B00] =	vst v63  }
0xb8: {  	s25 =	simm.s32 $0x11B00;
	v1 =	vadd.s32 v29, v1  }
0xb9: {  	[tilespmem:s25], [sflag:$0x2] =	stream.indirect_vreg.gather [hbm4b:s5+s4], $0x80, v2, vm5, $0xb8;
	[tilespmem:$0x15B00] =	vst v63  }
0xba: {  	s26 =	simm.s32 $0x12300  }
0xbb: {  	[tilespmem:s26], [sflag:$0x2] =	stream.indirect_vreg.gather [hbm4b:s23+s4], $0x80, v2, vm5, $0xb8;
	[tilespmem:$0x15B00] =	vst v63  }
0xbc: {  	_ = 	snop  }
0xbd: {  	[tilespmem:s15], [sflag:$0x2] =	stream.indirect_vreg.gather [hbm4b:s12+s4], $0x80, v1, vm5, $0xb8;
	[tilespmem:$0x15B00] =	vst v63  }
0xbe: {  	s0 =	simm.s32 $0x13300  }
0xbf: {  	[tilespmem:s0], [sflag:$0x2] =	stream.indirect_vreg.gather [hbm4b:s5+s4], $0x80, v1, vm5, $0xb8;
	[tilespmem:$0x15B00] =	vst v63  }
0xc0: {  	s2 =	simm.s32 $0x13B00  }
0xc1: {  	[tilespmem:s2], [sflag:$0x2] =	stream.indirect_vreg.gather [hbm4b:s23+s4], $0x80, v1, vm5, $0xb8;
	[tilespmem:$0x15B00] =	vst v63  }
0xc2: {  	v1 =	vld.msk [tilespmem:$0xA30], $0x3;
	_ =	sdelay $0x4  }
0xc3: {  	v2 =	vshrl.u32 v1, $0x3  }
0xc4: {  	v2 =	vmul.u32 $0x30, v2  }
0xc5: {  	v1 =	vand.u32 $0x7, v1  }
0xc6: {  	v1 =	vor.u32 v1, v2  }
0xc7: {  	v1 =	vperm.xlane v1, v28;
	_ =	sdelay $0x1  }
0xc8: {  	v1 =	vadd.s32 v29, v1;
	_ =	sdelay $0x4  }
0xc9: {  	[tilespmem:s17], [sflag:$0x2] =	stream.indirect_vreg.gather [hbm4b:s12+s4], $0x80, v1, vm4, $0xb8;
	[tilespmem:$0x15B00] =	vst v63  }
0xca: {  	_ = 	snop  }
0xcb: {  	[tilespmem:s7], [sflag:$0x2] =	stream.indirect_vreg.gather [hbm4b:s5+s4], $0x80, v1, vm4, $0xb8;
	[tilespmem:$0x15B00] =	vst v63  }
0xcc: {  	s11 =	simm.s32 $0x1  }
0xcd: {  	[tilespmem:s8], [sflag:$0x2] =	stream.indirect_vreg.gather [hbm4b:s23+s4], $0x80, v1, vm4, $0xb8;
	[tilespmem:$0x15B00] =	vst v63  }
0xce: {  	_ =	swait.ge [sflag:s11], $0x9600  }
0xcf: {  	[sflag:s11] =	ssyncset.done $0x0  }
0xd0: {  	[sflag:s11] =	ssyncadd.s32 $0xFFFF6A00  }
0xd1: {  	v1 =	vld [tilespmem:$0x980];
	_ =	sdelay $0x4  }
0xd2: {  	v2 =	vshrl.u32 v1, $0x3  }
0xd3: {  	v2 =	vmul.u32 $0x30, v2  }
0xd4: {  	v1 =	vand.u32 $0x7, v1  }
0xd5: {  	v1 =	vor.u32 v1, v2  }
0xd6: {  	v2 =	vperm.xlane v1, v28;
	_ =	sdelay $0x1  }
0xd7: {  	v2 =	vadd.s32 v29, v2;
	_ =	sdelay $0x3  }
0xd8: {  	s12 =	simm.s32 $0xB00;
	s5 =	rddreg [dreg:$0x2];
	v1 =	vperm.xlane v1, v30  }
0xd9: {  	[hbm4b:s5+s4] =	stream.indirect_vreg.scatter [tilespmem:s12], [sflag:$0x3], $0x80, v2, vm5, $0xb8;
	[tilespmem:$0x15B00] =	vst v63  }
0xda: {  	s23 =	simm.s32 $0x1300;
	s11 =	rddreg [dreg:$0xe];
	v1 =	vadd.s32 v29, v1  }
0xdb: {  	[hbm4b:s11+s4] =	stream.indirect_vreg.scatter [tilespmem:s23], [sflag:$0x3], $0x80, v2, vm5, $0xb8;
	[tilespmem:$0x15B00] =	vst v63  }
0xdc: {  	s0 =	rddreg [dreg:$0xf];
	s12 =	simm.s32 $0x1B00  }
0xdd: {  	[hbm4b:s0+s4] =	stream.indirect_vreg.scatter [tilespmem:s12], [sflag:$0x3], $0x80, v2, vm5, $0xb8;
	[tilespmem:$0x15B00] =	vst v63  }
0xde: {  	s23 =	simm.s32 $0x2300  }
0xdf: {  	[hbm4b:s5+s4] =	stream.indirect_vreg.scatter [tilespmem:s23], [sflag:$0x3], $0x80, v1, vm5, $0xb8;
	[tilespmem:$0x15B00] =	vst v63  }
0xe0: {  	s12 =	simm.s32 $0x2B00  }
0xe1: {  	[hbm4b:s11+s4] =	stream.indirect_vreg.scatter [tilespmem:s12], [sflag:$0x3], $0x80, v1, vm5, $0xb8;
	[tilespmem:$0x15B00] =	vst v63  }
0xe2: {  	s23 =	simm.s32 $0x3300  }
0xe3: {  	[hbm4b:s0+s4] =	stream.indirect_vreg.scatter [tilespmem:s23], [sflag:$0x3], $0x80, v1, vm5, $0xb8;
	[tilespmem:$0x15B00] =	vst v63  }
0xe4: {  	v1 =	vld [tilespmem:$0x990];
	_ =	sdelay $0x4  }
0xe5: {  	v2 =	vshrl.u32 v1, $0x3  }
0xe6: {  	v2 =	vmul.u32 $0x30, v2  }
0xe7: {  	v1 =	vand.u32 $0x7, v1  }
0xe8: {  	v1 =	vor.u32 v1, v2  }
0xe9: {  	v2 =	vperm.xlane v1, v28;
	_ =	sdelay $0x1  }
0xea: {  	v2 =	vadd.s32 v29, v2;
	_ =	sdelay $0x3  }
0xeb: {  	s23 =	simm.s32 $0x3B00;
	v1 =	vperm.xlane v1, v30  }
0xec: {  	[hbm4b:s5+s4] =	stream.indirect_vreg.scatter [tilespmem:s23], [sflag:$0x3], $0x80, v2, vm5, $0xb8;
	[tilespmem:$0x15B00] =	vst v63  }
0xed: {  	v1 =	vadd.s32 v29, v1;
	s23 =	simm.s32 $0x4300  }
0xee: {  	[hbm4b:s11+s4] =	stream.indirect_vreg.scatter [tilespmem:s23], [sflag:$0x3], $0x80, v2, vm5, $0xb8;
	[tilespmem:$0x15B00] =	vst v63  }
0xef: {  	s23 =	simm.s32 $0x4B00  }
0xf0: {  	[hbm4b:s0+s4] =	stream.indirect_vreg.scatter [tilespmem:s23], [sflag:$0x3], $0x80, v2, vm5, $0xb8;
	[tilespmem:$0x15B00] =	vst v63  }
0xf1: {  	s23 =	simm.s32 $0x5300  }
0xf2: {  	[hbm4b:s5+s4] =	stream.indirect_vreg.scatter [tilespmem:s23], [sflag:$0x3], $0x80, v1, vm5, $0xb8;
	[tilespmem:$0x15B00] =	vst v63  }
0xf3: {  	s23 =	simm.s32 $0x5B00  }
0xf4: {  	[hbm4b:s11+s4] =	stream.indirect_vreg.scatter [tilespmem:s23], [sflag:$0x3], $0x80, v1, vm5, $0xb8;
	[tilespmem:$0x15B00] =	vst v63  }
0xf5: {  	s23 =	simm.s32 $0x6300  }
0xf6: {  	[hbm4b:s0+s4] =	stream.indirect_vreg.scatter [tilespmem:s23], [sflag:$0x3], $0x80, v1, vm5, $0xb8;
	[tilespmem:$0x15B00] =	vst v63  }
0xf7: {  	v1 =	vld [tilespmem:$0x9A0];
	_ =	sdelay $0x4  }
0xf8: {  	v2 =	vshrl.u32 v1, $0x3  }
0xf9: {  	v2 =	vmul.u32 $0x30, v2  }
0xfa: {  	v1 =	vand.u32 $0x7, v1  }
0xfb: {  	v1 =	vor.u32 v1, v2  }
0xfc: {  	v2 =	vperm.xlane v1, v28;
	_ =	sdelay $0x1  }
0xfd: {  	v2 =	vadd.s32 v29, v2;
	_ =	sdelay $0x3  }
0xfe: {  	s23 =	simm.s32 $0x6B00;
	v1 =	vperm.xlane v1, v30  }
0xff: {  	[hbm4b:s5+s4] =	stream.indirect_vreg.scatter [tilespmem:s23], [sflag:$0x3], $0x80, v2, vm5, $0xb8;
	[tilespmem:$0x15B00] =	vst v63  }
0x100: {  	v1 =	vadd.s32 v29, v1;
	s23 =	simm.s32 $0x7300  }
0x101: {  	[hbm4b:s11+s4] =	stream.indirect_vreg.scatter [tilespmem:s23], [sflag:$0x3], $0x80, v2, vm5, $0xb8;
	[tilespmem:$0x15B00] =	vst v63  }
0x102: {  	s23 =	simm.s32 $0x7B00  }
0x103: {  	[hbm4b:s0+s4] =	stream.indirect_vreg.scatter [tilespmem:s23], [sflag:$0x3], $0x80, v2, vm5, $0xb8;
	[tilespmem:$0x15B00] =	vst v63  }
0x104: {  	s23 =	simm.s32 $0x8300  }
0x105: {  	[hbm4b:s5+s4] =	stream.indirect_vreg.scatter [tilespmem:s23], [sflag:$0x3], $0x80, v1, vm5, $0xb8;
	[tilespmem:$0x15B00] =	vst v63  }
0x106: {  	s23 =	simm.s32 $0x8B00  }
0x107: {  	[hbm4b:s11+s4] =	stream.indirect_vreg.scatter [tilespmem:s23], [sflag:$0x3], $0x80, v1, vm5, $0xb8;
	[tilespmem:$0x15B00] =	vst v63  }
0x108: {  	s23 =	simm.s32 $0x9300  }
0x109: {  	[hbm4b:s0+s4] =	stream.indirect_vreg.scatter [tilespmem:s23], [sflag:$0x3], $0x80, v1, vm5, $0xb8;
	[tilespmem:$0x15B00] =	vst v63  }
0x10a: {  	v1 =	vld.msk [tilespmem:$0x9B0], $0x3;
	_ =	sdelay $0x4  }
0x10b: {  	v2 =	vshrl.u32 v1, $0x3  }
0x10c: {  	v2 =	vmul.u32 $0x30, v2  }
0x10d: {  	v1 =	vand.u32 $0x7, v1  }
0x10e: {  	v1 =	vor.u32 v1, v2  }
0x10f: {  	v1 =	vperm.xlane v1, v28;
	_ =	sdelay $0x1  }
0x110: {  	v1 =	vadd.s32 v29, v1;
	_ =	sdelay $0x3  }
0x111: {  	s23 =	simm.s32 $0x9B00  }
0x112: {  	[hbm4b:s5+s4] =	stream.indirect_vreg.scatter [tilespmem:s23], [sflag:$0x3], $0x80, v1, vm4, $0xb8;
	[tilespmem:$0x15B00] =	vst v63  }
0x113: {  	s23 =	simm.s32 $0xA300  }
0x114: {  	[hbm4b:s11+s4] =	stream.indirect_vreg.scatter [tilespmem:s23], [sflag:$0x3], $0x80, v1, vm4, $0xb8;
	[tilespmem:$0x15B00] =	vst v63  }
0x115: {  	s23 =	simm.s32 $0xAB00  }
0x116: {  	[hbm4b:s0+s4] =	stream.indirect_vreg.scatter [tilespmem:s23], [sflag:$0x3], $0x80, v1, vm4, $0xb8;
	[tilespmem:$0x15B00] =	vst v63  }
0x117: {  	s23 =	simm.s32 $0x2  }
0x118: {  	_ =	swait.ge [sflag:s23], $0x9600  }
0x119: {  	[sflag:s23] =	ssyncset.done $0x0  }
0x11a: {  	[sflag:s23] =	ssyncadd.s32 $0xFFFF6A00  }
0x11b: {  	v1 =	vld [tilespmem:$0xA80];
	_ =	sdelay $0x4  }
0x11c: {  	v2 =	vshrl.u32 v1, $0x3  }
0x11d: {  	v2 =	vmul.u32 $0x30, v2  }
0x11e: {  	v1 =	vand.u32 $0x7, v1  }
0x11f: {  	v1 =	vor.u32 v1, v2  }
0x120: {  	v2 =	vperm.xlane v1, v28;
	_ =	sdelay $0x1  }
0x121: {  	v2 =	vadd.s32 v29, v2;
	_ =	sdelay $0x3  }
0x122: {  	v1 =	vperm.xlane v1, v30  }
0x123: {  	[hbm4b:s5+s4] =	stream.indirect_vreg.scatter [tilespmem:s13], [sflag:$0x4], $0x80, v2, vm5, $0xb8;
	[tilespmem:$0x15B00] =	vst v63  }
0x124: {  	v1 =	vadd.s32 v29, v1  }
0x125: {  	[hbm4b:s11+s4] =	stream.indirect_vreg.scatter [tilespmem:s28], [sflag:$0x4], $0x80, v2, vm5, $0xb8;
	[tilespmem:$0x15B00] =	vst v63  }
0x126: {  	_ = 	snop  }
0x127: {  	[hbm4b:s0+s4] =	stream.indirect_vreg.scatter [tilespmem:s6], [sflag:$0x4], $0x80, v2, vm5, $0xb8;
	[tilespmem:$0x15B00] =	vst v63  }
0x128: {  	_ = 	snop  }
0x129: {  	[hbm4b:s5+s4] =	stream.indirect_vreg.scatter [tilespmem:s9], [sflag:$0x4], $0x80, v1, vm5, $0xb8;
	[tilespmem:$0x15B00] =	vst v63  }
0x12a: {  	_ = 	snop  }
0x12b: {  	[hbm4b:s11+s4] =	stream.indirect_vreg.scatter [tilespmem:s14], [sflag:$0x4], $0x80, v1, vm5, $0xb8;
	[tilespmem:$0x15B00] =	vst v63  }
0x12c: {  	_ = 	snop  }
0x12d: {  	[hbm4b:s0+s4] =	stream.indirect_vreg.scatter [tilespmem:s29], [sflag:$0x4], $0x80, v1, vm5, $0xb8;
	[tilespmem:$0x15B00] =	vst v63  }
0x12e: {  	v1 =	vld [tilespmem:$0xA90];
	_ =	sdelay $0x4  }
0x12f: {  	v2 =	vshrl.u32 v1, $0x3  }
0x130: {  	v2 =	vmul.u32 $0x30, v2  }
0x131: {  	v1 =	vand.u32 $0x7, v1  }
0x132: {  	v1 =	vor.u32 v1, v2  }
0x133: {  	v2 =	vperm.xlane v1, v28;
	_ =	sdelay $0x1  }
0x134: {  	v2 =	vadd.s32 v29, v2;
	_ =	sdelay $0x3  }
0x135: {  	v1 =	vperm.xlane v1, v30  }
0x136: {  	[hbm4b:s5+s4] =	stream.indirect_vreg.scatter [tilespmem:s30], [sflag:$0x4], $0x80, v2, vm5, $0xb8;
	[tilespmem:$0x15B00] =	vst v63  }
0x137: {  	v1 =	vadd.s32 v29, v1  }
0x138: {  	[hbm4b:s11+s4] =	stream.indirect_vreg.scatter [tilespmem:s1], [sflag:$0x4], $0x80, v2, vm5, $0xb8;
	[tilespmem:$0x15B00] =	vst v63  }
0x139: {  	_ = 	snop  }
0x13a: {  	[hbm4b:s0+s4] =	stream.indirect_vreg.scatter [tilespmem:s21], [sflag:$0x4], $0x80, v2, vm5, $0xb8;
	[tilespmem:$0x15B00] =	vst v63  }
0x13b: {  	_ = 	snop  }
0x13c: {  	[hbm4b:s5+s4] =	stream.indirect_vreg.scatter [tilespmem:s22], [sflag:$0x4], $0x80, v1, vm5, $0xb8;
	[tilespmem:$0x15B00] =	vst v63  }
0x13d: {  	_ = 	snop  }
0x13e: {  	[hbm4b:s11+s4] =	stream.indirect_vreg.scatter [tilespmem:s31], [sflag:$0x4], $0x80, v1, vm5, $0xb8;
	[tilespmem:$0x15B00] =	vst v63  }
0x13f: {  	_ = 	snop  }
0x140: {  	[hbm4b:s0+s4] =	stream.indirect_vreg.scatter [tilespmem:s3], [sflag:$0x4], $0x80, v1, vm5, $0xb8;
	[tilespmem:$0x15B00] =	vst v63  }
0x141: {  	v1 =	vld [tilespmem:$0xAA0];
	_ =	sdelay $0x4  }
0x142: {  	v2 =	vshrl.u32 v1, $0x3  }
0x143: {  	v2 =	vmul.u32 $0x30, v2  }
0x144: {  	v1 =	vand.u32 $0x7, v1  }
0x145: {  	v1 =	vor.u32 v1, v2  }
0x146: {  	v2 =	vperm.xlane v1, v28;
	_ =	sdelay $0x1  }
0x147: {  	v2 =	vadd.s32 v29, v2;
	_ =	sdelay $0x3  }
0x148: {  	v1 =	vperm.xlane v1, v30  }
0x149: {  	[hbm4b:s5+s4] =	stream.indirect_vreg.scatter [tilespmem:s24], [sflag:$0x4], $0x80, v2, vm5, $0xb8;
	[tilespmem:$0x15B00] =	vst v63  }
0x14a: {  	v1 =	vadd.s32 v29, v1  }
0x14b: {  	[hbm4b:s11+s4] =	stream.indirect_vreg.scatter [tilespmem:s25], [sflag:$0x4], $0x80, v2, vm5, $0xb8;
	[tilespmem:$0x15B00] =	vst v63  }
0x14c: {  	_ = 	snop  }
0x14d: {  	[hbm4b:s0+s4] =	stream.indirect_vreg.scatter [tilespmem:s26], [sflag:$0x4], $0x80, v2, vm5, $0xb8;
	[tilespmem:$0x15B00] =	vst v63  }
0x14e: {  	_ = 	snop  }
0x14f: {  	[hbm4b:s5+s4] =	stream.indirect_vreg.scatter [tilespmem:s15], [sflag:$0x4], $0x80, v1, vm5, $0xb8;
	[tilespmem:$0x15B00] =	vst v63  }
0x150: {  	s6 =	simm.s32 $0x13300  }
0x151: {  	[hbm4b:s11+s4] =	stream.indirect_vreg.scatter [tilespmem:s6], [sflag:$0x4], $0x80, v1, vm5, $0xb8;
	[tilespmem:$0x15B00] =	vst v63  }
0x152: {  	_ = 	snop  }
0x153: {  	[hbm4b:s0+s4] =	stream.indirect_vreg.scatter [tilespmem:s2], [sflag:$0x4], $0x80, v1, vm5, $0xb8;
	[tilespmem:$0x15B00] =	vst v63  }
0x154: {  	v1 =	vld.msk [tilespmem:$0xAB0], $0x3;
	_ =	sdelay $0x4  }
0x155: {  	v2 =	vshrl.u32 v1, $0x3  }
0x156: {  	v2 =	vmul.u32 $0x30, v2  }
0x157: {  	v1 =	vand.u32 $0x7, v1  }
0x158: {  	v1 =	vor.u32 v1, v2  }
0x159: {  	v1 =	vperm.xlane v1, v28;
	_ =	sdelay $0x1  }
0x15a: {  	v1 =	vadd.s32 v29, v1;
	_ =	sdelay $0x4  }
0x15b: {  	[hbm4b:s5+s4] =	stream.indirect_vreg.scatter [tilespmem:s17], [sflag:$0x4], $0x80, v1, vm4, $0xb8;
	[tilespmem:$0x15B00] =	vst v63  }
0x15c: {  	_ = 	snop  }
0x15d: {  	[hbm4b:s11+s4] =	stream.indirect_vreg.scatter [tilespmem:s7], [sflag:$0x4], $0x80, v1, vm4, $0xb8;
	[tilespmem:$0x15B00] =	vst v63  }
0x15e: {  	_ = 	snop  }
0x15f: {  	[hbm4b:s0+s4] =	stream.indirect_vreg.scatter [tilespmem:s8], [sflag:$0x4], $0x80, v1, vm4, $0xb8;
	[tilespmem:$0x15B00] =	vst v63  }
0x160: {  	s1 =	simm.s32 $0x5;
	s11 =	rddreg [dreg:$0x7]  }
0x161: {  	[hbm4b:s11+s4] =	stream.linear.scatter [tilespmem:s19], [sflag:$0x5], $0x188, $0x38;
	[tilespmem:$0x15B00] =	vst v63  }
0x162: {  	_ =	swait.ge [sflag:s1], $0x188  }
0x163: {  	[sflag:s1] =	ssyncset.done $0x0  }
0x164: {  	s12 =	rddreg [dreg:$0x8];
	[sflag:s1] =	ssyncadd.s32 $0xFFFFFE78  }
0x165: {  	[hbm4b:s12+s4] =	stream.linear.scatter [tilespmem:s18], [sflag:$0x5], $0x188, $0x38;
	[tilespmem:$0x15B00] =	vst v63  }
0x166: {  	_ =	swait.ge [sflag:s1], $0x188  }
0x167: {  	[sflag:s1] =	ssyncset.done $0x0  }
0x168: {  	s24 =	simm.s32 $0x3;
	[sflag:s1] =	ssyncadd.s32 $0xFFFFFE78  }
0x169: {  	_ =	swait.ge [sflag:s24], $0x9600  }
0x16a: {  	[sflag:s24] =	ssyncset.done $0x0  }
0x16b: {  	s25 =	simm.s32 $0x4;
	[sflag:s24] =	ssyncadd.s32 $0xFFFF6A00  }
0x16c: {  	_ =	swait.ge [sflag:s25], $0x9600  }
0x16d: {  	s10 =	sadd.s32 $0x1, s10;
	s26 =	rddreg [dreg:$0x9]  }
0x16e: {  	p0 =	sne.s32 s10, s26  }
.Ltmp1:
0x16f: {  	_ = 	snop;
	(pc) =	sbr.rel @!p0 .LBB2_14-.Ltmp1, $3  }
0x170: {  	_ =	sdelay $0x1  }
0x171: {  	[sflag:s25] =	ssyncset.done $0x0  }
0x172: {  	s2 =	simm.s32 $0x400;
	[sflag:s25] =	ssyncadd.s32 $0xFFFF6A00  }
.LBB2_1:
0x173: {  	s23 =	rddreg [dreg:$0x6]  }
0x174: {  	[tilespmem:s4], [sflag:$0x5] =	stream.linear.gather [hbm4b:s23+s4], $0x188, $0x38;
	[tilespmem:$0x15B00] =	vst v63  }
0x175: {  	_ =	swait.ge [sflag:s1], $0x188  }
0x176: {  	[sflag:s1] =	ssyncset.done $0x0  }
0x177: {  	[sflag:s1] =	ssyncadd.s32 $0xFFFFFE78  }
0x178: {  	v1 =	vld.idx.msk [tilespmem:v0+s4+$0x0], $0xffff;
	_ =	sdelay $0x4  }
0x179: {  	[tilespmem:$0x200] =	vst v1  }
0x17a: {  	[tilespmem:$0x300] =	vst v1  }
0x17b: {  	v1 =	vld.idx.msk [tilespmem:v10+s4+$0x0], $0xffff;
	_ =	sdelay $0x4  }
0x17c: {  	[tilespmem:$0x210] =	vst v1  }
0x17d: {  	[tilespmem:$0x310] =	vst v1  }
0x17e: {  	v1 =	vld.idx.msk [tilespmem:v11+s4+$0x0], $0xffff;
	_ =	sdelay $0x4  }
0x17f: {  	[tilespmem:$0x220] =	vst v1  }
0x180: {  	[tilespmem:$0x320] =	vst v1  }
0x181: {  	v1 =	vld.idx.msk [tilespmem:v12+s4+$0x0], $0xffff;
	_ =	sdelay $0x4  }
0x182: {  	[tilespmem:$0x230] =	vst v1  }
0x183: {  	[tilespmem:$0x330] =	vst v1  }
0x184: {  	v1 =	vld.idx.msk [tilespmem:v13+s4+$0x0], $0xffff;
	_ =	sdelay $0x4  }
0x185: {  	[tilespmem:$0x240] =	vst v1  }
0x186: {  	[tilespmem:$0x340] =	vst v1  }
0x187: {  	v1 =	vld.idx.msk [tilespmem:v14+s4+$0x0], $0xffff;
	_ =	sdelay $0x4  }
0x188: {  	[tilespmem:$0x250] =	vst v1  }
0x189: {  	[tilespmem:$0x350] =	vst v1  }
0x18a: {  	v1 =	vld.idx.msk [tilespmem:v15+s4+$0x0], $0xffff;
	_ =	sdelay $0x4  }
0x18b: {  	[tilespmem:$0x260] =	vst v1  }
0x18c: {  	[tilespmem:$0x360] =	vst v1  }
0x18d: {  	v1 =	vld.idx.msk [tilespmem:v16+s4+$0x0], $0xffff;
	_ =	sdelay $0x4  }
0x18e: {  	[tilespmem:$0x270] =	vst v1  }
0x18f: {  	[tilespmem:$0x370] =	vst v1  }
0x190: {  	v1 =	vld.idx.msk [tilespmem:v17+s4+$0x0], $0xffff;
	_ =	sdelay $0x4  }
0x191: {  	[tilespmem:$0x280] =	vst v1  }
0x192: {  	[tilespmem:$0x380] =	vst v1  }
0x193: {  	v1 =	vld.idx.msk [tilespmem:v18+s4+$0x0], $0xffff;
	_ =	sdelay $0x4  }
0x194: {  	[tilespmem:$0x290] =	vst v1  }
0x195: {  	[tilespmem:$0x390] =	vst v1  }
0x196: {  	v1 =	vld.idx.msk [tilespmem:v19+s4+$0x0], $0xffff;
	_ =	sdelay $0x4  }
0x197: {  	[tilespmem:$0x2A0] =	vst v1  }
0x198: {  	[tilespmem:$0x3A0] =	vst v1  }
0x199: {  	v1 =	vld.idx.msk [tilespmem:v20+s4+$0x0], $0xffff;
	_ =	sdelay $0x4  }
0x19a: {  	[tilespmem:$0x2B0] =	vst v1  }
0x19b: {  	[tilespmem:$0x3B0] =	vst v1  }
0x19c: {  	v1 =	vld.idx.msk [tilespmem:v22+s4+$0x0], $0xffff  }
0x19d: {  	v32 =	vld [tilespmem:$0x300]  }
0x19e: {  	v31 =	vld [tilespmem:$0x310]  }
0x19f: {  	v3 =	vmov s4;
	v25 =	vld [tilespmem:$0x320]  }
0x1a0: {  	v9 =	vld [tilespmem:$0x330]  }
0x1a1: {  	v8 =	vld [tilespmem:$0x340];
	v2 =	vnsel vm3, $0x3F800000, v1  }
0x1a2: {  	v7 =	vld [tilespmem:$0x350];
	[tilespmem:$0x2C0] =	vst v2  }
0x1a3: {  	v5 =	vld [tilespmem:$0x360];
	[tilespmem:$0x3C0] =	vst v2  }
0x1a4: {  	v41 =	vld.idx.msk [tilespmem:v3+s16+$0x0], $0xffff  }
0x1a5: {  	v40 =	vimm.s32 $0x0;
	v37 =	vimm.s32 $0x0;
	v6 =	vimm.s32 $0x0;
	v4 =	vld [tilespmem:$0x370]  }
0x1a6: {  	v26 =	vimm.s32 $0x0;
	v27 =	vimm.s32 $0x0;
	v33 =	vimm.s32 $0x0;
	v21 =	vld [tilespmem:$0x380]  }
0x1a7: {  	s26 =	simm.s32 $0x1;
	v34 =	vimm.s32 $0x0;
	v35 =	vimm.s32 $0x0;
	v36 =	vimm.s32 $0x0;
	v28 =	vld [tilespmem:$0x390]  }
0x1a8: {  	v38 =	vimm.s32 $0x0;
	v39 =	vimm.s32 $0x0;
	v48 =	vmov s26;
	v29 =	vld [tilespmem:$0x3A0]  }
0x1a9: {  	v30 =	vld [tilespmem:$0x3B0];
	v43 =	vsub.s32 v41, v32;
	v44 =	vsub.s32 v41, v31;
	v1 =	vsub.s32 v41, v2  }
0x1aa: {  	v45 =	vsub.s32 v41, v25;
	v42 =	vsub.s32 v41, v9;
	v47 =	vsub.s32 v41, v8  }
0x1ab: {  	v46 =	vsub.s32 v41, v7;
	v49 =	vsub.s32 v41, v5;
	v1 =	vshrl.u32 v1, $0x1F  }
0x1ac: {  	s23 =	simm.s32 $0x2;
	v50 =	vsub.s32 v41, v4;
	v3 =	vadd.s32 v23, v1;
	v1 =	vimm.s32 $0x0  }
.LBB2_2:
0x1ad: {  	p0 =	sne.s32 s23, $0xC3;
	v51 =	vsub.s32 v41, v21;
	v52 =	vsub.s32 v41, v28;
	v53 =	vsub.s32 v41, v29  }
0x1ae: {  	v43 =	vshrl.u32 v43, $0x1F;
	v44 =	vshrl.u32 v44, $0x1F;
	v54 =	vsub.s32 v41, v30  }
0x1af: {  	v45 =	vshrl.u32 v45, $0x1F;
	v42 =	vshrl.u32 v42, $0x1F;
	v47 =	vshrl.u32 v47, $0x1F  }
0x1b0: {  	v46 =	vshrl.u32 v46, $0x1F;
	v49 =	vshrl.u32 v49, $0x1F;
	v50 =	vshrl.u32 v50, $0x1F  }
0x1b1: {  	v41 =	vld.idx.msk [tilespmem:v48+s16+$0x0], $0xffff;
	v48 =	vshrl.u32 v51, $0x1F;
	v51 =	vshrl.u32 v52, $0x1F;
	v52 =	vshrl.u32 v53, $0x1F  }
0x1b2: {  	v40 =	vadd.s32 v40, v43;
	v37 =	vadd.s32 v37, v44;
	v43 =	vshrl.u32 v54, $0x1F  }
0x1b3: {  	v6 =	vadd.s32 v6, v45;
	v26 =	vadd.s32 v26, v42;
	v27 =	vadd.s32 v27, v47  }
0x1b4: {  	v33 =	vadd.s32 v33, v46;
	v34 =	vadd.s32 v34, v49;
	v35 =	vadd.s32 v35, v50  }
0x1b5: {  	v36 =	vadd.s32 v36, v48;
	v38 =	vadd.s32 v38, v51;
	v39 =	vadd.s32 v39, v52  }
.Ltmp2:
0x1b6: {  	v1 =	vadd.s32 v1, v43;
	(pc) =	sbr.rel @p0 .LBB2_2-.Ltmp2, $4  }
0x1b7: {  	v43 =	vsub.s32 v41, v32;
	v44 =	vsub.s32 v41, v31;
	v46 =	vsub.s32 v41, v2  }
0x1b8: {  	v45 =	vsub.s32 v41, v25;
	v42 =	vsub.s32 v41, v9;
	v48 =	vshrl.u32 v46, $0x1F  }
0x1b9: {  	v47 =	vsub.s32 v41, v8;
	v46 =	vsub.s32 v41, v7;
	v3 =	vadd.s32 v3, v48  }
0x1ba: {  	v49 =	vsub.s32 v41, v5;
	v50 =	vsub.s32 v41, v4;
	v48 =	vmov s23;
	s23 =	sadd.s32 $0x1, s23  }
0x1bb: {  	_ = 	snop  }
0x1bc: {  	v51 =	vsub.s32 v41, v21  }
0x1bd: {  	v52 =	vsub.s32 v41, v28;
	v53 =	vsub.s32 v41, v29;
	v43 =	vshrl.u32 v43, $0x1F  }
0x1be: {  	v44 =	vshrl.u32 v44, $0x1F;
	v63 =	vsub.s32 v41, v30;
	v45 =	vshrl.u32 v45, $0x1F  }
0x1bf: {  	v48 =	vld.idx.msk [tilespmem:v48+s16+$0x0], $0xffff;
	v42 =	vshrl.u32 v42, $0x1F;
	v47 =	vshrl.u32 v47, $0x1F;
	v46 =	vshrl.u32 v46, $0x1F;
	[tilespmem:$0x400] =	vst v23  }
0x1c0: {  	v49 =	vshrl.u32 v49, $0x1F;
	v50 =	vshrl.u32 v50, $0x1F;
	[tilespmem:$0x410] =	vst v23;
	v51 =	vshrl.u32 v51, $0x1F  }
0x1c1: {  	[tilespmem:$0x420] =	vst v23;
	v52 =	vshrl.u32 v52, $0x1F;
	v53 =	vshrl.u32 v53, $0x1F;
	v40 =	vadd.s32 v40, v43  }
0x1c2: {  	[tilespmem:$0x430] =	vst v23;
	v37 =	vadd.s32 v37, v44;
	v41 =	vshrl.u32 v63, $0x1F;
	v6 =	vadd.s32 v6, v45  }
0x1c3: {  	[tilespmem:$0x440] =	vst v23;
	v26 =	vadd.s32 v26, v42;
	v27 =	vadd.s32 v27, v47;
	v33 =	vadd.s32 v33, v46  }
0x1c4: {  	[tilespmem:$0x450] =	vst v23;
	v34 =	vadd.s32 v34, v49;
	v35 =	vadd.s32 v35, v50;
	v36 =	vadd.s32 v36, v51  }
0x1c5: {  	[tilespmem:$0x460] =	vst v23;
	v38 =	vadd.s32 v38, v52;
	v39 =	vadd.s32 v39, v53;
	v32 =	vsub.s32 v48, v32  }
0x1c6: {  	[tilespmem:$0x470] =	vst v23;
	v1 =	vadd.s32 v1, v41;
	v31 =	vsub.s32 v48, v31;
	v32 =	vshrl.u32 v32, $0x1F  }
0x1c7: {  	[tilespmem:$0x480] =	vst v23;
	v25 =	vsub.s32 v48, v25;
	v31 =	vshrl.u32 v31, $0x1F;
	v32 =	vadd.s32 v40, v32  }
0x1c8: {  	[tilespmem:$0x490] =	vst v23;
	v9 =	vsub.s32 v48, v9;
	v25 =	vshrl.u32 v25, $0x1F;
	v31 =	vadd.s32 v37, v31  }
0x1c9: {  	[tilespmem:$0x4A0] =	vst v23;
	v8 =	vsub.s32 v48, v8;
	v9 =	vshrl.u32 v9, $0x1F;
	v6 =	vadd.s32 v6, v25  }
0x1ca: {  	[tilespmem:$0x4B0] =	vst v23;
	v7 =	vsub.s32 v48, v7;
	v8 =	vshrl.u32 v8, $0x1F;
	v9 =	vadd.s32 v26, v9  }
0x1cb: {  	[tilespmem:$0x4C0] =	vst v23;
	v5 =	vsub.s32 v48, v5;
	v7 =	vshrl.u32 v7, $0x1F;
	v8 =	vadd.s32 v27, v8  }
0x1cc: {  	v4 =	vsub.s32 v48, v4;
	v5 =	vshrl.u32 v5, $0x1F;
	v7 =	vadd.s32 v33, v7;
	[tilespmem:v32+s2+$0x0] =	vst.idx.add.s32.msk $0xffff, v24  }
0x1cd: {  	v21 =	vsub.s32 v48, v21;
	v4 =	vshrl.u32 v4, $0x1F;
	v5 =	vadd.s32 v34, v5;
	[tilespmem:v31+s2+$0x0] =	vst.idx.add.s32.msk $0xffff, v24  }
0x1ce: {  	v21 =	vshrl.u32 v21, $0x1F;
	v25 =	vsub.s32 v48, v28;
	v4 =	vadd.s32 v35, v4;
	[tilespmem:v6+s2+$0x0] =	vst.idx.add.s32.msk $0xffff, v24  }
0x1cf: {  	v26 =	vsub.s32 v48, v29;
	v21 =	vadd.s32 v36, v21;
	v25 =	vshrl.u32 v25, $0x1F;
	[tilespmem:v9+s2+$0x0] =	vst.idx.add.s32.msk $0xffff, v24  }
0x1d0: {  	v27 =	vsub.s32 v48, v30;
	v26 =	vshrl.u32 v26, $0x1F;
	v25 =	vadd.s32 v38, v25;
	[tilespmem:v8+s2+$0x0] =	vst.idx.add.s32.msk $0xffff, v24  }
0x1d1: {  	v2 =	vsub.s32 v48, v2;
	v27 =	vshrl.u32 v27, $0x1F;
	v26 =	vadd.s32 v39, v26;
	[tilespmem:v7+s2+$0x0] =	vst.idx.add.s32.msk $0xffff, v24  }
0x1d2: {  	v2 =	vshrl.u32 v2, $0x1F;
	v1 =	vadd.s32 v1, v27;
	[tilespmem:v5+s2+$0x0] =	vst.idx.add.s32.msk $0xffff, v24  }
0x1d3: {  	v2 =	vadd.s32 v3, v2;
	[tilespmem:v4+s2+$0x0] =	vst.idx.add.s32.msk $0xffff, v24  }
0x1d4: {  	[tilespmem:v21+s2+$0x0] =	vst.idx.add.s32.msk $0xffff, v24  }
0x1d5: {  	[tilespmem:v25+s2+$0x0] =	vst.idx.add.s32.msk $0xffff, v24  }
0x1d6: {  	[tilespmem:v26+s2+$0x0] =	vst.idx.add.s32.msk $0xffff, v24  }
0x1d7: {  	[tilespmem:v1+s2+$0x0] =	vst.idx.add.s32.msk $0xffff, v24  }
0x1d8: {  	[tilespmem:v2+s2+$0x0] =	vst.idx.add.s32.msk $0xf, v24  }
0x1d9: {  	v3 =	vld [tilespmem:$0x400]  }
0x1da: {  	v27 =	vld [tilespmem:$0x410];
	_ =	sdelay $0x1  }
0x1db: {  	v56 =	vld [tilespmem:$0x420];
	_ =	sdelay $0x1  }
0x1dc: {  	v57 =	vld [tilespmem:$0x430]  }
0x1dd: {  	vm0 =	vgt.s32 v3, v27  }
0x1de: {  	v3 =	vsel vm0, v3, v27;
	v27 =	vld [tilespmem:$0x440]  }
0x1df: {  	vm0 =	vgt.s32 v3, v56  }
0x1e0: {  	v58 =	vld [tilespmem:$0x450];
	v3 =	vsel vm0, v3, v56  }
0x1e1: {  	vm0 =	vgt.s32 v3, v57  }
0x1e2: {  	v59 =	vld [tilespmem:$0x460];
	v3 =	vsel vm0, v3, v57  }
0x1e3: {  	vm0 =	vgt.s32 v3, v27  }
0x1e4: {  	v3 =	vsel vm0, v3, v27;
	v27 =	vld [tilespmem:$0x470]  }
0x1e5: {  	vm0 =	vgt.s32 v3, v58  }
0x1e6: {  	v60 =	vld [tilespmem:$0x480];
	v3 =	vsel vm0, v3, v58  }
0x1e7: {  	vm0 =	vgt.s32 v3, v59  }
0x1e8: {  	v61 =	vld [tilespmem:$0x490];
	v3 =	vsel vm0, v3, v59  }
0x1e9: {  	vm0 =	vgt.s32 v3, v27  }
0x1ea: {  	v3 =	vsel vm0, v3, v27;
	v27 =	vld [tilespmem:$0x4A0]  }
0x1eb: {  	vm0 =	vgt.s32 v3, v60  }
0x1ec: {  	v62 =	vld [tilespmem:$0x4B0];
	v3 =	vsel vm0, v3, v60  }
0x1ed: {  	vm0 =	vgt.s32 v3, v61  }
0x1ee: {  	v63 =	vld [tilespmem:$0x4C0];
	v3 =	vsel vm0, v3, v61  }
0x1ef: {  	vm0 =	vgt.s32 v3, v27  }
0x1f0: {  	v3 =	vsel vm0, v3, v27  }
0x1f1: {  	vm0 =	vgt.s32 v3, v62  }
0x1f2: {  	v3 =	vsel vm0, v3, v62  }
0x1f3: {  	vm1 =	vgt.s32 v3, v63  }
0x1f4: {  	v3 =	vsel vm1, v3, v63  }
0x1f5: {  	vm2 =	vgt.s32 v3, $0x0  }
0x1f6: {  	vm0 =	vlt.s32 v32, $0xC4;
	v3 =	vnsel vm2, $0x0, v3  }
0x1f7: {  	v3 =	vor.u32 $0x80000000, v3  }
0x1f8: {  	vm1 =	vlt.s32 v31, $0xC4;
	(xrf0) =	vmax.scan.msk.u32 $0xffff, v3;
	_ =	sdelay $0x1  }
0x1f9: {  	vm2 =	vlt.s32 v6, $0xC4  }
0x1fa: {  	[tilespmem:v0+s18+$0x0] =	vst.idx.msk $0xffff, v32  }
0x1fb: {  	[tilespmem:v32+s19+$0x0] =	vst.idx.msk vm0, v0;
	vm0 =	vlt.s32 v9, $0xC4  }
0x1fc: {  	[tilespmem:v10+s18+$0x0] =	vst.idx.msk $0xffff, v31  }
0x1fd: {  	[tilespmem:v31+s19+$0x0] =	vst.idx.msk vm1, v10;
	vm1 =	vlt.s32 v8, $0xC4;
	v3, _, _ =	vpop (xrf0)  }
0x1fe: {  	[tilespmem:v11+s18+$0x0] =	vst.idx.msk $0xffff, v6;
	(v2sf) =	vpush v3, $0xF  }
0x1ff: {  	[tilespmem:v6+s19+$0x0] =	vst.idx.msk vm2, v11;
	vm2 =	vlt.s32 v7, $0xC4  }
0x200: {  	[tilespmem:v12+s18+$0x0] =	vst.idx.msk $0xffff, v9  }
0x201: {  	[tilespmem:v9+s19+$0x0] =	vst.idx.msk vm0, v12;
	vm0 =	vlt.s32 v5, $0xC4  }
0x202: {  	[tilespmem:v13+s18+$0x0] =	vst.idx.msk $0xffff, v8  }
0x203: {  	[tilespmem:v8+s19+$0x0] =	vst.idx.msk vm1, v13;
	vm1 =	vlt.s32 v4, $0xC4  }
0x204: {  	[tilespmem:v14+s18+$0x0] =	vst.idx.msk $0xffff, v7  }
0x205: {  	[tilespmem:v7+s19+$0x0] =	vst.idx.msk vm2, v14;
	vm2 =	vlt.s32 v21, $0xC4  }
0x206: {  	[tilespmem:v15+s18+$0x0] =	vst.idx.msk $0xffff, v5  }
0x207: {  	[tilespmem:v5+s19+$0x0] =	vst.idx.msk vm0, v15;
	vm0 =	vlt.s32 v25, $0xC4  }
0x208: {  	[tilespmem:v16+s18+$0x0] =	vst.idx.msk $0xffff, v4  }
0x209: {  	[tilespmem:v4+s19+$0x0] =	vst.idx.msk vm1, v16;
	vm1 =	vlt.s32 v26, $0xC4  }
0x20a: {  	[tilespmem:v17+s18+$0x0] =	vst.idx.msk $0xffff, v21  }
0x20b: {  	[tilespmem:v21+s19+$0x0] =	vst.idx.msk vm2, v17;
	vm2 =	vlt.s32 v1, $0xC4  }
0x20c: {  	[tilespmem:v18+s18+$0x0] =	vst.idx.msk $0xffff, v25  }
0x20d: {  	[tilespmem:v25+s19+$0x0] =	vst.idx.msk vm0, v18;
	vm0 =	vlt.s32 v2, $0xC4;
	s23 =	spop (v2sf)  }
0x20e: {  	[tilespmem:v19+s18+$0x0] =	vst.idx.msk $0xffff, v26;
	p0 =	slt.u32 s23, $0x80000002  }
.Ltmp3:
0x20f: {  	[tilespmem:v26+s19+$0x0] =	vst.idx.msk vm1, v19;
	(pc) =	sbr.rel @p0 .LBB2_7-.Ltmp3, $4  }
0x210: {  	[tilespmem:v20+s18+$0x0] =	vst.idx.msk $0xffff, v1  }
0x211: {  	[tilespmem:v1+s19+$0x0] =	vst.idx.msk vm2, v20  }
0x212: {  	[tilespmem:v22+s18+$0x0] =	vst.idx.msk $0xf, v2  }
0x213: {  	[tilespmem:v2+s19+$0x0] =	vst.idx.msk vm0, v22  }
0x214: {  	s23 =	simm.s32 $0x0  }
0x215: {  	v1 =	vmov s23;
	_ =	sdelay $0x2  }
0x216: {  	v41 =	vld [tilespmem:$0x200]  }
0x217: {  	v28 =	vld [tilespmem:$0x2C0];
	v7 =	vimm.s32 $0x0;
	v8 =	vimm.s32 $0x0;
	v5 =	vimm.s32 $0x0  }
0x218: {  	v4 =	vimm.s32 $0x0;
	v47 =	vimm.s32 $0x0;
	v46 =	vimm.s32 $0x0;
	v2 =	vld.idx.msk [tilespmem:v1+s20+$0x0], $0xffff  }
0x219: {  	v40 =	vld [tilespmem:$0x210];
	v45 =	vimm.s32 $0x0;
	v44 =	vimm.s32 $0x0;
	v43 =	vimm.s32 $0x0  }
0x21a: {  	v38 =	vld [tilespmem:$0x220];
	v42 =	vimm.s32 $0x0;
	vm3 =	vlt.u32 v1, v0;
	vm4 =	vlt.u32 v1, v10  }
0x21b: {  	v37 =	vld [tilespmem:$0x230];
	vm5 =	vlt.u32 v1, v11;
	vm6 =	vlt.u32 v1, v12;
	vm7 =	vlt.u32 v1, v13  }
0x21c: {  	v36 =	vld [tilespmem:$0x240];
	vm8 =	vlt.u32 v1, v14;
	vm9 =	vlt.u32 v1, v15;
	vm2 =	vlt.u32 v1, v16  }
0x21d: {  	v35 =	vld [tilespmem:$0x250];
	vm0 =	vlt.u32 v1, v17;
	vm11 =	vlt.u32 v1, v22;
	vm10 =	veq.f32 v2, v28  }
0x21e: {  	v34 =	vld [tilespmem:$0x260];
	vm1 =	vlt.u32 v1, v18;
	vm13 =	vlt.f32 v2, v28;
	vm10 =	vmand vm11, vm10  }
0x21f: {  	v33 =	vld [tilespmem:$0x270];
	vm12 =	vlt.u32 v1, v19;
	vm11 =	vlt.u32 v1, v20;
	vm10 =	vmor vm13, vm10  }
0x220: {  	v32 =	vld [tilespmem:$0x280];
	v1 =	vimm.s32 $0x0;
	vm13 =	veq.f32 v2, v41;
	v3 =	vsel vm10, $0x1, v23  }
0x221: {  	v31 =	vld [tilespmem:$0x290];
	vm10 =	veq.f32 v2, v40;
	vm3 =	vmand vm3, vm13;
	vm13 =	veq.f32 v2, v38  }
0x222: {  	v29 =	vld [tilespmem:$0x2B0];
	vm4 =	vmand vm4, vm10;
	vm10 =	veq.f32 v2, v37;
	vm5 =	vmand vm5, vm13  }
0x223: {  	vm13 =	veq.f32 v2, v36;
	vm6 =	vmand vm6, vm10;
	vm10 =	veq.f32 v2, v35  }
0x224: {  	v30 =	vld [tilespmem:$0x2A0];
	vm7 =	vmand vm7, vm13;
	vm13 =	veq.f32 v2, v34;
	vm8 =	vmand vm8, vm10  }
0x225: {  	vm10 =	veq.f32 v2, v33;
	vm9 =	vmand vm9, vm13;
	vm13 =	veq.f32 v2, v32  }
0x226: {  	vm2 =	vmand vm2, vm10;
	vm10 =	veq.f32 v2, v31;
	vm0 =	vmand vm0, vm13  }
0x227: {  	s26 =	simm.s32 $0x1;
	v1 =	vsel vm0, $0xFFFFFFFF, v1;
	vm1 =	vmand vm1, vm10;
	vm10 =	veq.f32 v2, v29  }
0x228: {  	v49 =	vmov s26;
	[tilespmem:$0x1FEF0] =	vst v1;
	vm0 =	vmand vm11, vm10;
	v1 =	vimm.s32 $0x0  }
0x229: {  	v39 =	vadd.s32 v3, v7;
	vm13 =	veq.f32 v2, v30;
	v1 =	vsel vm0, $0xFFFFFFFF, v1  }
0x22a: {  	vm12 =	vmand vm12, vm13;
	vm13 =	vlt.f32 v2, v41;
	vm11 =	vlt.f32 v2, v40;
	[tilespmem:$0x1FF00] =	vst v1;
	v1 =	vld [tilespmem:$0x1FEF0]  }
0x22b: {  	vm13 =	vmor vm13, vm3;
	vm3 =	vlt.f32 v2, v38;
	vm11 =	vmor vm11, vm4  }
0x22c: {  	vm4 =	vlt.f32 v2, v37;
	vm14 =	vmor vm3, vm5;
	vm3 =	vlt.f32 v2, v36  }
0x22d: {  	vm15 =	vmor vm4, vm6;
	vm4 =	vlt.f32 v2, v35;
	vm0 =	vmor vm3, vm7  }
0x22e: {  	vm3 =	vlt.f32 v2, v34;
	vm8 =	vmor vm4, vm8;
	vm4 =	vlt.f32 v2, v33  }
0x22f: {  	vm9 =	vmor vm3, vm9;
	vm3 =	vmor vm4, vm2;
	vm4 =	vnez.u8 v1;
	v1 =	vld [tilespmem:$0x1FF00]  }
0x230: {  	v3 =	vimm.s32 $0x0;
	vm5 =	vlt.f32 v2, v32;
	v27 =	vsel vm13, $0x1, v23  }
0x231: {  	v6 =	vsel vm11, $0x1, v23;
	v48 =	vsel vm15, $0x1, v23;
	v26 =	vsel vm0, $0x1, v23  }
0x232: {  	vm2 =	vlt.f32 v2, v31;
	v21 =	vsel vm8, $0x1, v23;
	v9 =	vsel vm9, $0x1, v23  }
0x233: {  	vm10 =	vmor vm5, vm4;
	vm5 =	vmor vm2, vm1;
	vm1 =	vlt.f32 v2, v30  }
0x234: {  	vm4 =	vmor vm1, vm12;
	vm1 =	vlt.f32 v2, v29;
	vm2 =	vnez.u8 v1  }
0x235: {  	s23 =	simm.s32 $0x2;
	v2 =	vimm.s32 $0x0;
	v1 =	vsel vm14, $0x1, v23;
	vm7 =	vmor vm1, vm2  }
.LBB2_5:
0x236: {  	vm0 =	vlt.u32 v49, v11;
	v25 =	vimm.s32 $0x0  }
0x237: {  	v25 =	vsel vm0, $0xFFFFFFFF, v25  }
0x238: {  	vm0 =	vlt.u32 v49, v12;
	[tilespmem:$0x1FE10] =	vst v25;
	v25 =	vimm.s32 $0x0  }
0x239: {  	v25 =	vsel vm0, $0xFFFFFFFF, v25  }
0x23a: {  	vm0 =	vlt.u32 v49, v13;
	[tilespmem:$0x1FE20] =	vst v25;
	v25 =	vimm.s32 $0x0  }
0x23b: {  	v25 =	vsel vm0, $0xFFFFFFFF, v25  }
0x23c: {  	vm0 =	vlt.u32 v49, v14;
	[tilespmem:$0x1FE30] =	vst v25;
	v25 =	vimm.s32 $0x0  }
0x23d: {  	v25 =	vsel vm0, $0xFFFFFFFF, v25  }
0x23e: {  	vm0 =	vlt.u32 v49, v17;
	[tilespmem:$0x1FE40] =	vst v25;
	v25 =	vimm.s32 $0x0  }
0x23f: {  	v25 =	vsel vm0, $0xFFFFFFFF, v25  }
0x240: {  	vm0 =	vlt.u32 v49, v19;
	[tilespmem:$0x1FE50] =	vst v25;
	v25 =	vimm.s32 $0x0  }
0x241: {  	v25 =	vsel vm0, $0xFFFFFFFF, v25  }
0x242: {  	vm0 =	vlt.u32 v49, v20;
	[tilespmem:$0x1FE60] =	vst v25;
	v25 =	vimm.s32 $0x0  }
0x243: {  	v25 =	vsel vm0, $0xFFFFFFFF, v25  }
0x244: {  	[tilespmem:$0x1FE70] =	vst v25;
	v25 =	vld.idx.msk [tilespmem:v49+s20+$0x0], $0xffff;
	_ =	sdelay $0x3  }
0x245: {  	v52 =	vsel vm5, $0x1, v23;
	v7 =	vadd.s32 v27, v7  }
0x246: {  	v27 =	vsel vm4, $0x1, v23;
	vm5 =	vlt.u32 v49, v22;
	vm4 =	veq.f32 v25, v28  }
0x247: {  	v53 =	vsel vm7, $0x1, v23;
	vm7 =	vlt.f32 v25, v28;
	vm4 =	vmand vm5, vm4  }
0x248: {  	vm4 =	vmor vm7, vm4  }
0x249: {  	v5 =	vadd.s32 v1, v5;
	v1 =	vsel vm4, $0x1, v23  }
0x24a: {  	v39 =	vadd.s32 v1, v39;
	v1 =	vld [tilespmem:$0x1FE10];
	_ =	sdelay $0x3  }
0x24b: {  	vm12 =	vlt.u32 v49, v0;
	v51 =	vsel vm10, $0x1, v23;
	vm10 =	veq.f32 v25, v41  }
0x24c: {  	vm10 =	vmand vm12, vm10;
	vm12 =	vnez.u8 v1;
	v1 =	vld [tilespmem:$0x1FE20];
	_ =	sdelay $0x3  }
0x24d: {  	vm8 =	veq.f32 v25, v38  }
0x24e: {  	vm6 =	veq.f32 v25, v37;
	vm8 =	vmand vm12, vm8;
	vm12 =	vnez.u8 v1  }
0x24f: {  	v1 =	vimm.s32 $0x0;
	vm6 =	vmand vm12, vm6  }
0x250: {  	v1 =	vsel vm6, $0xFFFFFFFF, v1  }
0x251: {  	[tilespmem:$0x1FE80] =	vst v1;
	v1 =	vld [tilespmem:$0x1FE30];
	_ =	sdelay $0x4  }
0x252: {  	vm6 =	vnez.u8 v1;
	v1 =	vld [tilespmem:$0x1FE40];
	_ =	sdelay $0x3  }
0x253: {  	vm7 =	veq.f32 v25, v36  }
0x254: {  	vm5 =	veq.f32 v25, v35;
	vm7 =	vmand vm6, vm7;
	vm6 =	vnez.u8 v1  }
0x255: {  	v1 =	vimm.s32 $0x0;
	vm5 =	vmand vm6, vm5  }
0x256: {  	vm13 =	vlt.u32 v49, v15;
	vm4 =	veq.f32 v25, v34;
	v1 =	vsel vm5, $0xFFFFFFFF, v1  }
0x257: {  	vm14 =	vlt.u32 v49, v16;
	vm4 =	vmand vm13, vm4;
	[tilespmem:$0x1FE90] =	vst v1;
	v1 =	vimm.s32 $0x0  }
0x258: {  	v50 =	vsel vm3, $0x1, v23;
	vm3 =	veq.f32 v25, v33;
	v1 =	vsel vm4, $0xFFFFFFFF, v1  }
0x259: {  	vm3 =	vmand vm14, vm3;
	[tilespmem:$0x1FEA0] =	vst v1;
	v1 =	vimm.s32 $0x0  }
0x25a: {  	v1 =	vsel vm3, $0xFFFFFFFF, v1  }
0x25b: {  	[tilespmem:$0x1FEB0] =	vst v1;
	v1 =	vld [tilespmem:$0x1FE50];
	_ =	sdelay $0x4  }
0x25c: {  	vm0 =	veq.f32 v25, v32;
	vm3 =	vnez.u8 v1  }
0x25d: {  	v1 =	vimm.s32 $0x0;
	vm0 =	vmand vm3, vm0  }
0x25e: {  	vm15 =	vlt.u32 v49, v18;
	vm1 =	veq.f32 v25, v31;
	v1 =	vsel vm0, $0xFFFFFFFF, v1  }
0x25f: {  	vm0 =	vmand vm15, vm1;
	[tilespmem:$0x1FEC0] =	vst v1;
	v1 =	vimm.s32 $0x0  }
0x260: {  	v1 =	vsel vm0, $0xFFFFFFFF, v1  }
0x261: {  	[tilespmem:$0x1FED0] =	vst v1;
	v1 =	vld [tilespmem:$0x1FE60];
	_ =	sdelay $0x4  }
0x262: {  	vm2 =	veq.f32 v25, v30;
	vm0 =	vnez.u8 v1  }
0x263: {  	v1 =	vimm.s32 $0x0;
	vm0 =	vmand vm0, vm2  }
0x264: {  	v1 =	vsel vm0, $0xFFFFFFFF, v1  }
0x265: {  	[tilespmem:$0x1FEE0] =	vst v1;
	v1 =	vld [tilespmem:$0x1FE70];
	_ =	sdelay $0x4  }
0x266: {  	vm0 =	vnez.u8 v1;
	v1 =	vld [tilespmem:$0x1FE80];
	_ =	sdelay $0x3  }
0x267: {  	vm12 =	vlt.f32 v25, v41  }
0x268: {  	vm12 =	vmor vm12, vm10;
	vm10 =	vnez.u8 v1;
	v1 =	vld [tilespmem:$0x1FE90];
	_ =	sdelay $0x1  }
0x269: {  	vm11 =	vlt.u32 v49, v10;
	vm9 =	veq.f32 v25, v40  }
0x26a: {  	vm9 =	vmand vm11, vm9;
	vm11 =	veq.f32 v25, v29  }
0x26b: {  	vm11 =	vmand vm0, vm11;
	vm0 =	vlt.f32 v25, v36  }
0x26c: {  	vm0 =	vmor vm0, vm7;
	vm7 =	vnez.u8 v1;
	v1 =	vld [tilespmem:$0x1FEA0];
	_ =	sdelay $0x3  }
0x26d: {  	vm1 =	vlt.f32 v25, v35  }
0x26e: {  	vm1 =	vmor vm1, vm7;
	vm7 =	vnez.u8 v1;
	v1 =	vld [tilespmem:$0x1FEB0];
	_ =	sdelay $0x3  }
0x26f: {  	vm2 =	vlt.f32 v25, v34  }
0x270: {  	vm2 =	vmor vm2, vm7;
	vm7 =	vnez.u8 v1;
	v1 =	vld [tilespmem:$0x1FEC0];
	_ =	sdelay $0x3  }
0x271: {  	vm3 =	vlt.f32 v25, v33  }
0x272: {  	v8 =	vadd.s32 v6, v8;
	vm3 =	vmor vm3, vm7;
	vm7 =	vnez.u8 v1;
	v1 =	vld [tilespmem:$0x1FED0]  }
0x273: {  	v4 =	vadd.s32 v48, v4;
	v47 =	vadd.s32 v26, v47;
	v3 =	vadd.s32 v21, v3  }
0x274: {  	v2 =	vadd.s32 v9, v2;
	v46 =	vadd.s32 v50, v46;
	v45 =	vadd.s32 v51, v45  }
0x275: {  	v44 =	vadd.s32 v52, v44;
	vm14 =	vlt.f32 v25, v38;
	vm13 =	vlt.f32 v25, v40  }
0x276: {  	vm8 =	vmor vm14, vm8;
	vm4 =	vlt.f32 v25, v32;
	vm15 =	vlt.f32 v25, v37  }
0x277: {  	vm14 =	vmor vm15, vm10;
	vm10 =	vmor vm4, vm7;
	vm4 =	vnez.u8 v1;
	v1 =	vld [tilespmem:$0x1FEE0]  }
0x278: {  	p0 =	sne.s32 s23, $0xC3;
	v43 =	vadd.s32 v27, v43;
	v42 =	vadd.s32 v53, v42;
	vm9 =	vmor vm13, vm9  }
.Ltmp4:
0x279: {  	v49 =	vmov s23;
	vm13 =	vlt.f32 v25, v29;
	v6 =	vsel vm9, $0x1, v23;
	(pc) =	sbr.rel @p0 .LBB2_5-.Ltmp4, $4  }
0x27a: {  	v27 =	vsel vm12, $0x1, v23;
	vm6 =	vlt.f32 v25, v30;
	vm5 =	vlt.f32 v25, v31  }
0x27b: {  	v26 =	vsel vm0, $0x1, v23;
	v48 =	vsel vm14, $0x1, v23;
	v21 =	vsel vm1, $0x1, v23  }
0x27c: {  	v9 =	vsel vm2, $0x1, v23;
	vm5 =	vmor vm5, vm4;
	vm4 =	vnez.u8 v1  }
0x27d: {  	s23 =	sadd.s32 $0x1, s23;
	vm7 =	vmor vm13, vm11;
	v1 =	vsel vm8, $0x1, v23;
	vm4 =	vmor vm6, vm4  }
0x27e: {  	_ =	sdelay $0x2  }
0x27f: {  	vm0 =	vlt.u32 v49, v0  }
0x280: {  	v25 =	vld.idx.msk [tilespmem:v49+s20+$0x0], $0xffff;
	vm1 =	vlt.u32 v49, v10;
	vm2 =	vlt.u32 v49, v11;
	vm6 =	vlt.u32 v49, v12  }
0x281: {  	vm8 =	vlt.u32 v49, v13;
	vm9 =	vlt.u32 v49, v14;
	vm11 =	vlt.u32 v49, v15  }
0x282: {  	vm12 =	vlt.u32 v49, v16;
	vm14 =	vlt.u32 v49, v22;
	v50 =	vimm.s32 $0x0  }
0x283: {  	v57 =	vimm.s32 $0x0;
	v58 =	vimm.s32 $0x0;
	v59 =	vimm.s32 $0x0  }
0x284: {  	v60 =	vsel vm3, $0x1, v23;
	v51 =	vsel vm5, $0x1, v23;
	v62 =	vsel vm4, $0x1, v23  }
0x285: {  	v7 =	vadd.s32 v27, v7;
	vm13 =	veq.f32 v25, v28;
	vm15 =	veq.f32 v25, v41  }
0x286: {  	v6 =	vadd.s32 v6, v8;
	vm13 =	vmand vm14, vm13;
	vm15 =	vmand vm0, vm15  }
0x287: {  	vm14 =	veq.f32 v25, v38;
	v50 =	vsel vm13, $0xFFFFFFFF, v50;
	vm13 =	veq.f32 v25, v40  }
0x288: {  	vm14 =	vmand vm2, vm14;
	vm2 =	veq.f32 v25, v36;
	vm0 =	vmand vm1, vm13  }
0x289: {  	vm13 =	veq.f32 v25, v37;
	vm8 =	vmand vm8, vm2;
	vm2 =	veq.f32 v25, v34  }
0x28a: {  	vm1 =	veq.f32 v25, v29;
	vm13 =	vmand vm6, vm13;
	vm6 =	veq.f32 v25, v35  }
0x28b: {  	[tilespmem:$0x1FE00] =	vst v50;
	v50 =	vsel vm0, $0xFFFFFFFF, v57;
	vm0 =	vmand vm9, vm6;
	vm6 =	veq.f32 v25, v33  }
0x28c: {  	[tilespmem:$0x1FDD0] =	vst v50;
	vm9 =	vlt.u32 v49, v17;
	v50 =	vsel vm0, $0xFFFFFFFF, v58;
	vm0 =	vmand vm11, vm2  }
0x28d: {  	vm6 =	vmand vm12, vm6;
	vm12 =	vlt.u32 v49, v18;
	vm11 =	veq.f32 v25, v32;
	v8 =	vld [tilespmem:$0x1FDD0]  }
0x28e: {  	vm2 =	vlt.u32 v49, v19;
	[tilespmem:$0x1FDE0] =	vst v50;
	v50 =	vsel vm0, $0xFFFFFFFF, v59;
	vm0 =	veq.f32 v25, v31  }
0x28f: {  	vm11 =	vmand vm9, vm11;
	vm9 =	vmand vm12, vm0;
	vm12 =	vlt.u32 v49, v20  }
0x290: {  	vm0 =	veq.f32 v25, v30;
	vm12 =	vmand vm12, vm1;
	vm1 =	vlt.f32 v25, v41  }
0x291: {  	v1 =	vadd.s32 v1, v5;
	vm0 =	vmand vm2, vm0;
	vm1 =	vmor vm1, vm15  }
0x292: {  	v27 =	vsel vm1, $0x1, v23;
	vm1 =	vlt.f32 v25, v40;
	vm2 =	vnez.u8 v8  }
0x293: {  	v4 =	vadd.s32 v48, v4;
	vm1 =	vmor vm1, vm2;
	v7 =	vadd.s32 v27, v7  }
0x294: {  	vm2 =	vlt.f32 v25, v38;
	v8 =	vsel vm1, $0x1, v23;
	vm1 =	vlt.s32 v7, $0xC4  }
0x295: {  	v3 =	vadd.s32 v21, v3;
	[tilespmem:$0x1FDF0] =	vst v50;
	v53 =	vld [tilespmem:$0x1FDE0];
	vm2 =	vmor vm2, vm14;
	v63 =	vadd.s32 v8, v6  }
0x296: {  	vm3 =	vlt.f32 v25, v37;
	v55 =	vld [tilespmem:$0x1FDF0];
	v38 =	vsel vm2, $0x1, v23;
	vm2 =	vlt.s32 v63, $0xC4  }
0x297: {  	vm4 =	vlt.f32 v25, v36;
	vm3 =	vmor vm3, vm13;
	v1 =	vadd.s32 v38, v1  }
0x298: {  	vm4 =	vmor vm4, vm8;
	v40 =	vsel vm3, $0x1, v23;
	vm3 =	vlt.s32 v1, $0xC4  }
0x299: {  	v48 =	vsel vm4, $0x1, v23;
	vm4 =	vlt.f32 v25, v35;
	v4 =	vadd.s32 v40, v4;
	[tilespmem:v0+s18+$0x0] =	vst.idx.msk $0xffff, v7  }
0x29a: {  	vm5 =	vnez.u8 v53;
	v8 =	vadd.s32 v26, v47;
	[tilespmem:v7+s19+$0x0] =	vst.idx.msk vm1, v0;
	vm1 =	vlt.s32 v4, $0xC4  }
0x29b: {  	vm4 =	vmor vm4, vm5;
	vm5 =	vnez.u8 v55;
	v6 =	vadd.s32 v48, v8;
	[tilespmem:v10+s18+$0x0] =	vst.idx.msk $0xffff, v63  }
0x29c: {  	v54 =	vsel vm4, $0x1, v23;
	vm4 =	vlt.f32 v25, v34;
	[tilespmem:v63+s19+$0x0] =	vst.idx.msk vm2, v10;
	vm2 =	vlt.s32 v6, $0xC4  }
0x29d: {  	v2 =	vadd.s32 v9, v2;
	vm4 =	vmor vm4, vm5;
	v3 =	vadd.s32 v54, v3;
	[tilespmem:v11+s18+$0x0] =	vst.idx.msk $0xffff, v1  }
0x29e: {  	v56 =	vsel vm4, $0x1, v23;
	vm4 =	vlt.f32 v25, v33;
	[tilespmem:v1+s19+$0x0] =	vst.idx.msk vm3, v11;
	vm3 =	vlt.s32 v3, $0xC4  }
0x29f: {  	vm4 =	vmor vm4, vm6;
	v2 =	vadd.s32 v56, v2;
	[tilespmem:v12+s18+$0x0] =	vst.idx.msk $0xffff, v4  }
0x2a0: {  	v57 =	vsel vm4, $0x1, v23;
	v1 =	vadd.s32 v60, v46;
	[tilespmem:v4+s19+$0x0] =	vst.idx.msk vm1, v12;
	vm1 =	vlt.s32 v2, $0xC4  }
0x2a1: {  	v1 =	vadd.s32 v57, v1;
	[tilespmem:v13+s18+$0x0] =	vst.idx.msk $0xffff, v6  }
0x2a2: {  	[tilespmem:v6+s19+$0x0] =	vst.idx.msk vm2, v13;
	vm2 =	vlt.s32 v1, $0xC4  }
0x2a3: {  	[tilespmem:v14+s18+$0x0] =	vst.idx.msk $0xffff, v3  }
0x2a4: {  	vm4 =	vlt.f32 v25, v32;
	[tilespmem:v3+s19+$0x0] =	vst.idx.msk vm3, v14  }
0x2a5: {  	vm4 =	vmor vm4, vm11;
	[tilespmem:v15+s18+$0x0] =	vst.idx.msk $0xffff, v2  }
0x2a6: {  	v61 =	vsel vm10, $0x1, v23;
	v59 =	vsel vm4, $0x1, v23;
	vm4 =	vlt.f32 v25, v31;
	[tilespmem:v2+s19+$0x0] =	vst.idx.msk vm1, v15  }
0x2a7: {  	v58 =	vadd.s32 v61, v45;
	vm4 =	vmor vm4, vm9;
	v60 =	vadd.s32 v51, v44;
	[tilespmem:v16+s18+$0x0] =	vst.idx.msk $0xffff, v1  }
0x2a8: {  	v61 =	vsel vm4, $0x1, v23;
	vm4 =	vlt.f32 v25, v30;
	v4 =	vadd.s32 v59, v58;
	[tilespmem:v1+s19+$0x0] =	vst.idx.msk vm2, v16;
	v1 =	vld [tilespmem:$0x1FE00]  }
0x2a9: {  	vm0 =	vmor vm4, vm0;
	v5 =	vadd.s32 v61, v60;
	vm3 =	vlt.s32 v4, $0xC4  }
0x2aa: {  	v3 =	vadd.s32 v62, v43;
	v62 =	vsel vm0, $0x1, v23;
	vm0 =	vlt.f32 v25, v29  }
0x2ab: {  	v52 =	vsel vm7, $0x1, v23;
	vm0 =	vmor vm0, vm12;
	vm1 =	vlt.s32 v5, $0xC4  }
0x2ac: {  	v3 =	vadd.s32 v62, v3;
	v2 =	vadd.s32 v52, v42;
	v63 =	vsel vm0, $0x1, v23  }
0x2ad: {  	vm0 =	vlt.f32 v25, v28;
	vm2 =	vlt.s32 v3, $0xC4;
	vm4 =	vnez.u8 v1  }
0x2ae: {  	[tilespmem:v17+s18+$0x0] =	vst.idx.msk $0xffff, v4;
	v1 =	vadd.s32 v63, v2;
	vm0 =	vmor vm0, vm4  }
0x2af: {  	[tilespmem:v4+s19+$0x0] =	vst.idx.msk vm3, v17;
	v2 =	vsel vm0, $0x1, v23;
	vm0 =	vlt.s32 v1, $0xC4  }
0x2b0: {  	[tilespmem:v18+s18+$0x0] =	vst.idx.msk $0xffff, v5  }
0x2b1: {  	[tilespmem:v5+s19+$0x0] =	vst.idx.msk vm1, v18  }
0x2b2: {  	[tilespmem:v19+s18+$0x0] =	vst.idx.msk $0xffff, v3  }
0x2b3: {  	[tilespmem:v3+s19+$0x0] =	vst.idx.msk vm2, v19  }
0x2b4: {  	[tilespmem:v20+s18+$0x0] =	vst.idx.msk $0xffff, v1  }
0x2b5: {  	[tilespmem:v1+s19+$0x0] =	vst.idx.msk vm0, v20;
	v1 =	vld [tilespmem:$0x1FFE0];
	_ =	sdelay $0x2  }
0x2b6: {  	v2 =	vadd.s32 v2, v39  }
0x2b7: {  	vm1 =	vlt.s32 v2, $0xC4  }
0x2b8: {  	vm3 =	vnez.u8 v1;
	v1 =	vld [tilespmem:$0x1FFF0];
	_ =	sdelay $0x3  }
0x2b9: {  	[tilespmem:v22+s18+$0x0] =	vst.idx.msk $0xf, v2  }
0x2ba: {  	[tilespmem:v2+s19+$0x0] =	vst.idx.msk vm1, v22;
	vm4 =	vnez.u8 v1  }
.LBB2_7:
0x2bb: {  	v1 =	vld [tilespmem:$0x1FFB0];
	_ =	sdelay $0x7  }
0x2bc: {  	v1 =	vld.idx.msk [tilespmem:v1+s19+$0x0], $0xffff  }
0x2bd: {  	v3 =	vld [tilespmem:$0x1FF10];
	_ =	sdelay $0x3  }
0x2be: {  	v1 =	vshll.u32 v1, $0x6  }
0x2bf: {  	vm0 =	veq.s32 v0, $0x0;
	s6 =	rddreg [dreg:$0xa];
	v1 =	vadd.s32 v3, v1  }
0x2c0: {  	s1 =	simm.s32 $0x900;
	v1 =	vsel vm0, s6, v1  }
0x2c1: {  	[tilespmem:v0+s1+$0x0] =	vst.idx.msk $0xffff, v1;
	v1 =	vld [tilespmem:$0x1FF20]  }
0x2c2: {  	v2 =	vadd.s32 $0xF, v0;
	_ =	sdelay $0x2  }
0x2c3: {  	s5 =	smov.u32 s10;
	s10 =	simm.s32 $0x980  }
0x2c4: {  	[tilespmem:v0+s10+$0x0] =	vst.idx.msk $0xffff, v1  }
0x2c5: {  	v1 =	vld.idx.msk [tilespmem:v2+s19+$0x0], $0xffff;
	_ =	sdelay $0x4  }
0x2c6: {  	v1 =	vshll.u32 v1, $0x6  }
0x2c7: {  	v1 =	vadd.s32 v3, v1  }
0x2c8: {  	[tilespmem:v10+s1+$0x0] =	vst.idx.msk $0xffff, v1;
	v1 =	vld [tilespmem:$0x1FF30]  }
0x2c9: {  	v2 =	vadd.s32 $0x1F, v0;
	_ =	sdelay $0x3  }
0x2ca: {  	[tilespmem:v10+s10+$0x0] =	vst.idx.msk $0xffff, v1  }
0x2cb: {  	v1 =	vld.idx.msk [tilespmem:v2+s19+$0x0], $0xffff;
	_ =	sdelay $0x4  }
0x2cc: {  	v1 =	vshll.u32 v1, $0x6  }
0x2cd: {  	v1 =	vadd.s32 v3, v1  }
0x2ce: {  	[tilespmem:v11+s1+$0x0] =	vst.idx.msk $0xffff, v1;
	v1 =	vld [tilespmem:$0x1FF40]  }
0x2cf: {  	v2 =	vadd.s32 $0x2F, v0;
	_ =	sdelay $0x3  }
0x2d0: {  	[tilespmem:v11+s10+$0x0] =	vst.idx.msk $0xffff, v1  }
0x2d1: {  	v1 =	vld.idx.msk [tilespmem:v2+s19+$0x0], $0xffff;
	_ =	sdelay $0x4  }
0x2d2: {  	v1 =	vshll.u32 v1, $0x6  }
0x2d3: {  	v1 =	vadd.s32 v3, v1  }
0x2d4: {  	[tilespmem:v12+s1+$0x0] =	vst.idx.msk $0x3, v1;
	v1 =	vld [tilespmem:$0x1FF50];
	_ =	sdelay $0x4  }
0x2d5: {  	[tilespmem:v12+s10+$0x0] =	vst.idx.msk $0x3, v1  }
0x2d6: {  	v1 =	vld [tilespmem:$0x900];
	_ =	sdelay $0x4  }
0x2d7: {  	v2 =	vshrl.u32 v1, $0x3  }
0x2d8: {  	v2 =	vmul.u32 $0x30, v2  }
0x2d9: {  	v1 =	vand.u32 $0x7, v1  }
0x2da: {  	v28 =	vand.u32 $0x7, v0;
	v1 =	vor.u32 v1, v2;
	v2 =	vshrl.u32 v0, $0x3  }
0x2db: {  	v3 =	vperm.xlane v1, v28;
	v29 =	vmul.u32 $0x8, v2;
	_ =	sdelay $0x1  }
0x2dc: {  	v2 =	vadd.s32 v29, v3;
	_ =	sdelay $0x2  }
0x2dd: {  	v30 =	vor.u32 $0x8, v0  }
0x2de: {  	vm5 =	vmmov $0xffff;
	s23 =	simm.s32 $0x0;
	s24 =	simm.s32 $0xB00;
	s0 =	rddreg [dreg:$0x0];
	v1 =	vperm.xlane v1, v30  }
0x2df: {  	[tilespmem:s24], [sflag:$0x1] =	stream.indirect_vreg.gather [hbm4b:s0+s23], $0x80, v2, vm5, $0xb8;
	[tilespmem:$0x15B00] =	vst v63  }
0x2e0: {  	s3 =	simm.s32 $0x1300;
	s1 =	rddreg [dreg:$0xc];
	v1 =	vadd.s32 v29, v1  }
0x2e1: {  	[tilespmem:s3], [sflag:$0x1] =	stream.indirect_vreg.gather [hbm4b:s1+s23], $0x80, v2, vm5, $0xb8;
	[tilespmem:$0x15B00] =	vst v63  }
0x2e2: {  	s25 =	simm.s32 $0x1B00;
	s3 =	rddreg [dreg:$0xd]  }
0x2e3: {  	[tilespmem:s25], [sflag:$0x1] =	stream.indirect_vreg.gather [hbm4b:s3+s23], $0x80, v2, vm5, $0xb8;
	[tilespmem:$0x15B00] =	vst v63  }
0x2e4: {  	s11 =	simm.s32 $0x2300  }
0x2e5: {  	[tilespmem:s11], [sflag:$0x1] =	stream.indirect_vreg.gather [hbm4b:s0+s23], $0x80, v1, vm5, $0xb8;
	[tilespmem:$0x15B00] =	vst v63  }
0x2e6: {  	s26 =	simm.s32 $0x2B00  }
0x2e7: {  	[tilespmem:s26], [sflag:$0x1] =	stream.indirect_vreg.gather [hbm4b:s1+s23], $0x80, v1, vm5, $0xb8;
	[tilespmem:$0x15B00] =	vst v63  }
0x2e8: {  	s12 =	simm.s32 $0x3300  }
0x2e9: {  	[tilespmem:s12], [sflag:$0x1] =	stream.indirect_vreg.gather [hbm4b:s3+s23], $0x80, v1, vm5, $0xb8;
	[tilespmem:$0x15B00] =	vst v63  }
0x2ea: {  	v1 =	vld [tilespmem:$0x910];
	_ =	sdelay $0x4  }
0x2eb: {  	v2 =	vshrl.u32 v1, $0x3  }
0x2ec: {  	v2 =	vmul.u32 $0x30, v2  }
0x2ed: {  	v1 =	vand.u32 $0x7, v1  }
0x2ee: {  	v1 =	vor.u32 v1, v2  }
0x2ef: {  	v2 =	vperm.xlane v1, v28;
	_ =	sdelay $0x1  }
0x2f0: {  	v2 =	vadd.s32 v29, v2;
	_ =	sdelay $0x3  }
0x2f1: {  	s12 =	simm.s32 $0x3B00;
	v1 =	vperm.xlane v1, v30  }
0x2f2: {  	[tilespmem:s12], [sflag:$0x1] =	stream.indirect_vreg.gather [hbm4b:s0+s23], $0x80, v2, vm5, $0xb8;
	[tilespmem:$0x15B00] =	vst v63  }
0x2f3: {  	s24 =	simm.s32 $0x4300;
	v1 =	vadd.s32 v29, v1  }
0x2f4: {  	[tilespmem:s24], [sflag:$0x1] =	stream.indirect_vreg.gather [hbm4b:s1+s23], $0x80, v2, vm5, $0xb8;
	[tilespmem:$0x15B00] =	vst v63  }
0x2f5: {  	s25 =	simm.s32 $0x4B00  }
0x2f6: {  	[tilespmem:s25], [sflag:$0x1] =	stream.indirect_vreg.gather [hbm4b:s3+s23], $0x80, v2, vm5, $0xb8;
	[tilespmem:$0x15B00] =	vst v63  }
0x2f7: {  	s26 =	simm.s32 $0x5300  }
0x2f8: {  	[tilespmem:s26], [sflag:$0x1] =	stream.indirect_vreg.gather [hbm4b:s0+s23], $0x80, v1, vm5, $0xb8;
	[tilespmem:$0x15B00] =	vst v63  }
0x2f9: {  	s6 =	simm.s32 $0x5B00  }
0x2fa: {  	[tilespmem:s6], [sflag:$0x1] =	stream.indirect_vreg.gather [hbm4b:s1+s23], $0x80, v1, vm5, $0xb8;
	[tilespmem:$0x15B00] =	vst v63  }
0x2fb: {  	s10 =	simm.s32 $0x6300  }
0x2fc: {  	[tilespmem:s10], [sflag:$0x1] =	stream.indirect_vreg.gather [hbm4b:s3+s23], $0x80, v1, vm5, $0xb8;
	[tilespmem:$0x15B00] =	vst v63  }
0x2fd: {  	v1 =	vld [tilespmem:$0x920];
	_ =	sdelay $0x4  }
0x2fe: {  	v2 =	vshrl.u32 v1, $0x3  }
0x2ff: {  	v2 =	vmul.u32 $0x30, v2  }
0x300: {  	v1 =	vand.u32 $0x7, v1  }
0x301: {  	v1 =	vor.u32 v1, v2  }
0x302: {  	v2 =	vperm.xlane v1, v28;
	_ =	sdelay $0x1  }
0x303: {  	v2 =	vadd.s32 v29, v2;
	_ =	sdelay $0x3  }
0x304: {  	s11 =	simm.s32 $0x6B00;
	v1 =	vperm.xlane v1, v30  }
0x305: {  	[tilespmem:s11], [sflag:$0x1] =	stream.indirect_vreg.gather [hbm4b:s0+s23], $0x80, v2, vm5, $0xb8;
	[tilespmem:$0x15B00] =	vst v63  }
0x306: {  	s24 =	simm.s32 $0x7300;
	v1 =	vadd.s32 v29, v1  }
0x307: {  	[tilespmem:s24], [sflag:$0x1] =	stream.indirect_vreg.gather [hbm4b:s1+s23], $0x80, v2, vm5, $0xb8;
	[tilespmem:$0x15B00] =	vst v63  }
0x308: {  	s25 =	simm.s32 $0x7B00  }
0x309: {  	[tilespmem:s25], [sflag:$0x1] =	stream.indirect_vreg.gather [hbm4b:s3+s23], $0x80, v2, vm5, $0xb8;
	[tilespmem:$0x15B00] =	vst v63  }
0x30a: {  	s26 =	simm.s32 $0x8300  }
0x30b: {  	[tilespmem:s26], [sflag:$0x1] =	stream.indirect_vreg.gather [hbm4b:s0+s23], $0x80, v1, vm5, $0xb8;
	[tilespmem:$0x15B00] =	vst v63  }
0x30c: {  	s6 =	simm.s32 $0x8B00  }
0x30d: {  	[tilespmem:s6], [sflag:$0x1] =	stream.indirect_vreg.gather [hbm4b:s1+s23], $0x80, v1, vm5, $0xb8;
	[tilespmem:$0x15B00] =	vst v63  }
0x30e: {  	s10 =	simm.s32 $0x9300  }
0x30f: {  	[tilespmem:s10], [sflag:$0x1] =	stream.indirect_vreg.gather [hbm4b:s3+s23], $0x80, v1, vm5, $0xb8;
	[tilespmem:$0x15B00] =	vst v63  }
0x310: {  	v1 =	vld.msk [tilespmem:$0x930], $0x3;
	_ =	sdelay $0x4  }
0x311: {  	v2 =	vshrl.u32 v1, $0x3  }
0x312: {  	v2 =	vmul.u32 $0x30, v2  }
0x313: {  	v1 =	vand.u32 $0x7, v1  }
0x314: {  	v1 =	vor.u32 v1, v2  }
0x315: {  	v1 =	vperm.xlane v1, v28;
	_ =	sdelay $0x1  }
0x316: {  	v1 =	vadd.s32 v29, v1;
	_ =	sdelay $0x3  }
0x317: {  	s11 =	simm.s32 $0x9B00  }
0x318: {  	v42 =	vadd.s32 $0xC4, v0;
	[tilespmem:s11], [sflag:$0x1] =	stream.indirect_vreg.gather [hbm4b:s0+s23], $0x80, v1, vm4, $0xb8;
	[tilespmem:$0x15B00] =	vst v63  }
0x319: {  	s24 =	simm.s32 $0xA300  }
0x31a: {  	[tilespmem:s24], [sflag:$0x1] =	stream.indirect_vreg.gather [hbm4b:s1+s23], $0x80, v1, vm4, $0xb8;
	[tilespmem:$0x15B00] =	vst v63  }
0x31b: {  	s25 =	simm.s32 $0xAB00  }
0x31c: {  	[tilespmem:s25], [sflag:$0x1] =	stream.indirect_vreg.gather [hbm4b:s3+s23], $0x80, v1, vm4, $0xb8;
	[tilespmem:$0x15B00] =	vst v63  }
0x31d: {  	v1 =	vld.idx.msk [tilespmem:v42+s23+$0x0], $0xffff;
	_ =	sdelay $0x1  }
0x31e: {  	v41 =	vadd.s32 $0xD4, v0;
	_ =	sdelay $0x2  }
0x31f: {  	[tilespmem:$0x200] =	vst v1  }
0x320: {  	[tilespmem:$0x300] =	vst v1  }
0x321: {  	v1 =	vld.idx.msk [tilespmem:v41+s23+$0x0], $0xffff;
	_ =	sdelay $0x1  }
0x322: {  	v40 =	vadd.s32 $0xE4, v0;
	_ =	sdelay $0x2  }
0x323: {  	[tilespmem:$0x210] =	vst v1  }
0x324: {  	[tilespmem:$0x310] =	vst v1  }
0x325: {  	v1 =	vld.idx.msk [tilespmem:v40+s23+$0x0], $0xffff;
	_ =	sdelay $0x1  }
0x326: {  	v39 =	vadd.s32 $0xF4, v0;
	_ =	sdelay $0x2  }
0x327: {  	[tilespmem:$0x220] =	vst v1  }
0x328: {  	[tilespmem:$0x320] =	vst v1  }
0x329: {  	v1 =	vld.idx.msk [tilespmem:v39+s23+$0x0], $0xffff;
	_ =	sdelay $0x1  }
0x32a: {  	v38 =	vadd.s32 $0x104, v0;
	_ =	sdelay $0x2  }
0x32b: {  	[tilespmem:$0x230] =	vst v1  }
0x32c: {  	[tilespmem:$0x330] =	vst v1  }
0x32d: {  	v1 =	vld.idx.msk [tilespmem:v38+s23+$0x0], $0xffff;
	_ =	sdelay $0x1  }
0x32e: {  	v37 =	vadd.s32 $0x114, v0;
	_ =	sdelay $0x2  }
0x32f: {  	[tilespmem:$0x240] =	vst v1  }
0x330: {  	[tilespmem:$0x340] =	vst v1  }
0x331: {  	v1 =	vld.idx.msk [tilespmem:v37+s23+$0x0], $0xffff;
	_ =	sdelay $0x1  }
0x332: {  	v2 =	vadd.s32 $0x124, v0;
	_ =	sdelay $0x2  }
0x333: {  	[tilespmem:$0x250] =	vst v1  }
0x334: {  	[tilespmem:$0x350] =	vst v1  }
0x335: {  	v1 =	vld.idx.msk [tilespmem:v2+s23+$0x0], $0xffff;
	_ =	sdelay $0x1  }
0x336: {  	[tilespmem:$0x1FD70] =	vst v2;
	v2 =	vadd.s32 $0x134, v0;
	_ =	sdelay $0x2  }
0x337: {  	[tilespmem:$0x260] =	vst v1  }
0x338: {  	[tilespmem:$0x360] =	vst v1  }
0x339: {  	v1 =	vld.idx.msk [tilespmem:v2+s23+$0x0], $0xffff;
	_ =	sdelay $0x1  }
0x33a: {  	[tilespmem:$0x1FD80] =	vst v2;
	v2 =	vadd.s32 $0x144, v0;
	_ =	sdelay $0x2  }
0x33b: {  	[tilespmem:$0x270] =	vst v1  }
0x33c: {  	[tilespmem:$0x370] =	vst v1  }
0x33d: {  	v1 =	vld.idx.msk [tilespmem:v2+s23+$0x0], $0xffff;
	_ =	sdelay $0x1  }
0x33e: {  	[tilespmem:$0x1FD90] =	vst v2;
	v2 =	vadd.s32 $0x154, v0;
	_ =	sdelay $0x2  }
0x33f: {  	[tilespmem:$0x280] =	vst v1  }
0x340: {  	[tilespmem:$0x380] =	vst v1  }
0x341: {  	v1 =	vld.idx.msk [tilespmem:v2+s23+$0x0], $0xffff;
	_ =	sdelay $0x1  }
0x342: {  	[tilespmem:$0x1FDA0] =	vst v2;
	v2 =	vadd.s32 $0x164, v0;
	_ =	sdelay $0x2  }
0x343: {  	[tilespmem:$0x290] =	vst v1  }
0x344: {  	[tilespmem:$0x390] =	vst v1  }
0x345: {  	v1 =	vld.idx.msk [tilespmem:v2+s23+$0x0], $0xffff;
	_ =	sdelay $0x1  }
0x346: {  	[tilespmem:$0x1FDB0] =	vst v2;
	v2 =	vadd.s32 $0x174, v0;
	_ =	sdelay $0x2  }
0x347: {  	[tilespmem:$0x2A0] =	vst v1  }
0x348: {  	[tilespmem:$0x3A0] =	vst v1  }
0x349: {  	v1 =	vld.idx.msk [tilespmem:v2+s23+$0x0], $0xffff;
	_ =	sdelay $0x4  }
0x34a: {  	[tilespmem:$0x2B0] =	vst v1  }
0x34b: {  	[tilespmem:$0x3B0] =	vst v1;
	v1 =	vld [tilespmem:$0x1FFC0];
	_ =	sdelay $0x7  }
0x34c: {  	v1 =	vld.idx.msk [tilespmem:v1+s23+$0x0], $0xffff  }
0x34d: {  	v47 =	vld [tilespmem:$0x300]  }
0x34e: {  	v46 =	vld [tilespmem:$0x310]  }
0x34f: {  	v3 =	vmov s23;
	v25 =	vld [tilespmem:$0x320]  }
0x350: {  	v21 =	vld [tilespmem:$0x330]  }
0x351: {  	v8 =	vld [tilespmem:$0x340];
	[tilespmem:$0x1FDC0] =	vst v2;
	v2 =	vnsel vm3, $0x3F800000, v1  }
0x352: {  	v7 =	vld [tilespmem:$0x350];
	[tilespmem:$0x2C0] =	vst v2  }
0x353: {  	v5 =	vld [tilespmem:$0x360];
	[tilespmem:$0x3C0] =	vst v2  }
0x354: {  	v1 =	vld.idx.msk [tilespmem:v3+s16+$0x0], $0xffff  }
0x355: {  	v27 =	vimm.s32 $0x0;
	v53 =	vimm.s32 $0x0;
	v54 =	vimm.s32 $0x0;
	v4 =	vld [tilespmem:$0x370]  }
0x356: {  	v52 =	vimm.s32 $0x0;
	v50 =	vimm.s32 $0x0;
	v51 =	vimm.s32 $0x0;
	v9 =	vld [tilespmem:$0x380]  }
0x357: {  	v49 =	vimm.s32 $0x0;
	v48 =	vimm.s32 $0x0;
	v32 =	vimm.s32 $0x0;
	v43 =	vld [tilespmem:$0x390]  }
0x358: {  	v31 =	vimm.s32 $0x0;
	v26 =	vimm.s32 $0x0;
	v6 =	vimm.s32 $0x0;
	s26 =	simm.s32 $0x1;
	v44 =	vld [tilespmem:$0x3A0]  }
0x359: {  	v63 =	vmov s26;
	v45 =	vld [tilespmem:$0x3B0];
	v58 =	vsub.s32 v1, v47;
	v56 =	vsub.s32 v1, v46  }
0x35a: {  	v3 =	vsub.s32 v1, v2;
	v59 =	vsub.s32 v1, v25;
	v55 =	vsub.s32 v1, v21  }
0x35b: {  	v60 =	vsub.s32 v1, v8;
	v57 =	vsub.s32 v1, v7;
	v3 =	vshrl.u32 v3, $0x1F  }
0x35c: {  	s23 =	simm.s32 $0x2;
	v62 =	vsub.s32 v1, v5;
	v61 =	vsub.s32 v1, v4;
	v3 =	vadd.s32 v27, v3  }
.LBB2_8:
0x35d: {  	p0 =	sne.s32 s23, $0xC3;
	v33 =	vsub.s32 v1, v9;
	v34 =	vsub.s32 v1, v43;
	v35 =	vsub.s32 v1, v44  }
0x35e: {  	v58 =	vshrl.u32 v58, $0x1F;
	v56 =	vshrl.u32 v56, $0x1F;
	v36 =	vsub.s32 v1, v45  }
0x35f: {  	v59 =	vshrl.u32 v59, $0x1F;
	v55 =	vshrl.u32 v55, $0x1F;
	v60 =	vshrl.u32 v60, $0x1F  }
0x360: {  	v57 =	vshrl.u32 v57, $0x1F;
	v62 =	vshrl.u32 v62, $0x1F;
	v61 =	vshrl.u32 v61, $0x1F  }
0x361: {  	v33 =	vshrl.u32 v33, $0x1F;
	v34 =	vshrl.u32 v34, $0x1F;
	v35 =	vshrl.u32 v35, $0x1F;
	v1 =	vld.idx.msk [tilespmem:v63+s16+$0x0], $0xffff  }
0x362: {  	v27 =	vadd.s32 v27, v58;
	v53 =	vadd.s32 v53, v56;
	v36 =	vshrl.u32 v36, $0x1F  }
0x363: {  	v54 =	vadd.s32 v54, v59;
	v52 =	vadd.s32 v52, v55;
	v50 =	vadd.s32 v50, v60  }
0x364: {  	v51 =	vadd.s32 v51, v57;
	v49 =	vadd.s32 v49, v62;
	v48 =	vadd.s32 v48, v61  }
0x365: {  	v32 =	vadd.s32 v32, v33;
	v31 =	vadd.s32 v31, v34;
	v26 =	vadd.s32 v26, v35  }
.Ltmp5:
0x366: {  	v6 =	vadd.s32 v6, v36;
	(pc) =	sbr.rel @p0 .LBB2_8-.Ltmp5, $4  }
0x367: {  	v58 =	vsub.s32 v1, v47;
	v56 =	vsub.s32 v1, v46;
	v33 =	vsub.s32 v1, v2  }
0x368: {  	v59 =	vsub.s32 v1, v25;
	v55 =	vsub.s32 v1, v21;
	v33 =	vshrl.u32 v33, $0x1F  }
0x369: {  	v60 =	vsub.s32 v1, v8;
	v57 =	vsub.s32 v1, v7;
	v3 =	vadd.s32 v3, v33  }
0x36a: {  	v63 =	vmov s23;
	s23 =	sadd.s32 $0x1, s23;
	v62 =	vsub.s32 v1, v5;
	v61 =	vsub.s32 v1, v4  }
0x36b: {  	_ = 	snop  }
0x36c: {  	v33 =	vshrl.u32 v58, $0x1F  }
0x36d: {  	v56 =	vshrl.u32 v56, $0x1F;
	v34 =	vshrl.u32 v59, $0x1F;
	v35 =	vshrl.u32 v55, $0x1F  }
0x36e: {  	v58 =	vshrl.u32 v60, $0x1F;
	v59 =	vshrl.u32 v57, $0x1F;
	v60 =	vshrl.u32 v62, $0x1F  }
0x36f: {  	v36 =	vld.idx.msk [tilespmem:v63+s16+$0x0], $0xffff;
	[tilespmem:$0x400] =	vst v23;
	v62 =	vsub.s32 v1, v9;
	v63 =	vshrl.u32 v61, $0x1F;
	v57 =	vsub.s32 v1, v44  }
0x370: {  	[tilespmem:$0x410] =	vst v23;
	v27 =	vadd.s32 v27, v33;
	v33 =	vadd.s32 v53, v56;
	v34 =	vadd.s32 v54, v34  }
0x371: {  	[tilespmem:$0x420] =	vst v23;
	v35 =	vadd.s32 v52, v35;
	v50 =	vadd.s32 v50, v58;
	v51 =	vadd.s32 v51, v59  }
0x372: {  	[tilespmem:$0x430] =	vst v23;
	v49 =	vadd.s32 v49, v60;
	v48 =	vadd.s32 v48, v63;
	v52 =	vshrl.u32 v62, $0x1F  }
0x373: {  	[tilespmem:$0x440] =	vst v23;
	v56 =	vsub.s32 v1, v43;
	v1 =	vsub.s32 v1, v45;
	v32 =	vadd.s32 v32, v52  }
0x374: {  	[tilespmem:$0x450] =	vst v23;
	v53 =	vshrl.u32 v56, $0x1F;
	v52 =	vshrl.u32 v57, $0x1F;
	v1 =	vshrl.u32 v1, $0x1F  }
0x375: {  	[tilespmem:$0x460] =	vst v23;
	v31 =	vadd.s32 v31, v53;
	v26 =	vadd.s32 v26, v52;
	v47 =	vsub.s32 v36, v47  }
0x376: {  	[tilespmem:$0x470] =	vst v23;
	v1 =	vadd.s32 v6, v1;
	v58 =	vsub.s32 v36, v46;
	v59 =	vshrl.u32 v47, $0x1F  }
0x377: {  	[tilespmem:$0x480] =	vst v23;
	v25 =	vsub.s32 v36, v25;
	v6 =	vshrl.u32 v58, $0x1F;
	v27 =	vadd.s32 v27, v59  }
0x378: {  	[tilespmem:$0x490] =	vst v23;
	v21 =	vsub.s32 v36, v21;
	v25 =	vshrl.u32 v25, $0x1F;
	v6 =	vadd.s32 v33, v6  }
0x379: {  	[tilespmem:$0x4A0] =	vst v23;
	v8 =	vsub.s32 v36, v8;
	v21 =	vshrl.u32 v21, $0x1F;
	v25 =	vadd.s32 v34, v25  }
0x37a: {  	[tilespmem:$0x4B0] =	vst v23;
	v7 =	vsub.s32 v36, v7;
	v8 =	vshrl.u32 v8, $0x1F;
	v21 =	vadd.s32 v35, v21  }
0x37b: {  	[tilespmem:$0x4C0] =	vst v23;
	v5 =	vsub.s32 v36, v5;
	v7 =	vshrl.u32 v7, $0x1F;
	v8 =	vadd.s32 v50, v8  }
0x37c: {  	v4 =	vsub.s32 v36, v4;
	v5 =	vshrl.u32 v5, $0x1F;
	v7 =	vadd.s32 v51, v7;
	[tilespmem:v27+s2+$0x0] =	vst.idx.add.s32.msk $0xffff, v24  }
0x37d: {  	v9 =	vsub.s32 v36, v9;
	v4 =	vshrl.u32 v4, $0x1F;
	v5 =	vadd.s32 v49, v5;
	[tilespmem:v6+s2+$0x0] =	vst.idx.add.s32.msk $0xffff, v24  }
0x37e: {  	v60 =	vsub.s32 v36, v43;
	v9 =	vshrl.u32 v9, $0x1F;
	v4 =	vadd.s32 v48, v4;
	[tilespmem:v25+s2+$0x0] =	vst.idx.add.s32.msk $0xffff, v24  }
0x37f: {  	v61 =	vsub.s32 v36, v44;
	v9 =	vadd.s32 v32, v9;
	v33 =	vshrl.u32 v60, $0x1F;
	[tilespmem:v21+s2+$0x0] =	vst.idx.add.s32.msk $0xffff, v24  }
0x380: {  	v62 =	vsub.s32 v36, v45;
	v32 =	vshrl.u32 v61, $0x1F;
	v31 =	vadd.s32 v31, v33;
	[tilespmem:v8+s2+$0x0] =	vst.idx.add.s32.msk $0xffff, v24  }
0x381: {  	v2 =	vsub.s32 v36, v2;
	v33 =	vshrl.u32 v62, $0x1F;
	v26 =	vadd.s32 v26, v32;
	[tilespmem:v7+s2+$0x0] =	vst.idx.add.s32.msk $0xffff, v24  }
0x382: {  	v2 =	vshrl.u32 v2, $0x1F;
	v1 =	vadd.s32 v1, v33;
	[tilespmem:v5+s2+$0x0] =	vst.idx.add.s32.msk $0xffff, v24  }
0x383: {  	v2 =	vadd.s32 v3, v2;
	[tilespmem:v4+s2+$0x0] =	vst.idx.add.s32.msk $0xffff, v24  }
0x384: {  	[tilespmem:v9+s2+$0x0] =	vst.idx.add.s32.msk $0xffff, v24  }
0x385: {  	[tilespmem:v31+s2+$0x0] =	vst.idx.add.s32.msk $0xffff, v24  }
0x386: {  	[tilespmem:v26+s2+$0x0] =	vst.idx.add.s32.msk $0xffff, v24  }
0x387: {  	[tilespmem:v1+s2+$0x0] =	vst.idx.add.s32.msk $0xffff, v24  }
0x388: {  	[tilespmem:v2+s2+$0x0] =	vst.idx.add.s32.msk $0xf, v24  }
0x389: {  	v3 =	vld [tilespmem:$0x400]  }
0x38a: {  	v63 =	vld [tilespmem:$0x410];
	_ =	sdelay $0x1  }
0x38b: {  	v36 =	vld [tilespmem:$0x420];
	_ =	sdelay $0x1  }
0x38c: {  	v43 =	vld [tilespmem:$0x430]  }
0x38d: {  	vm0 =	vgt.s32 v3, v63  }
0x38e: {  	v44 =	vld [tilespmem:$0x440];
	v3 =	vsel vm0, v3, v63  }
0x38f: {  	vm0 =	vgt.s32 v3, v36  }
0x390: {  	v45 =	vld [tilespmem:$0x450];
	v3 =	vsel vm0, v3, v36  }
0x391: {  	vm0 =	vgt.s32 v3, v43  }
0x392: {  	v46 =	vld [tilespmem:$0x460];
	v3 =	vsel vm0, v3, v43  }
0x393: {  	vm0 =	vgt.s32 v3, v44  }
0x394: {  	v47 =	vld [tilespmem:$0x470];
	v3 =	vsel vm0, v3, v44  }
0x395: {  	vm0 =	vgt.s32 v3, v45  }
0x396: {  	v48 =	vld [tilespmem:$0x480];
	v3 =	vsel vm0, v3, v45  }
0x397: {  	vm0 =	vgt.s32 v3, v46  }
0x398: {  	v49 =	vld [tilespmem:$0x490];
	v3 =	vsel vm0, v3, v46  }
0x399: {  	vm0 =	vgt.s32 v3, v47  }
0x39a: {  	v50 =	vld [tilespmem:$0x4A0];
	v3 =	vsel vm0, v3, v47  }
0x39b: {  	vm0 =	vgt.s32 v3, v48  }
0x39c: {  	v51 =	vld [tilespmem:$0x4B0];
	v3 =	vsel vm0, v3, v48  }
0x39d: {  	vm0 =	vgt.s32 v3, v49  }
0x39e: {  	v52 =	vld [tilespmem:$0x4C0];
	v3 =	vsel vm0, v3, v49  }
0x39f: {  	vm0 =	vgt.s32 v3, v50  }
0x3a0: {  	v3 =	vsel vm0, v3, v50  }
0x3a1: {  	vm0 =	vgt.s32 v3, v51  }
0x3a2: {  	v3 =	vsel vm0, v3, v51;
	vm0 =	vlt.s32 v27, $0xC4  }
0x3a3: {  	v53 =	vadd.s32 $0xC4, v27;
	vm1 =	vgt.s32 v3, v52  }
0x3a4: {  	v3 =	vsel vm1, v3, v52;
	vm1 =	vlt.s32 v6, $0xC4  }
0x3a5: {  	v54 =	vadd.s32 $0xC4, v6;
	vm2 =	vgt.s32 v3, $0x0  }
0x3a6: {  	v3 =	vnsel vm2, $0x0, v3;
	vm2 =	vlt.s32 v25, $0xC4  }
0x3a7: {  	[tilespmem:v42+s18+$0x0] =	vst.idx.msk $0xffff, v27;
	v27 =	vadd.s32 $0xC4, v25;
	v3 =	vor.u32 $0x80000000, v3  }
0x3a8: {  	(xrf0) =	vmax.scan.msk.u32 $0xffff, v3;
	[tilespmem:v53+s19+$0x0] =	vst.idx.msk vm0, v0;
	vm0 =	vlt.s32 v21, $0xC4  }
0x3a9: {  	v3 =	vadd.s32 $0xC4, v21;
	[tilespmem:v41+s18+$0x0] =	vst.idx.msk $0xffff, v6  }
0x3aa: {  	[tilespmem:v54+s19+$0x0] =	vst.idx.msk vm1, v10;
	vm1 =	vlt.s32 v8, $0xC4  }
0x3ab: {  	v57 =	vld [tilespmem:$0x1FD70];
	v55 =	vadd.s32 $0xC4, v8;
	[tilespmem:v40+s18+$0x0] =	vst.idx.msk $0xffff, v25  }
0x3ac: {  	[tilespmem:v27+s19+$0x0] =	vst.idx.msk vm2, v11;
	vm2 =	vlt.s32 v7, $0xC4  }
0x3ad: {  	[tilespmem:v39+s18+$0x0] =	vst.idx.msk $0xffff, v21;
	v21 =	vadd.s32 $0xC4, v7  }
0x3ae: {  	[tilespmem:v3+s19+$0x0] =	vst.idx.msk vm0, v12;
	v3, _, _ =	vpop (xrf0);
	vm0 =	vlt.s32 v5, $0xC4  }
0x3af: {  	(v2sf) =	vpush v3, $0xF;
	[tilespmem:v38+s18+$0x0] =	vst.idx.msk $0xffff, v8;
	v3 =	vadd.s32 $0xC4, v5  }
0x3b0: {  	[tilespmem:v55+s19+$0x0] =	vst.idx.msk vm1, v13  }
0x3b1: {  	[tilespmem:v37+s18+$0x0] =	vst.idx.msk $0xffff, v7  }
0x3b2: {  	[tilespmem:v21+s19+$0x0] =	vst.idx.msk vm2, v14  }
0x3b3: {  	[tilespmem:v57+s18+$0x0] =	vst.idx.msk $0xffff, v5  }
0x3b4: {  	[tilespmem:v3+s19+$0x0] =	vst.idx.msk vm0, v15;
	v3 =	vld [tilespmem:$0x1FD80];
	_ =	sdelay $0x1  }
0x3b5: {  	v59 =	vld [tilespmem:$0x1FD90]  }
0x3b6: {  	vm1 =	vlt.s32 v4, $0xC4  }
0x3b7: {  	v61 =	vld [tilespmem:$0x1FDA0];
	v56 =	vadd.s32 $0xC4, v4  }
0x3b8: {  	vm2 =	vlt.s32 v9, $0xC4  }
0x3b9: {  	v58 =	vadd.s32 $0xC4, v9  }
0x3ba: {  	vm0 =	vlt.s32 v31, $0xC4  }
0x3bb: {  	[tilespmem:v3+s18+$0x0] =	vst.idx.msk $0xffff, v4;
	v3 =	vadd.s32 $0xC4, v31  }
0x3bc: {  	[tilespmem:v56+s19+$0x0] =	vst.idx.msk vm1, v16  }
0x3bd: {  	[tilespmem:v59+s18+$0x0] =	vst.idx.msk $0xffff, v9  }
0x3be: {  	[tilespmem:v58+s19+$0x0] =	vst.idx.msk vm2, v17  }
0x3bf: {  	[tilespmem:v61+s18+$0x0] =	vst.idx.msk $0xffff, v31  }
0x3c0: {  	[tilespmem:v3+s19+$0x0] =	vst.idx.msk vm0, v18;
	v3 =	vld [tilespmem:$0x1FDB0];
	_ =	sdelay $0x1  }
0x3c1: {  	v63 =	vld [tilespmem:$0x1FDC0]  }
0x3c2: {  	vm1 =	vlt.s32 v26, $0xC4  }
0x3c3: {  	v60 =	vadd.s32 $0xC4, v26  }
0x3c4: {  	vm2 =	vlt.s32 v1, $0xC4  }
0x3c5: {  	v62 =	vadd.s32 $0xC4, v1  }
0x3c6: {  	v43 =	vadd.s32 $0x184, v0;
	s23 =	spop (v2sf);
	vm0 =	vlt.s32 v2, $0xC4  }
0x3c7: {  	p0 =	slt.u32 s23, $0x80000002;
	[tilespmem:v3+s18+$0x0] =	vst.idx.msk $0xffff, v26;
	v3 =	vadd.s32 $0xC4, v2  }
.Ltmp6:
0x3c8: {  	[tilespmem:v60+s19+$0x0] =	vst.idx.msk vm1, v19;
	(pc) =	sbr.rel @p0 .LBB2_13-.Ltmp6, $4  }
0x3c9: {  	[tilespmem:v63+s18+$0x0] =	vst.idx.msk $0xffff, v1  }
0x3ca: {  	[tilespmem:v62+s19+$0x0] =	vst.idx.msk vm2, v20  }
0x3cb: {  	[tilespmem:v43+s18+$0x0] =	vst.idx.msk $0xf, v2  }
0x3cc: {  	s10 =	smov.u32 s5;
	[tilespmem:v3+s19+$0x0] =	vst.idx.msk vm0, v22  }
0x3cd: {  	v1 =	vimm.s32 $0x0  }
0x3ce: {  	s23 =	simm.s32 $0x0;
	v1 =	vsel vm5, $0xFFFFFFFF, v1  }
0x3cf: {  	[tilespmem:$0x1FD40] =	vst v1;
	v1 =	vmov s23;
	_ =	sdelay $0x2  }
0x3d0: {  	v55 =	vld [tilespmem:$0x200]  }
0x3d1: {  	v44 =	vld [tilespmem:$0x2C0];
	v4 =	vimm.s32 $0x0;
	v7 =	vimm.s32 $0x0;
	v8 =	vimm.s32 $0x0  }
0x3d2: {  	v5 =	vimm.s32 $0x0;
	v63 =	vimm.s32 $0x0;
	v62 =	vimm.s32 $0x0;
	v2 =	vld.idx.msk [tilespmem:v1+s20+$0x0], $0xffff  }
0x3d3: {  	v53 =	vld [tilespmem:$0x210];
	v61 =	vimm.s32 $0x0;
	v60 =	vimm.s32 $0x0;
	v59 =	vimm.s32 $0x0  }
0x3d4: {  	v56 =	vld [tilespmem:$0x220];
	v58 =	vimm.s32 $0x0;
	vm3 =	vlt.u32 v1, v0;
	vm4 =	vlt.u32 v1, v10  }
0x3d5: {  	v54 =	vld [tilespmem:$0x230];
	vm5 =	vlt.u32 v1, v11;
	vm6 =	vlt.u32 v1, v12;
	vm7 =	vlt.u32 v1, v13  }
0x3d6: {  	v57 =	vld [tilespmem:$0x240];
	vm8 =	vlt.u32 v1, v14;
	vm9 =	vlt.u32 v1, v15;
	vm2 =	vlt.u32 v1, v16  }
0x3d7: {  	v51 =	vld [tilespmem:$0x250];
	vm0 =	vlt.u32 v1, v17;
	vm11 =	vlt.u32 v1, v22;
	vm10 =	veq.f32 v2, v44  }
0x3d8: {  	v52 =	vld [tilespmem:$0x260];
	vm1 =	vlt.u32 v1, v18;
	vm13 =	vlt.f32 v2, v44;
	vm10 =	vmand vm11, vm10  }
0x3d9: {  	v50 =	vld [tilespmem:$0x270];
	vm12 =	vlt.u32 v1, v19;
	vm11 =	vlt.u32 v1, v20;
	vm10 =	vmor vm13, vm10  }
0x3da: {  	v49 =	vld [tilespmem:$0x280];
	v1 =	vimm.s32 $0x0;
	vm13 =	veq.f32 v2, v55;
	v3 =	vsel vm10, $0x1, v23  }
0x3db: {  	v47 =	vld [tilespmem:$0x290];
	vm10 =	veq.f32 v2, v53;
	vm3 =	vmand vm3, vm13;
	vm13 =	veq.f32 v2, v56  }
0x3dc: {  	v45 =	vld [tilespmem:$0x2B0];
	vm4 =	vmand vm4, vm10;
	vm10 =	veq.f32 v2, v54;
	vm5 =	vmand vm5, vm13  }
0x3dd: {  	vm13 =	veq.f32 v2, v57;
	vm6 =	vmand vm6, vm10;
	vm10 =	veq.f32 v2, v51  }
0x3de: {  	v46 =	vld [tilespmem:$0x2A0];
	vm7 =	vmand vm7, vm13;
	vm13 =	veq.f32 v2, v52;
	vm8 =	vmand vm8, vm10  }
0x3df: {  	vm10 =	veq.f32 v2, v50;
	vm9 =	vmand vm9, vm13;
	vm13 =	veq.f32 v2, v49  }
0x3e0: {  	vm2 =	vmand vm2, vm10;
	vm10 =	veq.f32 v2, v47;
	vm0 =	vmand vm0, vm13  }
0x3e1: {  	s26 =	simm.s32 $0x1;
	v1 =	vsel vm0, $0xFFFFFFFF, v1;
	vm1 =	vmand vm1, vm10;
	vm10 =	veq.f32 v2, v45  }
0x3e2: {  	v32 =	vmov s26;
	[tilespmem:$0x1FD50] =	vst v1;
	vm15 =	vmand vm11, vm10;
	v1 =	vimm.s32 $0x0  }
0x3e3: {  	v48 =	vadd.s32 v3, v4;
	vm13 =	veq.f32 v2, v46;
	v1 =	vsel vm15, $0xFFFFFFFF, v1  }
0x3e4: {  	v3 =	vimm.s32 $0x0;
	vm12 =	vmand vm12, vm13;
	vm13 =	vlt.f32 v2, v55;
	[tilespmem:$0x1FD60] =	vst v1;
	v1 =	vld [tilespmem:$0x1FD50]  }
0x3e5: {  	vm0 =	vlt.f32 v2, v56;
	vm11 =	vlt.f32 v2, v53;
	vm3 =	vmor vm13, vm3  }
0x3e6: {  	vm13 =	vmor vm0, vm5;
	vm11 =	vmor vm11, vm4;
	vm4 =	vlt.f32 v2, v54  }
0x3e7: {  	vm5 =	vlt.f32 v2, v57;
	vm14 =	vmor vm4, vm6;
	vm4 =	vlt.f32 v2, v51  }
0x3e8: {  	vm15 =	vmor vm5, vm7;
	vm0 =	vmor vm4, vm8;
	vm4 =	vlt.f32 v2, v50  }
0x3e9: {  	vm5 =	vlt.f32 v2, v52;
	vm10 =	vmor vm4, vm2;
	vm4 =	vnez.u8 v1;
	v1 =	vld [tilespmem:$0x1FD60]  }
0x3ea: {  	v6 =	vsel vm3, $0x1, v23;
	v31 =	vsel vm13, $0x1, v23;
	vm9 =	vmor vm5, vm9  }
0x3eb: {  	vm5 =	vlt.f32 v2, v49;
	v27 =	vsel vm11, $0x1, v23;
	v21 =	vsel vm15, $0x1, v23  }
0x3ec: {  	v9 =	vsel vm9, $0x1, v23;
	vm2 =	vlt.f32 v2, v47;
	v25 =	vsel vm0, $0x1, v23  }
0x3ed: {  	vm7 =	vmor vm2, vm1;
	vm1 =	vlt.f32 v2, v46;
	vm4 =	vmor vm5, vm4  }
0x3ee: {  	vm5 =	vmor vm1, vm12;
	vm1 =	vlt.f32 v2, v45;
	vm12 =	vnez.u8 v1  }
0x3ef: {  	s23 =	simm.s32 $0x2;
	v2 =	vimm.s32 $0x0;
	v1 =	vsel vm14, $0x1, v23;
	vm8 =	vmor vm1, vm12  }
.LBB2_11:
0x3f0: {  	vm0 =	vlt.u32 v32, v11;
	v26 =	vimm.s32 $0x0  }
0x3f1: {  	v26 =	vsel vm0, $0xFFFFFFFF, v26  }
0x3f2: {  	vm15 =	vlt.u32 v32, v12;
	[tilespmem:$0x1FC60] =	vst v26;
	v26 =	vimm.s32 $0x0  }
0x3f3: {  	v26 =	vsel vm15, $0xFFFFFFFF, v26  }
0x3f4: {  	vm13 =	vlt.u32 v32, v13;
	[tilespmem:$0x1FC70] =	vst v26;
	v26 =	vimm.s32 $0x0  }
0x3f5: {  	v26 =	vsel vm13, $0xFFFFFFFF, v26  }
0x3f6: {  	vm14 =	vlt.u32 v32, v14;
	[tilespmem:$0x1FC80] =	vst v26;
	v26 =	vimm.s32 $0x0  }
0x3f7: {  	v26 =	vsel vm14, $0xFFFFFFFF, v26  }
0x3f8: {  	vm15 =	vlt.u32 v32, v17;
	[tilespmem:$0x1FC90] =	vst v26;
	v26 =	vimm.s32 $0x0  }
0x3f9: {  	v26 =	vsel vm15, $0xFFFFFFFF, v26  }
0x3fa: {  	vm0 =	vlt.u32 v32, v19;
	[tilespmem:$0x1FCA0] =	vst v26;
	v26 =	vimm.s32 $0x0  }
0x3fb: {  	v26 =	vsel vm0, $0xFFFFFFFF, v26  }
0x3fc: {  	vm0 =	vlt.u32 v32, v20;
	[tilespmem:$0x1FCB0] =	vst v26;
	v26 =	vimm.s32 $0x0  }
0x3fd: {  	v26 =	vsel vm0, $0xFFFFFFFF, v26  }
0x3fe: {  	[tilespmem:$0x1FCC0] =	vst v26;
	v26 =	vld.idx.msk [tilespmem:v32+s20+$0x0], $0xffff;
	_ =	sdelay $0x3  }
0x3ff: {  	v4 =	vadd.s32 v6, v4  }
0x400: {  	v6 =	vsel vm5, $0x1, v23;
	vm6 =	vlt.u32 v32, v22;
	vm5 =	veq.f32 v26, v44  }
0x401: {  	v36 =	vsel vm8, $0x1, v23;
	vm8 =	vlt.f32 v26, v44;
	vm5 =	vmand vm6, vm5  }
0x402: {  	vm5 =	vmor vm8, vm5  }
0x403: {  	v5 =	vadd.s32 v1, v5;
	v1 =	vsel vm5, $0x1, v23  }
0x404: {  	v48 =	vadd.s32 v1, v48;
	v1 =	vld [tilespmem:$0x1FC60];
	_ =	sdelay $0x3  }
0x405: {  	vm12 =	vlt.u32 v32, v10;
	vm9 =	veq.f32 v26, v53  }
0x406: {  	vm6 =	veq.f32 v26, v56;
	vm9 =	vmand vm12, vm9;
	vm12 =	vnez.u8 v1  }
0x407: {  	v1 =	vimm.s32 $0x0;
	vm6 =	vmand vm12, vm6  }
0x408: {  	v1 =	vsel vm6, $0xFFFFFFFF, v1  }
0x409: {  	[tilespmem:$0x1FCD0] =	vst v1;
	v1 =	vld [tilespmem:$0x1FC70];
	_ =	sdelay $0x4  }
0x40a: {  	vm6 =	vnez.u8 v1;
	v1 =	vld [tilespmem:$0x1FC80];
	_ =	sdelay $0x3  }
0x40b: {  	v35 =	vsel vm7, $0x1, v23;
	vm7 =	veq.f32 v26, v54  }
0x40c: {  	vm7 =	vmand vm6, vm7;
	vm6 =	vnez.u8 v1;
	v1 =	vld [tilespmem:$0x1FC90];
	_ =	sdelay $0x3  }
0x40d: {  	v34 =	vsel vm4, $0x1, v23;
	vm8 =	veq.f32 v26, v57  }
0x40e: {  	vm4 =	veq.f32 v26, v51;
	vm8 =	vmand vm6, vm8;
	vm6 =	vnez.u8 v1  }
0x40f: {  	v1 =	vimm.s32 $0x0;
	vm4 =	vmand vm6, vm4  }
0x410: {  	vm13 =	vlt.u32 v32, v15;
	vm5 =	veq.f32 v26, v52;
	v1 =	vsel vm4, $0xFFFFFFFF, v1  }
0x411: {  	vm4 =	vmand vm13, vm5;
	[tilespmem:$0x1FCE0] =	vst v1;
	v1 =	vimm.s32 $0x0  }
0x412: {  	vm14 =	vlt.u32 v32, v16;
	vm3 =	veq.f32 v26, v50;
	v1 =	vsel vm4, $0xFFFFFFFF, v1  }
0x413: {  	vm3 =	vmand vm14, vm3;
	[tilespmem:$0x1FCF0] =	vst v1;
	v1 =	vimm.s32 $0x0  }
0x414: {  	v1 =	vsel vm3, $0xFFFFFFFF, v1  }
0x415: {  	[tilespmem:$0x1FD00] =	vst v1;
	v1 =	vld [tilespmem:$0x1FCA0];
	_ =	sdelay $0x4  }
0x416: {  	vm0 =	veq.f32 v26, v49;
	vm3 =	vnez.u8 v1  }
0x417: {  	v1 =	vimm.s32 $0x0;
	vm0 =	vmand vm3, vm0  }
0x418: {  	vm15 =	vlt.u32 v32, v18;
	vm1 =	veq.f32 v26, v47;
	v1 =	vsel vm0, $0xFFFFFFFF, v1  }
0x419: {  	vm13 =	vmand vm15, vm1;
	[tilespmem:$0x1FD10] =	vst v1;
	v1 =	vimm.s32 $0x0  }
0x41a: {  	v1 =	vsel vm13, $0xFFFFFFFF, v1  }
0x41b: {  	[tilespmem:$0x1FD20] =	vst v1;
	v1 =	vld [tilespmem:$0x1FCB0];
	_ =	sdelay $0x4  }
0x41c: {  	vm2 =	veq.f32 v26, v46;
	vm14 =	vnez.u8 v1  }
0x41d: {  	v1 =	vimm.s32 $0x0;
	vm0 =	vmand vm14, vm2  }
0x41e: {  	v1 =	vsel vm0, $0xFFFFFFFF, v1  }
0x41f: {  	[tilespmem:$0x1FD30] =	vst v1;
	v1 =	vld [tilespmem:$0x1FCC0];
	_ =	sdelay $0x4  }
0x420: {  	vm15 =	vnez.u8 v1;
	v1 =	vld [tilespmem:$0x1FCD0];
	_ =	sdelay $0x2  }
0x421: {  	vm11 =	vlt.u32 v32, v0;
	v33 =	vsel vm10, $0x1, v23;
	vm10 =	veq.f32 v26, v55  }
0x422: {  	vm10 =	vmand vm11, vm10;
	vm12 =	vlt.f32 v26, v55  }
0x423: {  	vm12 =	vmor vm12, vm10;
	vm10 =	vnez.u8 v1;
	v1 =	vld [tilespmem:$0x1FCE0];
	_ =	sdelay $0x2  }
0x424: {  	vm11 =	veq.f32 v26, v45  }
0x425: {  	vm11 =	vmand vm15, vm11;
	vm15 =	vlt.f32 v26, v54  }
0x426: {  	vm15 =	vmor vm15, vm7;
	vm7 =	vnez.u8 v1;
	v1 =	vld [tilespmem:$0x1FCF0];
	_ =	sdelay $0x3  }
0x427: {  	vm1 =	vlt.f32 v26, v51  }
0x428: {  	vm1 =	vmor vm1, vm7;
	vm7 =	vnez.u8 v1;
	v1 =	vld [tilespmem:$0x1FD00];
	_ =	sdelay $0x3  }
0x429: {  	vm2 =	vlt.f32 v26, v52  }
0x42a: {  	vm2 =	vmor vm2, vm7;
	vm7 =	vnez.u8 v1;
	v1 =	vld [tilespmem:$0x1FD10];
	_ =	sdelay $0x3  }
0x42b: {  	vm3 =	vlt.f32 v26, v50;
	vm14 =	vlt.f32 v26, v56  }
0x42c: {  	vm14 =	vmor vm14, vm10;
	vm10 =	vmor vm3, vm7;
	vm3 =	vnez.u8 v1;
	v1 =	vld [tilespmem:$0x1FD20]  }
0x42d: {  	v7 =	vadd.s32 v27, v7;
	v8 =	vadd.s32 v31, v8  }
0x42e: {  	v3 =	vadd.s32 v21, v3;
	v2 =	vadd.s32 v25, v2;
	v63 =	vadd.s32 v9, v63  }
0x42f: {  	v62 =	vadd.s32 v33, v62;
	v61 =	vadd.s32 v34, v61;
	v60 =	vadd.s32 v35, v60  }
0x430: {  	v59 =	vadd.s32 v6, v59;
	v58 =	vadd.s32 v36, v58;
	vm4 =	vlt.f32 v26, v49  }
0x431: {  	v32 =	vmov s23;
	vm4 =	vmor vm4, vm3;
	vm3 =	vnez.u8 v1;
	v1 =	vld [tilespmem:$0x1FD30]  }
0x432: {  	p0 =	sne.s32 s23, $0xC3;
	v6 =	vsel vm12, $0x1, v23;
	vm6 =	vlt.f32 v26, v46;
	vm13 =	vlt.f32 v26, v53  }
.Ltmp7:
0x433: {  	vm5 =	vlt.f32 v26, v47;
	vm9 =	vmor vm13, vm9;
	vm0 =	vlt.f32 v26, v57;
	(pc) =	sbr.rel @p0 .LBB2_11-.Ltmp7, $4  }
0x434: {  	vm13 =	vlt.f32 v26, v45;
	v27 =	vsel vm9, $0x1, v23;
	vm0 =	vmor vm0, vm8  }
0x435: {  	v21 =	vsel vm0, $0x1, v23;
	vm8 =	vmor vm13, vm11;
	v31 =	vsel vm14, $0x1, v23  }
0x436: {  	v25 =	vsel vm1, $0x1, v23;
	vm7 =	vmor vm5, vm3;
	vm3 =	vnez.u8 v1  }
0x437: {  	s23 =	sadd.s32 $0x1, s23;
	v9 =	vsel vm2, $0x1, v23;
	v1 =	vsel vm15, $0x1, v23;
	vm5 =	vmor vm6, vm3  }
.Ltmp8:
0x438: {  	_ = 	snop;
	(pc) =	sbr.rel .LBB2_12-.Ltmp8, $1  }
0x439: {  	_ =	sdelay $0x3  }
.LBB2_14:
0x43a: {  	_ =	sfence.sel $0x180000  }
0x43b: {  	[bflag:$0x0] =	sbarrier.arrive $0xFFFF  }
0x43c: {  	_ =	strace $0x90000047  }
0x43d: {  	s0 =	stileid.u32;
	[bflag:$0x2] =	sbarrier.arrive $0xFFFF  }
0x43e: {  	p0 =	sne.s32 s0, $0x0;
	s0 =	rddreg [dreg:$0x5]  }
0x43f: {  	s0 =	sadd.s32 @!p0 $0x100000, s0  }
0x440: {  	[sflag:s0] =	ssyncadd.tile.s32 @!p0 $0x1;
	_ =	shalt  }
.Lfunc_end2:
_tile_overlayer_lowered:
.L_overlay_start_2:
0x441: {  	(tag) =	ssettag $0x2  }
0x442: {  	s0 =	rddreg [dreg:$0x0];
	s2 =	stileid.u32  }
0x443: {  	s1 =	rddreg [dreg:$0x1];
	p0 =	sne.s32 s2, $0x0  }
0x444: {  	s3 =	rddreg [dreg:$0x2];
	[bflag:$0x3] =	sbarrier.arrive $0xFFFF;
	s2 =	simm.s32 @!p0 $0x1C05  }
0x445: {  	[timem:s3], [sflag:s2] =	dma.local @!p0 [hbm:s0], s1  }
0x446: {  	s0 =	simm.s32 @!p0 $0x5  }
0x447: {  	_ =	swait.ge @!p0 [sflag:s0], s1  }
0x448: {  	s1 =	ssub.s32 @!p0 $0x0, s1;
	[sflag:s0] =	ssyncset.done @!p0 $0x0  }
0x449: {  	[sflag:s0] =	ssyncadd.s32 @!p0 s1  }
0x44a: {  	[bflag:$0x3] =	sbarrier.arrive $0xFFFF  }
0x44b: {  	_ =	shalt  }

</sc_bundles>
